<compile_context>
chip_gen: v7x
topology: tpu7x:2x2x1
jax: 0.10.2.dev20260603
libtpu: 0.0.44.dev20260713+nightly
codegen_flags: <defaults>
</compile_context>

<pallas_src>
import functools

import jax
import jax.numpy as jnp
from jax import lax
from jax.experimental import pallas as pl
from jax.experimental.pallas import tpu as pltpu
from jax.experimental.pallas import tpu_sc as plsc

NC = 2
NS = 16
NW = NC * NS

CH = 64
GRP = 8


def _sc_aggregate(x, srcs, dsts, n_chunks, n_pad, d, rows_per_tile):
    mesh = plsc.VectorSubcoreMesh(core_axis_name="c", subcore_axis_name="s")
    n_seg2 = n_chunks // (2 * GRP)

    @functools.partial(
        pl.kernel,
        mesh=mesh,
        out_type=(
            jax.ShapeDtypeStruct((NC, n_pad, d), jnp.float32),
            jax.ShapeDtypeStruct((NC * n_pad,), jnp.float32),
        ),
        scratch_types=[
            pltpu.VMEM((GRP, CH), jnp.int32),
            pltpu.VMEM((GRP, CH), jnp.int32),
            pltpu.VMEM((GRP, CH), jnp.int32),
            pltpu.VMEM((GRP, CH), jnp.int32),
            pltpu.VMEM((CH, 128), jnp.float32),
            pltpu.VMEM((CH, 128), jnp.float32),
            pltpu.VMEM((CH, 128), jnp.float32),
            pltpu.VMEM((CH, 128), jnp.float32),
            pltpu.VMEM((CH,), jnp.float32),
            pltpu.VMEM_SHARED((n_pad, 128), jnp.float32),
            pltpu.VMEM_SHARED((n_pad,), jnp.float32),
            pltpu.SemaphoreType.DMA,
            pltpu.SemaphoreType.DMA,
            pltpu.SemaphoreType.DMA,
            pltpu.SemaphoreType.DMA,
            pltpu.SemaphoreType.DMA,
            pltpu.SemaphoreType.DMA,
            pltpu.SemaphoreType.DMA,
            pltpu.SemaphoreType.DMA,
            pltpu.SemaphoreType.DMA,
            pltpu.SemaphoreType.DMA,
            pltpu.SemaphoreType.DMA,
            pltpu.SemaphoreType.DMA,
        ],
    )
    def body(x_hbm, srcs_hbm, dsts_hbm, parts_hbm, cnts_hbm,
             src0, dst0, src1, dst1, buf_a, buf_b, buf_c, buf_d,
             ones_v, acc, cnt_acc,
             sem_ga, sem_gb, sem_gc, sem_gd,
             sem_sa, sem_sb, sem_sc, sem_sd, sem_i0, sem_i1,
             sem_c0, sem_c1):
        cid = lax.axis_index("c")
        sid = lax.axis_index("s")
        wid = sid * NC + cid

        src_b = (src0, src1)
        dst_b = (dst0, dst1)
        sem_i = (sem_i0, sem_i1)
        bufs = (buf_a, buf_b, buf_c, buf_d)
        gsem = (sem_ga, sem_gb, sem_gc, sem_gd)
        ssem = (sem_sa, sem_sb, sem_sc, sem_sd)
        csem = (sem_c0, sem_c1)

        z16 = jnp.zeros((16,), jnp.float32)
        o16 = jnp.ones((16,), jnp.float32)
        for i in range(CH // 16):
            ones_v[pl.ds(i * 16, 16)] = o16

        def zrow(r, carry):
            for i in range(128 // 16):
                buf_a[r, pl.ds(i * 16, 16)] = z16
            return carry

        lax.fori_loop(0, CH, zrow, 0)

        row0 = sid * rows_per_tile
        for r in range(rows_per_tile // CH):
            pltpu.sync_copy(buf_a, acc.at[pl.ds(row0 + r * CH, CH)])
        for r in range(rows_per_tile // 128):
            pltpu.sync_copy(buf_a.at[0],
                            cnt_acc.at[pl.ds(row0 + r * 128, 128)])
        plsc.subcore_barrier()

        def stage_start(seg, bank):
            pltpu.make_async_copy(
                srcs_hbm.at[wid, pl.ds(seg * GRP, GRP)], src_b[bank],
                sem_i[bank]).start()
            pltpu.make_async_copy(
                dsts_hbm.at[wid, pl.ds(seg * GRP, GRP)], dst_b[bank],
                sem_i[bank]).start()

        def stage_wait(seg, bank):
            pltpu.make_async_copy(
                srcs_hbm.at[wid, pl.ds(seg * GRP, GRP)], src_b[bank],
                sem_i[bank]).wait()
            pltpu.make_async_copy(
                dsts_hbm.at[wid, pl.ds(seg * GRP, GRP)], dst_b[bank],
                sem_i[bank]).wait()

        def g_start(bank, row, db):
            pltpu.make_async_copy(
                x_hbm.at[src_b[bank].at[row]], bufs[db], gsem[db]).start()

        def g_wait(bank, row, db):
            pltpu.make_async_copy(
                x_hbm.at[src_b[bank].at[row]], bufs[db], gsem[db]).wait()

        def s_start(bank, row, db):
            pltpu.async_copy(
                bufs[db], acc.at[dst_b[bank].at[row]], ssem[db], add=True)

        def s_wait(bank, row, db):
            pltpu.make_async_copy(
                bufs[db], acc.at[dst_b[bank].at[row]], ssem[db]).wait()

        def cnt_start(bank, row):
            pltpu.async_copy(
                ones_v, cnt_acc.at[dst_b[bank].at[row]], csem[bank],
                add=True)

        def cnt_wait(bank, row):
            pltpu.make_async_copy(
                ones_v, cnt_acc.at[dst_b[bank].at[row]], csem[bank]).wait()

        stage_start(0, 0)
        stage_wait(0, 0)
        g_start(0, 0, 0)
        g_start(0, 1, 1)

        def seg_pair(g2, carry):
            for k in range(2 * GRP):
                bank = k // GRP
                b = k % GRP
                db = k % 4

                g_wait(bank, b, db)
                s_start(bank, b, db)

                if k <= 1:
                    @pl.when(g2 > 0)
                    def _():
                        s_wait(1, GRP - 2 + k, (k + 2) % 4)
                else:
                    j = k - 2
                    s_wait(j // GRP, j % GRP, j % 4)

                if k == 2:
                    @pl.when(g2 > 0)
                    def _():
                        for r in range(GRP):
                            cnt_wait(1, r)

                    stage_start(2 * g2 + 1, 1)
                elif k == GRP + 2:
                    for r in range(GRP):
                        cnt_wait(0, r)

                    @pl.when(g2 < n_seg2 - 1)
                    def _():
                        stage_start(2 * g2 + 2, 0)

                cnt_start(bank, b)

                jn = k + 2
                if jn < GRP:
                    g_start(0, jn, jn % 4)
                elif jn == GRP:
                    stage_wait(2 * g2 + 1, 1)
                    g_start(1, 0, jn % 4)
                elif jn < 2 * GRP:
                    g_start(1, jn - GRP, jn % 4)
                elif jn == 2 * GRP:
                    @pl.when(g2 < n_seg2 - 1)
                    def _():
                        stage_wait(2 * g2 + 2, 0)
                        g_start(0, 0, jn % 4)
                else:
                    @pl.when(g2 < n_seg2 - 1)
                    def _():
                        g_start(0, 1, jn % 4)

            return carry

        lax.fori_loop(0, n_seg2, seg_pair, 0)

        s_wait(1, GRP - 2, (2 * GRP - 2) % 4)
        s_wait(1, GRP - 1, (2 * GRP - 1) % 4)
        for r in range(GRP):
            cnt_wait(1, r)

        plsc.subcore_barrier()
        pltpu.sync_copy(acc.at[pl.ds(row0, rows_per_tile)],
                        parts_hbm.at[cid, pl.ds(row0, rows_per_tile)])
        pltpu.sync_copy(cnt_acc.at[pl.ds(row0, rows_per_tile)],
                        cnts_hbm.at[pl.ds(cid * n_pad + row0, rows_per_tile)])

    return body(x, srcs, dsts)


def _tc_right(x, W_r):

    def body(x_ref, wr_ref, o_ref):
        o_ref[...] = jnp.dot(x_ref[...], wr_ref[...],
                             preferred_element_type=jnp.float32,
                             precision=lax.Precision.HIGHEST)

    return pl.pallas_call(
        body,
        out_shape=jax.ShapeDtypeStruct(x.shape, jnp.float32),
    )(x, W_r)


def _tc_combine(parts, cnts, xr, W_l, b2, n, d):

    def body(p_ref, c_ref, xr_ref, wl_ref, b_ref, o_ref):
        p = p_ref[0, :n] + p_ref[1, :n]
        n_pad = c_ref.shape[0] // 2
        c = c_ref[:n_pad] + c_ref[n_pad:]
        c2 = jnp.maximum(c[:n], 1.0).reshape(n, 1)
        mean = p / c2
        acc = jnp.dot(mean, wl_ref[...], preferred_element_type=jnp.float32,
                      precision=lax.Precision.HIGHEST)
        o_ref[...] = jnp.maximum(acc + xr_ref[...] + b_ref[...], 0.0)

    return pl.pallas_call(
        body,
        out_shape=jax.ShapeDtypeStruct((n, d), jnp.float32),
    )(parts, cnts, xr, W_l, b2)


def kernel(x, edge_index, W_l, b_l, W_r):
    n, d = x.shape
    e = edge_index.shape[1]
    rows_per_tile = -(-(n + 1) // (NS * CH)) * CH
    n_pad = rows_per_tile * NS

    n_chunks = -(-e // (NW * CH))
    n_chunks = -(-n_chunks // (2 * GRP)) * (2 * GRP)
    e_pad = NW * CH * n_chunks
    npd = e_pad - e
    pad_src = (jnp.arange(npd, dtype=jnp.int32) * 37) % n
    pad_dst = n + (jnp.arange(npd, dtype=jnp.int32) % (n_pad - n))
    src = jnp.concatenate([edge_index[0], pad_src]).reshape(NW, n_chunks, CH)
    dst = jnp.concatenate([edge_index[1], pad_dst]).reshape(NW, n_chunks, CH)

    parts, cnts = _sc_aggregate(x, src, dst, n_chunks, n_pad, d,
                                rows_per_tile)
    xr = _tc_right(x, W_r)

    b2 = b_l.reshape(1, d)
    return _tc_combine(parts, cnts, xr, W_l, b2, n, d)

# --- scband reference (transcript-rebuilt; emitter-appended) ---
"""Pipeline reference for scband-gnnblock-88304527606467 (READ-ONLY COPY).

The authoritative reference and input builder live on the scoring server;
editing this copy changes nothing except your own understanding.
"""

import jax, jax.numpy as jnp
import numpy as np

N = 10000
E = 320000
D = 128

def setup_inputs(seed: int = 0) -> dict:
    key = jax.random.key(seed)
    k1, k2, k3, k4, k5 = jax.random.split(key, 5)
    x = jax.random.normal(k1, (N, D), dtype=jnp.float32)
    edge_index = jax.random.randint(k2, (2, E), 0, N, dtype=jnp.int32)
    s = 1.0 / np.sqrt(D)
    W_l = jax.random.uniform(k3, (D, D), dtype=jnp.float32, minval=-s, maxval=s)
    b_l = jnp.zeros((D,), dtype=jnp.float32)
    W_r = jax.random.uniform(k4, (D, D), dtype=jnp.float32, minval=-s, maxval=s)
    return {"x": x, "edge_index": edge_index, "W_l": W_l, "b_l": b_l, "W_r": W_r}

def reference(x, edge_index, W_l, b_l, W_r):
    # PyG SAGEConv (mean aggregation) followed by ReLU (GNNBlock act)
    src = edge_index[0]
    dst = edge_index[1]
    msg = x[src]                                   # gather: [E, D]
    agg = jax.ops.segment_sum(msg, dst, num_segments=N)          # scatter-add
    cnt = jax.ops.segment_sum(jnp.ones((E,), jnp.float32), dst, num_segments=N)
    mean = agg / jnp.clip(cnt, 1.0)[:, None]       # mean aggregation
    out = mean @ W_l + b_l + x @ W_r               # lin_l(aggr) + lin_r(x)
    return jax.nn.relu(out)

if __name__ == "__main__":
    import jax
    _d = setup_inputs()
    print(jax.jit(kernel)(*tuple(_d.values())))

</pallas_src>

<mosaic_0001>
#map = affine_map<(d0, d1) -> (0, 0)>
#map1 = affine_map<(d0, d1) -> (0, 0, 0)>
#map2 = affine_map<(d0, d1) -> (0)>
module attributes {stable_mosaic.version = 14 : i64} {
  func.func @body(%arg0: i32, %arg1: i32, %arg2: memref<10000x128xf32, #tpu.memory_space<hbm>>, %arg3: memref<32x160x64xi32, #tpu.memory_space<hbm>>, %arg4: memref<32x160x64xi32, #tpu.memory_space<hbm>>, %arg5: memref<2x10240x128xf32, #tpu.memory_space<hbm>>, %arg6: memref<20480xf32, #tpu.memory_space<hbm>>, %arg7: memref<8x64xi32, #tpu.memory_space<vmem>>, %arg8: memref<8x64xi32, #tpu.memory_space<vmem>>, %arg9: memref<8x64xi32, #tpu.memory_space<vmem>>, %arg10: memref<8x64xi32, #tpu.memory_space<vmem>>, %arg11: memref<64x128xf32, #tpu.memory_space<vmem>>, %arg12: memref<64x128xf32, #tpu.memory_space<vmem>>, %arg13: memref<64x128xf32, #tpu.memory_space<vmem>>, %arg14: memref<64x128xf32, #tpu.memory_space<vmem>>, %arg15: memref<64xf32, #tpu.memory_space<vmem>>, %arg16: memref<10240x128xf32, #tpu.memory_space<vmem_shared>>, %arg17: memref<10240xf32, #tpu.memory_space<vmem_shared>>, %arg18: memref<!tpu.dma_semaphore, #tpu.memory_space<semaphore_mem>>, %arg19: memref<!tpu.dma_semaphore, #tpu.memory_space<semaphore_mem>>, %arg20: memref<!tpu.dma_semaphore, #tpu.memory_space<semaphore_mem>>, %arg21: memref<!tpu.dma_semaphore, #tpu.memory_space<semaphore_mem>>, %arg22: memref<!tpu.dma_semaphore, #tpu.memory_space<semaphore_mem>>, %arg23: memref<!tpu.dma_semaphore, #tpu.memory_space<semaphore_mem>>, %arg24: memref<!tpu.dma_semaphore, #tpu.memory_space<semaphore_mem>>, %arg25: memref<!tpu.dma_semaphore, #tpu.memory_space<semaphore_mem>>, %arg26: memref<!tpu.dma_semaphore, #tpu.memory_space<semaphore_mem>>, %arg27: memref<!tpu.dma_semaphore, #tpu.memory_space<semaphore_mem>>, %arg28: memref<!tpu.dma_semaphore, #tpu.memory_space<semaphore_mem>>, %arg29: memref<!tpu.dma_semaphore, #tpu.memory_space<semaphore_mem>>) attributes {dimension_semantics = [#tpu.dimension_semantics<core_parallel>, #tpu.dimension_semantics<subcore_parallel>], iteration_bounds = array<i64: 2, 16>, scalar_prefetch = 0 : i64, scratch_operands = 23 : i64, tpu.core_type = #tpu.core_type<sc_vector_subcore>, window_params = [{transform_indices = #map}, {transform_indices = #map1}, {transform_indices = #map1}, {transform_indices = #map1}, {transform_indices = #map2}]} {
    %mul3A = arith.constant 2 : i32
    %mul3A_0 = arith.muli %arg1, %mul3A : i32
    %add3A = arith.addi %mul3A_0, %arg0 : i32
    %broadcast_in_dim3A = arith.constant 0.000000e+00 : f32
    %broadcast_in_dim3A_1 = vector.broadcast %broadcast_in_dim3A : f32 to vector<16xf32>
    %broadcast_in_dim3A_2 = arith.constant 1.000000e+00 : f32
    %broadcast_in_dim3A_3 = vector.broadcast %broadcast_in_dim3A_2 : f32 to vector<16xf32>
    %swap3A = arith.constant 0 : index
    %swap3A_4 = tpu.vector_load %arg15[%swap3A] {strides = array<i32>} : memref<64xf32, #tpu.memory_space<vmem>>, vector<16xf32>,
    %swap3A_5 = vector.shape_cast %swap3A_4 : vector<16xf32> to vector<16xf32>
    %swap3A_6 = vector.shape_cast %broadcast_in_dim3A_3 : vector<16xf32> to vector<16xf32>
    tpu.vector_store %arg15[%swap3A], %swap3A_6 {strides = array<i32>} : memref<64xf32, #tpu.memory_space<vmem>>, vector<16xf32>,
    %swap3A_7 = arith.constant 16 : index
    %swap3A_8 = tpu.vector_load %arg15[%swap3A_7] {strides = array<i32>} : memref<64xf32, #tpu.memory_space<vmem>>, vector<16xf32>,
    %swap3A_9 = vector.shape_cast %swap3A_8 : vector<16xf32> to vector<16xf32>
    %swap3A_10 = vector.shape_cast %broadcast_in_dim3A_3 : vector<16xf32> to vector<16xf32>
    tpu.vector_store %arg15[%swap3A_7], %swap3A_10 {strides = array<i32>} : memref<64xf32, #tpu.memory_space<vmem>>, vector<16xf32>,
    %swap3A_11 = arith.constant 32 : index
    %swap3A_12 = tpu.vector_load %arg15[%swap3A_11] {strides = array<i32>} : memref<64xf32, #tpu.memory_space<vmem>>, vector<16xf32>,
    %swap3A_13 = vector.shape_cast %swap3A_12 : vector<16xf32> to vector<16xf32>
    %swap3A_14 = vector.shape_cast %broadcast_in_dim3A_3 : vector<16xf32> to vector<16xf32>
    tpu.vector_store %arg15[%swap3A_11], %swap3A_14 {strides = array<i32>} : memref<64xf32, #tpu.memory_space<vmem>>, vector<16xf32>,
    %swap3A_15 = arith.constant 48 : index
    %swap3A_16 = tpu.vector_load %arg15[%swap3A_15] {strides = array<i32>} : memref<64xf32, #tpu.memory_space<vmem>>, vector<16xf32>,
    %swap3A_17 = vector.shape_cast %swap3A_16 : vector<16xf32> to vector<16xf32>
    %swap3A_18 = vector.shape_cast %broadcast_in_dim3A_3 : vector<16xf32> to vector<16xf32>
    tpu.vector_store %arg15[%swap3A_15], %swap3A_18 {strides = array<i32>} : memref<64xf32, #tpu.memory_space<vmem>>, vector<16xf32>,
    %scan3A = arith.constant 0 : i32
    %scan3A_19 = arith.constant 0 : i32
    %scan3A_20 = arith.constant 64 : i32
    %scan3A_21 = arith.addi %scan3A_19, %scan3A_20 : i32
    %scan3A_22 = arith.constant 1 : i32
    scf.for %scan3A_176 = %scan3A_19 to %scan3A_21 step %scan3A_22  : i32 {
      %swap3A_177 = arith.index_cast %scan3A_176 : i32 to index
      %swap3A_178 = arith.constant 0 : index
      %swap3A_179 = tpu.vector_load %arg11[%swap3A_177, %swap3A_178] {strides = array<i32>} : memref<64x128xf32, #tpu.memory_space<vmem>>, vector<1x16xf32>,
      %swap3A_180 = vector.shape_cast %swap3A_179 : vector<1x16xf32> to vector<16xf32>
      %swap3A_181 = vector.shape_cast %broadcast_in_dim3A_1 : vector<16xf32> to vector<1x16xf32>
      tpu.vector_store %arg11[%swap3A_177, %swap3A_178], %swap3A_181 {strides = array<i32>} : memref<64x128xf32, #tpu.memory_space<vmem>>, vector<1x16xf32>,
      %swap3A_182 = arith.index_cast %scan3A_176 : i32 to index
      %swap3A_183 = arith.constant 16 : index
      %swap3A_184 = tpu.vector_load %arg11[%swap3A_182, %swap3A_183] {strides = array<i32>} : memref<64x128xf32, #tpu.memory_space<vmem>>, vector<1x16xf32>,
      %swap3A_185 = vector.shape_cast %swap3A_184 : vector<1x16xf32> to vector<16xf32>
      %swap3A_186 = vector.shape_cast %broadcast_in_dim3A_1 : vector<16xf32> to vector<1x16xf32>
      tpu.vector_store %arg11[%swap3A_182, %swap3A_183], %swap3A_186 {strides = array<i32>} : memref<64x128xf32, #tpu.memory_space<vmem>>, vector<1x16xf32>,
      %swap3A_187 = arith.index_cast %scan3A_176 : i32 to index
      %swap3A_188 = arith.constant 32 : index
      %swap3A_189 = tpu.vector_load %arg11[%swap3A_187, %swap3A_188] {strides = array<i32>} : memref<64x128xf32, #tpu.memory_space<vmem>>, vector<1x16xf32>,
      %swap3A_190 = vector.shape_cast %swap3A_189 : vector<1x16xf32> to vector<16xf32>
      %swap3A_191 = vector.shape_cast %broadcast_in_dim3A_1 : vector<16xf32> to vector<1x16xf32>
      tpu.vector_store %arg11[%swap3A_187, %swap3A_188], %swap3A_191 {strides = array<i32>} : memref<64x128xf32, #tpu.memory_space<vmem>>, vector<1x16xf32>,
      %swap3A_192 = arith.index_cast %scan3A_176 : i32 to index
      %swap3A_193 = arith.constant 48 : index
      %swap3A_194 = tpu.vector_load %arg11[%swap3A_192, %swap3A_193] {strides = array<i32>} : memref<64x128xf32, #tpu.memory_space<vmem>>, vector<1x16xf32>,
      %swap3A_195 = vector.shape_cast %swap3A_194 : vector<1x16xf32> to vector<16xf32>
      %swap3A_196 = vector.shape_cast %broadcast_in_dim3A_1 : vector<16xf32> to vector<1x16xf32>
      tpu.vector_store %arg11[%swap3A_192, %swap3A_193], %swap3A_196 {strides = array<i32>} : memref<64x128xf32, #tpu.memory_space<vmem>>, vector<1x16xf32>,
      %swap3A_197 = arith.index_cast %scan3A_176 : i32 to index
      %swap3A_198 = arith.constant 64 : index
      %swap3A_199 = tpu.vector_load %arg11[%swap3A_197, %swap3A_198] {strides = array<i32>} : memref<64x128xf32, #tpu.memory_space<vmem>>, vector<1x16xf32>,
      %swap3A_200 = vector.shape_cast %swap3A_199 : vector<1x16xf32> to vector<16xf32>
      %swap3A_201 = vector.shape_cast %broadcast_in_dim3A_1 : vector<16xf32> to vector<1x16xf32>
      tpu.vector_store %arg11[%swap3A_197, %swap3A_198], %swap3A_201 {strides = array<i32>} : memref<64x128xf32, #tpu.memory_space<vmem>>, vector<1x16xf32>,
      %swap3A_202 = arith.index_cast %scan3A_176 : i32 to index
      %swap3A_203 = arith.constant 80 : index
      %swap3A_204 = tpu.vector_load %arg11[%swap3A_202, %swap3A_203] {strides = array<i32>} : memref<64x128xf32, #tpu.memory_space<vmem>>, vector<1x16xf32>,
      %swap3A_205 = vector.shape_cast %swap3A_204 : vector<1x16xf32> to vector<16xf32>
      %swap3A_206 = vector.shape_cast %broadcast_in_dim3A_1 : vector<16xf32> to vector<1x16xf32>
      tpu.vector_store %arg11[%swap3A_202, %swap3A_203], %swap3A_206 {strides = array<i32>} : memref<64x128xf32, #tpu.memory_space<vmem>>, vector<1x16xf32>,
      %swap3A_207 = arith.index_cast %scan3A_176 : i32 to index
      %swap3A_208 = arith.constant 96 : index
      %swap3A_209 = tpu.vector_load %arg11[%swap3A_207, %swap3A_208] {strides = array<i32>} : memref<64x128xf32, #tpu.memory_space<vmem>>, vector<1x16xf32>,
      %swap3A_210 = vector.shape_cast %swap3A_209 : vector<1x16xf32> to vector<16xf32>
      %swap3A_211 = vector.shape_cast %broadcast_in_dim3A_1 : vector<16xf32> to vector<1x16xf32>
      tpu.vector_store %arg11[%swap3A_207, %swap3A_208], %swap3A_211 {strides = array<i32>} : memref<64x128xf32, #tpu.memory_space<vmem>>, vector<1x16xf32>,
      %swap3A_212 = arith.index_cast %scan3A_176 : i32 to index
      %swap3A_213 = arith.constant 112 : index
      %swap3A_214 = tpu.vector_load %arg11[%swap3A_212, %swap3A_213] {strides = array<i32>} : memref<64x128xf32, #tpu.memory_space<vmem>>, vector<1x16xf32>,
      %swap3A_215 = vector.shape_cast %swap3A_214 : vector<1x16xf32> to vector<16xf32>
      %swap3A_216 = vector.shape_cast %broadcast_in_dim3A_1 : vector<16xf32> to vector<1x16xf32>
      tpu.vector_store %arg11[%swap3A_212, %swap3A_213], %swap3A_216 {strides = array<i32>} : memref<64x128xf32, #tpu.memory_space<vmem>>, vector<1x16xf32>,
    }
    %scan3A_23 = arith.constant 64 : i32
    %mul3A_24 = arith.constant 640 : i32
    %mul3A_25 = arith.muli %arg1, %mul3A_24 : i32
    %add3A_26 = arith.constant 0 : i32
    %add3A_27 = arith.addi %mul3A_25, %add3A_26 : i32
    "tpu.region"() ({
      %run_scoped3A_176 = tpu.sem_alloc : memref<!tpu.dma_semaphore, #tpu.memory_space<semaphore_mem>>
      %dma_start3A_177 = arith.constant 0 : i32
      %dma_start3A_178 = tpu.memref_slice %arg16[%add3A_27, %dma_start3A_177] : memref<10240x128xf32, #tpu.memory_space<vmem_shared>> -> memref<64x128xf32, #tpu.memory_space<vmem_shared>>
      %dma_start3A_179 = arith.constant 0 : i32
      %dma_start3A_180 = tpu.memref_slice %arg16[%add3A_27, %dma_start3A_179] : memref<10240x128xf32, #tpu.memory_space<vmem_shared>> -> memref<64x128xf32, #tpu.memory_space<vmem_shared>>
      tpu.enqueue_dma source(%arg11 : memref<64x128xf32, #tpu.memory_space<vmem>>) target(%dma_start3A_180 : memref<64x128xf32, #tpu.memory_space<vmem_shared>>) target_semaphore(%run_scoped3A_176 : memref<!tpu.dma_semaphore, #tpu.memory_space<semaphore_mem>>)
      %dma_wait3A_181 = arith.constant 0 : i32
      %dma_wait3A_182 = tpu.memref_slice %arg16[%add3A_27, %dma_wait3A_181] : memref<10240x128xf32, #tpu.memory_space<vmem_shared>> -> memref<64x128xf32, #tpu.memory_space<vmem_shared>>
      %dma_wait3A_183 = arith.constant 0 : i32
      %dma_wait3A_184 = tpu.memref_slice %arg16[%add3A_27, %dma_wait3A_183] : memref<10240x128xf32, #tpu.memory_space<vmem_shared>> -> memref<64x128xf32, #tpu.memory_space<vmem_shared>>
      tpu.wait_dma2 semaphore(%run_scoped3A_176 : memref<!tpu.dma_semaphore, #tpu.memory_space<semaphore_mem>>) src(%arg11 : memref<64x128xf32, #tpu.memory_space<vmem>>) dst(%dma_wait3A_184 : memref<64x128xf32, #tpu.memory_space<vmem_shared>>)
      tpu.yield
    }) : () -> ()
    %add3A_28 = arith.constant 64 : i32
    %add3A_29 = arith.addi %mul3A_25, %add3A_28 : i32
    "tpu.region"() ({
      %run_scoped3A_176 = tpu.sem_alloc : memref<!tpu.dma_semaphore, #tpu.memory_space<semaphore_mem>>
      %dma_start3A_177 = arith.constant 0 : i32
      %dma_start3A_178 = tpu.memref_slice %arg16[%add3A_29, %dma_start3A_177] : memref<10240x128xf32, #tpu.memory_space<vmem_shared>> -> memref<64x128xf32, #tpu.memory_space<vmem_shared>>
      %dma_start3A_179 = arith.constant 0 : i32
      %dma_start3A_180 = tpu.memref_slice %arg16[%add3A_29, %dma_start3A_179] : memref<10240x128xf32, #tpu.memory_space<vmem_shared>> -> memref<64x128xf32, #tpu.memory_space<vmem_shared>>
      tpu.enqueue_dma source(%arg11 : memref<64x128xf32, #tpu.memory_space<vmem>>) target(%dma_start3A_180 : memref<64x128xf32, #tpu.memory_space<vmem_shared>>) target_semaphore(%run_scoped3A_176 : memref<!tpu.dma_semaphore, #tpu.memory_space<semaphore_mem>>)
      %dma_wait3A_181 = arith.constant 0 : i32
      %dma_wait3A_182 = tpu.memref_slice %arg16[%add3A_29, %dma_wait3A_181] : memref<10240x128xf32, #tpu.memory_space<vmem_shared>> -> memref<64x128xf32, #tpu.memory_space<vmem_shared>>
      %dma_wait3A_183 = arith.constant 0 : i32
      %dma_wait3A_184 = tpu.memref_slice %arg16[%add3A_29, %dma_wait3A_183] : memref<10240x128xf32, #tpu.memory_space<vmem_shared>> -> memref<64x128xf32, #tpu.memory_space<vmem_shared>>
      tpu.wait_dma2 semaphore(%run_scoped3A_176 : memref<!tpu.dma_semaphore, #tpu.memory_space<semaphore_mem>>) src(%arg11 : memref<64x128xf32, #tpu.memory_space<vmem>>) dst(%dma_wait3A_184 : memref<64x128xf32, #tpu.memory_space<vmem_shared>>)
      tpu.yield
    }) : () -> ()
    %add3A_30 = arith.constant 128 : i32
    %add3A_31 = arith.addi %mul3A_25, %add3A_30 : i32
    "tpu.region"() ({
      %run_scoped3A_176 = tpu.sem_alloc : memref<!tpu.dma_semaphore, #tpu.memory_space<semaphore_mem>>
      %dma_start3A_177 = arith.constant 0 : i32
      %dma_start3A_178 = tpu.memref_slice %arg16[%add3A_31, %dma_start3A_177] : memref<10240x128xf32, #tpu.memory_space<vmem_shared>> -> memref<64x128xf32, #tpu.memory_space<vmem_shared>>
      %dma_start3A_179 = arith.constant 0 : i32
      %dma_start3A_180 = tpu.memref_slice %arg16[%add3A_31, %dma_start3A_179] : memref<10240x128xf32, #tpu.memory_space<vmem_shared>> -> memref<64x128xf32, #tpu.memory_space<vmem_shared>>
      tpu.enqueue_dma source(%arg11 : memref<64x128xf32, #tpu.memory_space<vmem>>) target(%dma_start3A_180 : memref<64x128xf32, #tpu.memory_space<vmem_shared>>) target_semaphore(%run_scoped3A_176 : memref<!tpu.dma_semaphore, #tpu.memory_space<semaphore_mem>>)
      %dma_wait3A_181 = arith.constant 0 : i32
      %dma_wait3A_182 = tpu.memref_slice %arg16[%add3A_31, %dma_wait3A_181] : memref<10240x128xf32, #tpu.memory_space<vmem_shared>> -> memref<64x128xf32, #tpu.memory_space<vmem_shared>>
      %dma_wait3A_183 = arith.constant 0 : i32
      %dma_wait3A_184 = tpu.memref_slice %arg16[%add3A_31, %dma_wait3A_183] : memref<10240x128xf32, #tpu.memory_space<vmem_shared>> -> memref<64x128xf32, #tpu.memory_space<vmem_shared>>
      tpu.wait_dma2 semaphore(%run_scoped3A_176 : memref<!tpu.dma_semaphore, #tpu.memory_space<semaphore_mem>>) src(%arg11 : memref<64x128xf32, #tpu.memory_space<vmem>>) dst(%dma_wait3A_184 : memref<64x128xf32, #tpu.memory_space<vmem_shared>>)
      tpu.yield
    }) : () -> ()
    %add3A_32 = arith.constant 192 : i32
    %add3A_33 = arith.addi %mul3A_25, %add3A_32 : i32
    "tpu.region"() ({
      %run_scoped3A_176 = tpu.sem_alloc : memref<!tpu.dma_semaphore, #tpu.memory_space<semaphore_mem>>
      %dma_start3A_177 = arith.constant 0 : i32
      %dma_start3A_178 = tpu.memref_slice %arg16[%add3A_33, %dma_start3A_177] : memref<10240x128xf32, #tpu.memory_space<vmem_shared>> -> memref<64x128xf32, #tpu.memory_space<vmem_shared>>
      %dma_start3A_179 = arith.constant 0 : i32
      %dma_start3A_180 = tpu.memref_slice %arg16[%add3A_33, %dma_start3A_179] : memref<10240x128xf32, #tpu.memory_space<vmem_shared>> -> memref<64x128xf32, #tpu.memory_space<vmem_shared>>
      tpu.enqueue_dma source(%arg11 : memref<64x128xf32, #tpu.memory_space<vmem>>) target(%dma_start3A_180 : memref<64x128xf32, #tpu.memory_space<vmem_shared>>) target_semaphore(%run_scoped3A_176 : memref<!tpu.dma_semaphore, #tpu.memory_space<semaphore_mem>>)
      %dma_wait3A_181 = arith.constant 0 : i32
      %dma_wait3A_182 = tpu.memref_slice %arg16[%add3A_33, %dma_wait3A_181] : memref<10240x128xf32, #tpu.memory_space<vmem_shared>> -> memref<64x128xf32, #tpu.memory_space<vmem_shared>>
      %dma_wait3A_183 = arith.constant 0 : i32
      %dma_wait3A_184 = tpu.memref_slice %arg16[%add3A_33, %dma_wait3A_183] : memref<10240x128xf32, #tpu.memory_space<vmem_shared>> -> memref<64x128xf32, #tpu.memory_space<vmem_shared>>
      tpu.wait_dma2 semaphore(%run_scoped3A_176 : memref<!tpu.dma_semaphore, #tpu.memory_space<semaphore_mem>>) src(%arg11 : memref<64x128xf32, #tpu.memory_space<vmem>>) dst(%dma_wait3A_184 : memref<64x128xf32, #tpu.memory_space<vmem_shared>>)
      tpu.yield
    }) : () -> ()
    %add3A_34 = arith.constant 256 : i32
    %add3A_35 = arith.addi %mul3A_25, %add3A_34 : i32
    "tpu.region"() ({
      %run_scoped3A_176 = tpu.sem_alloc : memref<!tpu.dma_semaphore, #tpu.memory_space<semaphore_mem>>
      %dma_start3A_177 = arith.constant 0 : i32
      %dma_start3A_178 = tpu.memref_slice %arg16[%add3A_35, %dma_start3A_177] : memref<10240x128xf32, #tpu.memory_space<vmem_shared>> -> memref<64x128xf32, #tpu.memory_space<vmem_shared>>
      %dma_start3A_179 = arith.constant 0 : i32
      %dma_start3A_180 = tpu.memref_slice %arg16[%add3A_35, %dma_start3A_179] : memref<10240x128xf32, #tpu.memory_space<vmem_shared>> -> memref<64x128xf32, #tpu.memory_space<vmem_shared>>
      tpu.enqueue_dma source(%arg11 : memref<64x128xf32, #tpu.memory_space<vmem>>) target(%dma_start3A_180 : memref<64x128xf32, #tpu.memory_space<vmem_shared>>) target_semaphore(%run_scoped3A_176 : memref<!tpu.dma_semaphore, #tpu.memory_space<semaphore_mem>>)
      %dma_wait3A_181 = arith.constant 0 : i32
      %dma_wait3A_182 = tpu.memref_slice %arg16[%add3A_35, %dma_wait3A_181] : memref<10240x128xf32, #tpu.memory_space<vmem_shared>> -> memref<64x128xf32, #tpu.memory_space<vmem_shared>>
      %dma_wait3A_183 = arith.constant 0 : i32
      %dma_wait3A_184 = tpu.memref_slice %arg16[%add3A_35, %dma_wait3A_183] : memref<10240x128xf32, #tpu.memory_space<vmem_shared>> -> memref<64x128xf32, #tpu.memory_space<vmem_shared>>
      tpu.wait_dma2 semaphore(%run_scoped3A_176 : memref<!tpu.dma_semaphore, #tpu.memory_space<semaphore_mem>>) src(%arg11 : memref<64x128xf32, #tpu.memory_space<vmem>>) dst(%dma_wait3A_184 : memref<64x128xf32, #tpu.memory_space<vmem_shared>>)
      tpu.yield
    }) : () -> ()
    %add3A_36 = arith.constant 320 : i32
    %add3A_37 = arith.addi %mul3A_25, %add3A_36 : i32
    "tpu.region"() ({
      %run_scoped3A_176 = tpu.sem_alloc : memref<!tpu.dma_semaphore, #tpu.memory_space<semaphore_mem>>
      %dma_start3A_177 = arith.constant 0 : i32
      %dma_start3A_178 = tpu.memref_slice %arg16[%add3A_37, %dma_start3A_177] : memref<10240x128xf32, #tpu.memory_space<vmem_shared>> -> memref<64x128xf32, #tpu.memory_space<vmem_shared>>
      %dma_start3A_179 = arith.constant 0 : i32
      %dma_start3A_180 = tpu.memref_slice %arg16[%add3A_37, %dma_start3A_179] : memref<10240x128xf32, #tpu.memory_space<vmem_shared>> -> memref<64x128xf32, #tpu.memory_space<vmem_shared>>
      tpu.enqueue_dma source(%arg11 : memref<64x128xf32, #tpu.memory_space<vmem>>) target(%dma_start3A_180 : memref<64x128xf32, #tpu.memory_space<vmem_shared>>) target_semaphore(%run_scoped3A_176 : memref<!tpu.dma_semaphore, #tpu.memory_space<semaphore_mem>>)
      %dma_wait3A_181 = arith.constant 0 : i32
      %dma_wait3A_182 = tpu.memref_slice %arg16[%add3A_37, %dma_wait3A_181] : memref<10240x128xf32, #tpu.memory_space<vmem_shared>> -> memref<64x128xf32, #tpu.memory_space<vmem_shared>>
      %dma_wait3A_183 = arith.constant 0 : i32
      %dma_wait3A_184 = tpu.memref_slice %arg16[%add3A_37, %dma_wait3A_183] : memref<10240x128xf32, #tpu.memory_space<vmem_shared>> -> memref<64x128xf32, #tpu.memory_space<vmem_shared>>
      tpu.wait_dma2 semaphore(%run_scoped3A_176 : memref<!tpu.dma_semaphore, #tpu.memory_space<semaphore_mem>>) src(%arg11 : memref<64x128xf32, #tpu.memory_space<vmem>>) dst(%dma_wait3A_184 : memref<64x128xf32, #tpu.memory_space<vmem_shared>>)
      tpu.yield
    }) : () -> ()
    %add3A_38 = arith.constant 384 : i32
    %add3A_39 = arith.addi %mul3A_25, %add3A_38 : i32
    "tpu.region"() ({
      %run_scoped3A_176 = tpu.sem_alloc : memref<!tpu.dma_semaphore, #tpu.memory_space<semaphore_mem>>
      %dma_start3A_177 = arith.constant 0 : i32
      %dma_start3A_178 = tpu.memref_slice %arg16[%add3A_39, %dma_start3A_177] : memref<10240x128xf32, #tpu.memory_space<vmem_shared>> -> memref<64x128xf32, #tpu.memory_space<vmem_shared>>
      %dma_start3A_179 = arith.constant 0 : i32
      %dma_start3A_180 = tpu.memref_slice %arg16[%add3A_39, %dma_start3A_179] : memref<10240x128xf32, #tpu.memory_space<vmem_shared>> -> memref<64x128xf32, #tpu.memory_space<vmem_shared>>
      tpu.enqueue_dma source(%arg11 : memref<64x128xf32, #tpu.memory_space<vmem>>) target(%dma_start3A_180 : memref<64x128xf32, #tpu.memory_space<vmem_shared>>) target_semaphore(%run_scoped3A_176 : memref<!tpu.dma_semaphore, #tpu.memory_space<semaphore_mem>>)
      %dma_wait3A_181 = arith.constant 0 : i32
      %dma_wait3A_182 = tpu.memref_slice %arg16[%add3A_39, %dma_wait3A_181] : memref<10240x128xf32, #tpu.memory_space<vmem_shared>> -> memref<64x128xf32, #tpu.memory_space<vmem_shared>>
      %dma_wait3A_183 = arith.constant 0 : i32
      %dma_wait3A_184 = tpu.memref_slice %arg16[%add3A_39, %dma_wait3A_183] : memref<10240x128xf32, #tpu.memory_space<vmem_shared>> -> memref<64x128xf32, #tpu.memory_space<vmem_shared>>
      tpu.wait_dma2 semaphore(%run_scoped3A_176 : memref<!tpu.dma_semaphore, #tpu.memory_space<semaphore_mem>>) src(%arg11 : memref<64x128xf32, #tpu.memory_space<vmem>>) dst(%dma_wait3A_184 : memref<64x128xf32, #tpu.memory_space<vmem_shared>>)
      tpu.yield
    }) : () -> ()
    %add3A_40 = arith.constant 448 : i32
    %add3A_41 = arith.addi %mul3A_25, %add3A_40 : i32
    "tpu.region"() ({
      %run_scoped3A_176 = tpu.sem_alloc : memref<!tpu.dma_semaphore, #tpu.memory_space<semaphore_mem>>
      %dma_start3A_177 = arith.constant 0 : i32
      %dma_start3A_178 = tpu.memref_slice %arg16[%add3A_41, %dma_start3A_177] : memref<10240x128xf32, #tpu.memory_space<vmem_shared>> -> memref<64x128xf32, #tpu.memory_space<vmem_shared>>
      %dma_start3A_179 = arith.constant 0 : i32
      %dma_start3A_180 = tpu.memref_slice %arg16[%add3A_41, %dma_start3A_179] : memref<10240x128xf32, #tpu.memory_space<vmem_shared>> -> memref<64x128xf32, #tpu.memory_space<vmem_shared>>
      tpu.enqueue_dma source(%arg11 : memref<64x128xf32, #tpu.memory_space<vmem>>) target(%dma_start3A_180 : memref<64x128xf32, #tpu.memory_space<vmem_shared>>) target_semaphore(%run_scoped3A_176 : memref<!tpu.dma_semaphore, #tpu.memory_space<semaphore_mem>>)
      %dma_wait3A_181 = arith.constant 0 : i32
      %dma_wait3A_182 = tpu.memref_slice %arg16[%add3A_41, %dma_wait3A_181] : memref<10240x128xf32, #tpu.memory_space<vmem_shared>> -> memref<64x128xf32, #tpu.memory_space<vmem_shared>>
      %dma_wait3A_183 = arith.constant 0 : i32
      %dma_wait3A_184 = tpu.memref_slice %arg16[%add3A_41, %dma_wait3A_183] : memref<10240x128xf32, #tpu.memory_space<vmem_shared>> -> memref<64x128xf32, #tpu.memory_space<vmem_shared>>
      tpu.wait_dma2 semaphore(%run_scoped3A_176 : memref<!tpu.dma_semaphore, #tpu.memory_space<semaphore_mem>>) src(%arg11 : memref<64x128xf32, #tpu.memory_space<vmem>>) dst(%dma_wait3A_184 : memref<64x128xf32, #tpu.memory_space<vmem_shared>>)
      tpu.yield
    }) : () -> ()
    %add3A_42 = arith.constant 512 : i32
    %add3A_43 = arith.addi %mul3A_25, %add3A_42 : i32
    "tpu.region"() ({
      %run_scoped3A_176 = tpu.sem_alloc : memref<!tpu.dma_semaphore, #tpu.memory_space<semaphore_mem>>
      %dma_start3A_177 = arith.constant 0 : i32
      %dma_start3A_178 = tpu.memref_slice %arg16[%add3A_43, %dma_start3A_177] : memref<10240x128xf32, #tpu.memory_space<vmem_shared>> -> memref<64x128xf32, #tpu.memory_space<vmem_shared>>
      %dma_start3A_179 = arith.constant 0 : i32
      %dma_start3A_180 = tpu.memref_slice %arg16[%add3A_43, %dma_start3A_179] : memref<10240x128xf32, #tpu.memory_space<vmem_shared>> -> memref<64x128xf32, #tpu.memory_space<vmem_shared>>
      tpu.enqueue_dma source(%arg11 : memref<64x128xf32, #tpu.memory_space<vmem>>) target(%dma_start3A_180 : memref<64x128xf32, #tpu.memory_space<vmem_shared>>) target_semaphore(%run_scoped3A_176 : memref<!tpu.dma_semaphore, #tpu.memory_space<semaphore_mem>>)
      %dma_wait3A_181 = arith.constant 0 : i32
      %dma_wait3A_182 = tpu.memref_slice %arg16[%add3A_43, %dma_wait3A_181] : memref<10240x128xf32, #tpu.memory_space<vmem_shared>> -> memref<64x128xf32, #tpu.memory_space<vmem_shared>>
      %dma_wait3A_183 = arith.constant 0 : i32
      %dma_wait3A_184 = tpu.memref_slice %arg16[%add3A_43, %dma_wait3A_183] : memref<10240x128xf32, #tpu.memory_space<vmem_shared>> -> memref<64x128xf32, #tpu.memory_space<vmem_shared>>
      tpu.wait_dma2 semaphore(%run_scoped3A_176 : memref<!tpu.dma_semaphore, #tpu.memory_space<semaphore_mem>>) src(%arg11 : memref<64x128xf32, #tpu.memory_space<vmem>>) dst(%dma_wait3A_184 : memref<64x128xf32, #tpu.memory_space<vmem_shared>>)
      tpu.yield
    }) : () -> ()
    %add3A_44 = arith.constant 576 : i32
    %add3A_45 = arith.addi %mul3A_25, %add3A_44 : i32
    "tpu.region"() ({
      %run_scoped3A_176 = tpu.sem_alloc : memref<!tpu.dma_semaphore, #tpu.memory_space<semaphore_mem>>
      %dma_start3A_177 = arith.constant 0 : i32
      %dma_start3A_178 = tpu.memref_slice %arg16[%add3A_45, %dma_start3A_177] : memref<10240x128xf32, #tpu.memory_space<vmem_shared>> -> memref<64x128xf32, #tpu.memory_space<vmem_shared>>
      %dma_start3A_179 = arith.constant 0 : i32
      %dma_start3A_180 = tpu.memref_slice %arg16[%add3A_45, %dma_start3A_179] : memref<10240x128xf32, #tpu.memory_space<vmem_shared>> -> memref<64x128xf32, #tpu.memory_space<vmem_shared>>
      tpu.enqueue_dma source(%arg11 : memref<64x128xf32, #tpu.memory_space<vmem>>) target(%dma_start3A_180 : memref<64x128xf32, #tpu.memory_space<vmem_shared>>) target_semaphore(%run_scoped3A_176 : memref<!tpu.dma_semaphore, #tpu.memory_space<semaphore_mem>>)
      %dma_wait3A_181 = arith.constant 0 : i32
      %dma_wait3A_182 = tpu.memref_slice %arg16[%add3A_45, %dma_wait3A_181] : memref<10240x128xf32, #tpu.memory_space<vmem_shared>> -> memref<64x128xf32, #tpu.memory_space<vmem_shared>>
      %dma_wait3A_183 = arith.constant 0 : i32
      %dma_wait3A_184 = tpu.memref_slice %arg16[%add3A_45, %dma_wait3A_183] : memref<10240x128xf32, #tpu.memory_space<vmem_shared>> -> memref<64x128xf32, #tpu.memory_space<vmem_shared>>
      tpu.wait_dma2 semaphore(%run_scoped3A_176 : memref<!tpu.dma_semaphore, #tpu.memory_space<semaphore_mem>>) src(%arg11 : memref<64x128xf32, #tpu.memory_space<vmem>>) dst(%dma_wait3A_184 : memref<64x128xf32, #tpu.memory_space<vmem_shared>>)
      tpu.yield
    }) : () -> ()
    %add3A_46 = arith.constant 0 : i32
    %add3A_47 = arith.addi %mul3A_25, %add3A_46 : i32
    %run_scoped3A = arith.constant 0 : i32
    "tpu.region"() ({
      %run_scoped3A_176 = tpu.sem_alloc : memref<!tpu.dma_semaphore, #tpu.memory_space<semaphore_mem>>
      %dma_start3A_177 = arith.constant 0 : i32
      %dma_start3A_178 = tpu.memref_slice %arg11[%run_scoped3A, %dma_start3A_177] : memref<64x128xf32, #tpu.memory_space<vmem>> -> memref<1x128xf32, #tpu.memory_space<vmem>>
      %dma_start3A_179 = tpu.memref_squeeze %dma_start3A_178 : memref<1x128xf32, #tpu.memory_space<vmem>> -> memref<128xf32, #tpu.memory_space<vmem>>
      %dma_start3A_180 = tpu.memref_slice %arg17[%add3A_47] : memref<10240xf32, #tpu.memory_space<vmem_shared>> -> memref<128xf32, #tpu.memory_space<vmem_shared>>
      %dma_start3A_181 = tpu.memref_slice %arg17[%add3A_47] : memref<10240xf32, #tpu.memory_space<vmem_shared>> -> memref<128xf32, #tpu.memory_space<vmem_shared>>
      %dma_start3A_182 = arith.constant 0 : i32
      %dma_start3A_183 = tpu.memref_slice %arg11[%run_scoped3A, %dma_start3A_182] : memref<64x128xf32, #tpu.memory_space<vmem>> -> memref<1x128xf32, #tpu.memory_space<vmem>>
      %dma_start3A_184 = tpu.memref_squeeze %dma_start3A_183 : memref<1x128xf32, #tpu.memory_space<vmem>> -> memref<128xf32, #tpu.memory_space<vmem>>
      tpu.enqueue_dma source(%dma_start3A_184 : memref<128xf32, #tpu.memory_space<vmem>>) target(%dma_start3A_181 : memref<128xf32, #tpu.memory_space<vmem_shared>>) target_semaphore(%run_scoped3A_176 : memref<!tpu.dma_semaphore, #tpu.memory_space<semaphore_mem>>)
      %dma_wait3A_185 = arith.constant 0 : i32
      %dma_wait3A_186 = tpu.memref_slice %arg11[%run_scoped3A, %dma_wait3A_185] : memref<64x128xf32, #tpu.memory_space<vmem>> -> memref<1x128xf32, #tpu.memory_space<vmem>>
      %dma_wait3A_187 = tpu.memref_squeeze %dma_wait3A_186 : memref<1x128xf32, #tpu.memory_space<vmem>> -> memref<128xf32, #tpu.memory_space<vmem>>
      %dma_wait3A_188 = tpu.memref_slice %arg17[%add3A_47] : memref<10240xf32, #tpu.memory_space<vmem_shared>> -> memref<128xf32, #tpu.memory_space<vmem_shared>>
      %dma_wait3A_189 = tpu.memref_slice %arg17[%add3A_47] : memref<10240xf32, #tpu.memory_space<vmem_shared>> -> memref<128xf32, #tpu.memory_space<vmem_shared>>
      %dma_wait3A_190 = arith.constant 0 : i32
      %dma_wait3A_191 = tpu.memref_slice %arg11[%run_scoped3A, %dma_wait3A_190] : memref<64x128xf32, #tpu.memory_space<vmem>> -> memref<1x128xf32, #tpu.memory_space<vmem>>
      %dma_wait3A_192 = tpu.memref_squeeze %dma_wait3A_191 : memref<1x128xf32, #tpu.memory_space<vmem>> -> memref<128xf32, #tpu.memory_space<vmem>>
      tpu.wait_dma2 semaphore(%run_scoped3A_176 : memref<!tpu.dma_semaphore, #tpu.memory_space<semaphore_mem>>) src(%dma_wait3A_192 : memref<128xf32, #tpu.memory_space<vmem>>) dst(%dma_wait3A_189 : memref<128xf32, #tpu.memory_space<vmem_shared>>)
      tpu.yield
    }) : () -> ()
    %add3A_48 = arith.constant 128 : i32
    %add3A_49 = arith.addi %mul3A_25, %add3A_48 : i32
    %run_scoped3A_50 = arith.constant 0 : i32
    "tpu.region"() ({
      %run_scoped3A_176 = tpu.sem_alloc : memref<!tpu.dma_semaphore, #tpu.memory_space<semaphore_mem>>
      %dma_start3A_177 = arith.constant 0 : i32
      %dma_start3A_178 = tpu.memref_slice %arg11[%run_scoped3A_50, %dma_start3A_177] : memref<64x128xf32, #tpu.memory_space<vmem>> -> memref<1x128xf32, #tpu.memory_space<vmem>>
      %dma_start3A_179 = tpu.memref_squeeze %dma_start3A_178 : memref<1x128xf32, #tpu.memory_space<vmem>> -> memref<128xf32, #tpu.memory_space<vmem>>
      %dma_start3A_180 = tpu.memref_slice %arg17[%add3A_49] : memref<10240xf32, #tpu.memory_space<vmem_shared>> -> memref<128xf32, #tpu.memory_space<vmem_shared>>
      %dma_start3A_181 = tpu.memref_slice %arg17[%add3A_49] : memref<10240xf32, #tpu.memory_space<vmem_shared>> -> memref<128xf32, #tpu.memory_space<vmem_shared>>
      %dma_start3A_182 = arith.constant 0 : i32
      %dma_start3A_183 = tpu.memref_slice %arg11[%run_scoped3A_50, %dma_start3A_182] : memref<64x128xf32, #tpu.memory_space<vmem>> -> memref<1x128xf32, #tpu.memory_space<vmem>>
      %dma_start3A_184 = tpu.memref_squeeze %dma_start3A_183 : memref<1x128xf32, #tpu.memory_space<vmem>> -> memref<128xf32, #tpu.memory_space<vmem>>
      tpu.enqueue_dma source(%dma_start3A_184 : memref<128xf32, #tpu.memory_space<vmem>>) target(%dma_start3A_181 : memref<128xf32, #tpu.memory_space<vmem_shared>>) target_semaphore(%run_scoped3A_176 : memref<!tpu.dma_semaphore, #tpu.memory_space<semaphore_mem>>)
      %dma_wait3A_185 = arith.constant 0 : i32
      %dma_wait3A_186 = tpu.memref_slice %arg11[%run_scoped3A_50, %dma_wait3A_185] : memref<64x128xf32, #tpu.memory_space<vmem>> -> memref<1x128xf32, #tpu.memory_space<vmem>>
      %dma_wait3A_187 = tpu.memref_squeeze %dma_wait3A_186 : memref<1x128xf32, #tpu.memory_space<vmem>> -> memref<128xf32, #tpu.memory_space<vmem>>
      %dma_wait3A_188 = tpu.memref_slice %arg17[%add3A_49] : memref<10240xf32, #tpu.memory_space<vmem_shared>> -> memref<128xf32, #tpu.memory_space<vmem_shared>>
      %dma_wait3A_189 = tpu.memref_slice %arg17[%add3A_49] : memref<10240xf32, #tpu.memory_space<vmem_shared>> -> memref<128xf32, #tpu.memory_space<vmem_shared>>
      %dma_wait3A_190 = arith.constant 0 : i32
      %dma_wait3A_191 = tpu.memref_slice %arg11[%run_scoped3A_50, %dma_wait3A_190] : memref<64x128xf32, #tpu.memory_space<vmem>> -> memref<1x128xf32, #tpu.memory_space<vmem>>
      %dma_wait3A_192 = tpu.memref_squeeze %dma_wait3A_191 : memref<1x128xf32, #tpu.memory_space<vmem>> -> memref<128xf32, #tpu.memory_space<vmem>>
      tpu.wait_dma2 semaphore(%run_scoped3A_176 : memref<!tpu.dma_semaphore, #tpu.memory_space<semaphore_mem>>) src(%dma_wait3A_192 : memref<128xf32, #tpu.memory_space<vmem>>) dst(%dma_wait3A_189 : memref<128xf32, #tpu.memory_space<vmem_shared>>)
      tpu.yield
    }) : () -> ()
    %add3A_51 = arith.constant 256 : i32
    %add3A_52 = arith.addi %mul3A_25, %add3A_51 : i32
    %run_scoped3A_53 = arith.constant 0 : i32
    "tpu.region"() ({
      %run_scoped3A_176 = tpu.sem_alloc : memref<!tpu.dma_semaphore, #tpu.memory_space<semaphore_mem>>
      %dma_start3A_177 = arith.constant 0 : i32
      %dma_start3A_178 = tpu.memref_slice %arg11[%run_scoped3A_53, %dma_start3A_177] : memref<64x128xf32, #tpu.memory_space<vmem>> -> memref<1x128xf32, #tpu.memory_space<vmem>>
      %dma_start3A_179 = tpu.memref_squeeze %dma_start3A_178 : memref<1x128xf32, #tpu.memory_space<vmem>> -> memref<128xf32, #tpu.memory_space<vmem>>
      %dma_start3A_180 = tpu.memref_slice %arg17[%add3A_52] : memref<10240xf32, #tpu.memory_space<vmem_shared>> -> memref<128xf32, #tpu.memory_space<vmem_shared>>
      %dma_start3A_181 = tpu.memref_slice %arg17[%add3A_52] : memref<10240xf32, #tpu.memory_space<vmem_shared>> -> memref<128xf32, #tpu.memory_space<vmem_shared>>
      %dma_start3A_182 = arith.constant 0 : i32
      %dma_start3A_183 = tpu.memref_slice %arg11[%run_scoped3A_53, %dma_start3A_182] : memref<64x128xf32, #tpu.memory_space<vmem>> -> memref<1x128xf32, #tpu.memory_space<vmem>>
      %dma_start3A_184 = tpu.memref_squeeze %dma_start3A_183 : memref<1x128xf32, #tpu.memory_space<vmem>> -> memref<128xf32, #tpu.memory_space<vmem>>
      tpu.enqueue_dma source(%dma_start3A_184 : memref<128xf32, #tpu.memory_space<vmem>>) target(%dma_start3A_181 : memref<128xf32, #tpu.memory_space<vmem_shared>>) target_semaphore(%run_scoped3A_176 : memref<!tpu.dma_semaphore, #tpu.memory_space<semaphore_mem>>)
      %dma_wait3A_185 = arith.constant 0 : i32
      %dma_wait3A_186 = tpu.memref_slice %arg11[%run_scoped3A_53, %dma_wait3A_185] : memref<64x128xf32, #tpu.memory_space<vmem>> -> memref<1x128xf32, #tpu.memory_space<vmem>>
      %dma_wait3A_187 = tpu.memref_squeeze %dma_wait3A_186 : memref<1x128xf32, #tpu.memory_space<vmem>> -> memref<128xf32, #tpu.memory_space<vmem>>
      %dma_wait3A_188 = tpu.memref_slice %arg17[%add3A_52] : memref<10240xf32, #tpu.memory_space<vmem_shared>> -> memref<128xf32, #tpu.memory_space<vmem_shared>>
      %dma_wait3A_189 = tpu.memref_slice %arg17[%add3A_52] : memref<10240xf32, #tpu.memory_space<vmem_shared>> -> memref<128xf32, #tpu.memory_space<vmem_shared>>
      %dma_wait3A_190 = arith.constant 0 : i32
      %dma_wait3A_191 = tpu.memref_slice %arg11[%run_scoped3A_53, %dma_wait3A_190] : memref<64x128xf32, #tpu.memory_space<vmem>> -> memref<1x128xf32, #tpu.memory_space<vmem>>
      %dma_wait3A_192 = tpu.memref_squeeze %dma_wait3A_191 : memref<1x128xf32, #tpu.memory_space<vmem>> -> memref<128xf32, #tpu.memory_space<vmem>>
      tpu.wait_dma2 semaphore(%run_scoped3A_176 : memref<!tpu.dma_semaphore, #tpu.memory_space<semaphore_mem>>) src(%dma_wait3A_192 : memref<128xf32, #tpu.memory_space<vmem>>) dst(%dma_wait3A_189 : memref<128xf32, #tpu.memory_space<vmem_shared>>)
      tpu.yield
    }) : () -> ()
    %add3A_54 = arith.constant 384 : i32
    %add3A_55 = arith.addi %mul3A_25, %add3A_54 : i32
    %run_scoped3A_56 = arith.constant 0 : i32
    "tpu.region"() ({
      %run_scoped3A_176 = tpu.sem_alloc : memref<!tpu.dma_semaphore, #tpu.memory_space<semaphore_mem>>
      %dma_start3A_177 = arith.constant 0 : i32
      %dma_start3A_178 = tpu.memref_slice %arg11[%run_scoped3A_56, %dma_start3A_177] : memref<64x128xf32, #tpu.memory_space<vmem>> -> memref<1x128xf32, #tpu.memory_space<vmem>>
      %dma_start3A_179 = tpu.memref_squeeze %dma_start3A_178 : memref<1x128xf32, #tpu.memory_space<vmem>> -> memref<128xf32, #tpu.memory_space<vmem>>
      %dma_start3A_180 = tpu.memref_slice %arg17[%add3A_55] : memref<10240xf32, #tpu.memory_space<vmem_shared>> -> memref<128xf32, #tpu.memory_space<vmem_shared>>
      %dma_start3A_181 = tpu.memref_slice %arg17[%add3A_55] : memref<10240xf32, #tpu.memory_space<vmem_shared>> -> memref<128xf32, #tpu.memory_space<vmem_shared>>
      %dma_start3A_182 = arith.constant 0 : i32
      %dma_start3A_183 = tpu.memref_slice %arg11[%run_scoped3A_56, %dma_start3A_182] : memref<64x128xf32, #tpu.memory_space<vmem>> -> memref<1x128xf32, #tpu.memory_space<vmem>>
      %dma_start3A_184 = tpu.memref_squeeze %dma_start3A_183 : memref<1x128xf32, #tpu.memory_space<vmem>> -> memref<128xf32, #tpu.memory_space<vmem>>
      tpu.enqueue_dma source(%dma_start3A_184 : memref<128xf32, #tpu.memory_space<vmem>>) target(%dma_start3A_181 : memref<128xf32, #tpu.memory_space<vmem_shared>>) target_semaphore(%run_scoped3A_176 : memref<!tpu.dma_semaphore, #tpu.memory_space<semaphore_mem>>)
      %dma_wait3A_185 = arith.constant 0 : i32
      %dma_wait3A_186 = tpu.memref_slice %arg11[%run_scoped3A_56, %dma_wait3A_185] : memref<64x128xf32, #tpu.memory_space<vmem>> -> memref<1x128xf32, #tpu.memory_space<vmem>>
      %dma_wait3A_187 = tpu.memref_squeeze %dma_wait3A_186 : memref<1x128xf32, #tpu.memory_space<vmem>> -> memref<128xf32, #tpu.memory_space<vmem>>
      %dma_wait3A_188 = tpu.memref_slice %arg17[%add3A_55] : memref<10240xf32, #tpu.memory_space<vmem_shared>> -> memref<128xf32, #tpu.memory_space<vmem_shared>>
      %dma_wait3A_189 = tpu.memref_slice %arg17[%add3A_55] : memref<10240xf32, #tpu.memory_space<vmem_shared>> -> memref<128xf32, #tpu.memory_space<vmem_shared>>
      %dma_wait3A_190 = arith.constant 0 : i32
      %dma_wait3A_191 = tpu.memref_slice %arg11[%run_scoped3A_56, %dma_wait3A_190] : memref<64x128xf32, #tpu.memory_space<vmem>> -> memref<1x128xf32, #tpu.memory_space<vmem>>
      %dma_wait3A_192 = tpu.memref_squeeze %dma_wait3A_191 : memref<1x128xf32, #tpu.memory_space<vmem>> -> memref<128xf32, #tpu.memory_space<vmem>>
      tpu.wait_dma2 semaphore(%run_scoped3A_176 : memref<!tpu.dma_semaphore, #tpu.memory_space<semaphore_mem>>) src(%dma_wait3A_192 : memref<128xf32, #tpu.memory_space<vmem>>) dst(%dma_wait3A_189 : memref<128xf32, #tpu.memory_space<vmem_shared>>)
      tpu.yield
    }) : () -> ()
    %add3A_57 = arith.constant 512 : i32
    %add3A_58 = arith.addi %mul3A_25, %add3A_57 : i32
    %run_scoped3A_59 = arith.constant 0 : i32
    "tpu.region"() ({
      %run_scoped3A_176 = tpu.sem_alloc : memref<!tpu.dma_semaphore, #tpu.memory_space<semaphore_mem>>
      %dma_start3A_177 = arith.constant 0 : i32
      %dma_start3A_178 = tpu.memref_slice %arg11[%run_scoped3A_59, %dma_start3A_177] : memref<64x128xf32, #tpu.memory_space<vmem>> -> memref<1x128xf32, #tpu.memory_space<vmem>>
      %dma_start3A_179 = tpu.memref_squeeze %dma_start3A_178 : memref<1x128xf32, #tpu.memory_space<vmem>> -> memref<128xf32, #tpu.memory_space<vmem>>
      %dma_start3A_180 = tpu.memref_slice %arg17[%add3A_58] : memref<10240xf32, #tpu.memory_space<vmem_shared>> -> memref<128xf32, #tpu.memory_space<vmem_shared>>
      %dma_start3A_181 = tpu.memref_slice %arg17[%add3A_58] : memref<10240xf32, #tpu.memory_space<vmem_shared>> -> memref<128xf32, #tpu.memory_space<vmem_shared>>
      %dma_start3A_182 = arith.constant 0 : i32
      %dma_start3A_183 = tpu.memref_slice %arg11[%run_scoped3A_59, %dma_start3A_182] : memref<64x128xf32, #tpu.memory_space<vmem>> -> memref<1x128xf32, #tpu.memory_space<vmem>>
      %dma_start3A_184 = tpu.memref_squeeze %dma_start3A_183 : memref<1x128xf32, #tpu.memory_space<vmem>> -> memref<128xf32, #tpu.memory_space<vmem>>
      tpu.enqueue_dma source(%dma_start3A_184 : memref<128xf32, #tpu.memory_space<vmem>>) target(%dma_start3A_181 : memref<128xf32, #tpu.memory_space<vmem_shared>>) target_semaphore(%run_scoped3A_176 : memref<!tpu.dma_semaphore, #tpu.memory_space<semaphore_mem>>)
      %dma_wait3A_185 = arith.constant 0 : i32
      %dma_wait3A_186 = tpu.memref_slice %arg11[%run_scoped3A_59, %dma_wait3A_185] : memref<64x128xf32, #tpu.memory_space<vmem>> -> memref<1x128xf32, #tpu.memory_space<vmem>>
      %dma_wait3A_187 = tpu.memref_squeeze %dma_wait3A_186 : memref<1x128xf32, #tpu.memory_space<vmem>> -> memref<128xf32, #tpu.memory_space<vmem>>
      %dma_wait3A_188 = tpu.memref_slice %arg17[%add3A_58] : memref<10240xf32, #tpu.memory_space<vmem_shared>> -> memref<128xf32, #tpu.memory_space<vmem_shared>>
      %dma_wait3A_189 = tpu.memref_slice %arg17[%add3A_58] : memref<10240xf32, #tpu.memory_space<vmem_shared>> -> memref<128xf32, #tpu.memory_space<vmem_shared>>
      %dma_wait3A_190 = arith.constant 0 : i32
      %dma_wait3A_191 = tpu.memref_slice %arg11[%run_scoped3A_59, %dma_wait3A_190] : memref<64x128xf32, #tpu.memory_space<vmem>> -> memref<1x128xf32, #tpu.memory_space<vmem>>
      %dma_wait3A_192 = tpu.memref_squeeze %dma_wait3A_191 : memref<1x128xf32, #tpu.memory_space<vmem>> -> memref<128xf32, #tpu.memory_space<vmem>>
      tpu.wait_dma2 semaphore(%run_scoped3A_176 : memref<!tpu.dma_semaphore, #tpu.memory_space<semaphore_mem>>) src(%dma_wait3A_192 : memref<128xf32, #tpu.memory_space<vmem>>) dst(%dma_wait3A_189 : memref<128xf32, #tpu.memory_space<vmem_shared>>)
      tpu.yield
    }) : () -> ()
    %barrier3A = arith.constant 0 : index
    tpu.barrier barrier_id(%barrier3A)
    %dma_start3A = arith.constant 0 : i32
    %dma_start3A_60 = arith.constant 0 : i32
    %dma_start3A_61 = tpu.memref_slice %arg3[%add3A, %dma_start3A, %dma_start3A_60] : memref<32x160x64xi32, #tpu.memory_space<hbm>> -> memref<1x8x64xi32, #tpu.memory_space<hbm>>
    %dma_start3A_62 = tpu.memref_squeeze %dma_start3A_61 : memref<1x8x64xi32, #tpu.memory_space<hbm>> -> memref<8x64xi32, #tpu.memory_space<hbm>>
    %dma_start3A_63 = arith.constant 0 : i32
    %dma_start3A_64 = arith.constant 0 : i32
    %dma_start3A_65 = tpu.memref_slice %arg3[%add3A, %dma_start3A_63, %dma_start3A_64] : memref<32x160x64xi32, #tpu.memory_space<hbm>> -> memref<1x8x64xi32, #tpu.memory_space<hbm>>
    %dma_start3A_66 = tpu.memref_squeeze %dma_start3A_65 : memref<1x8x64xi32, #tpu.memory_space<hbm>> -> memref<8x64xi32, #tpu.memory_space<hbm>>
    tpu.enqueue_dma source(%dma_start3A_66 : memref<8x64xi32, #tpu.memory_space<hbm>>) target(%arg7 : memref<8x64xi32, #tpu.memory_space<vmem>>) target_semaphore(%arg26 : memref<!tpu.dma_semaphore, #tpu.memory_space<semaphore_mem>>)
    %dma_start3A_67 = arith.constant 0 : i32
    %dma_start3A_68 = arith.constant 0 : i32
    %dma_start3A_69 = tpu.memref_slice %arg4[%add3A, %dma_start3A_67, %dma_start3A_68] : memref<32x160x64xi32, #tpu.memory_space<hbm>> -> memref<1x8x64xi32, #tpu.memory_space<hbm>>
    %dma_start3A_70 = tpu.memref_squeeze %dma_start3A_69 : memref<1x8x64xi32, #tpu.memory_space<hbm>> -> memref<8x64xi32, #tpu.memory_space<hbm>>
    %dma_start3A_71 = arith.constant 0 : i32
    %dma_start3A_72 = arith.constant 0 : i32
    %dma_start3A_73 = tpu.memref_slice %arg4[%add3A, %dma_start3A_71, %dma_start3A_72] : memref<32x160x64xi32, #tpu.memory_space<hbm>> -> memref<1x8x64xi32, #tpu.memory_space<hbm>>
    %dma_start3A_74 = tpu.memref_squeeze %dma_start3A_73 : memref<1x8x64xi32, #tpu.memory_space<hbm>> -> memref<8x64xi32, #tpu.memory_space<hbm>>
    tpu.enqueue_dma source(%dma_start3A_74 : memref<8x64xi32, #tpu.memory_space<hbm>>) target(%arg8 : memref<8x64xi32, #tpu.memory_space<vmem>>) target_semaphore(%arg26 : memref<!tpu.dma_semaphore, #tpu.memory_space<semaphore_mem>>)
    %dma_wait3A = arith.constant 0 : i32
    %dma_wait3A_75 = arith.constant 0 : i32
    %dma_wait3A_76 = tpu.memref_slice %arg3[%add3A, %dma_wait3A, %dma_wait3A_75] : memref<32x160x64xi32, #tpu.memory_space<hbm>> -> memref<1x8x64xi32, #tpu.memory_space<hbm>>
    %dma_wait3A_77 = tpu.memref_squeeze %dma_wait3A_76 : memref<1x8x64xi32, #tpu.memory_space<hbm>> -> memref<8x64xi32, #tpu.memory_space<hbm>>
    %dma_wait3A_78 = arith.constant 0 : i32
    %dma_wait3A_79 = arith.constant 0 : i32
    %dma_wait3A_80 = tpu.memref_slice %arg3[%add3A, %dma_wait3A_78, %dma_wait3A_79] : memref<32x160x64xi32, #tpu.memory_space<hbm>> -> memref<1x8x64xi32, #tpu.memory_space<hbm>>
    %dma_wait3A_81 = tpu.memref_squeeze %dma_wait3A_80 : memref<1x8x64xi32, #tpu.memory_space<hbm>> -> memref<8x64xi32, #tpu.memory_space<hbm>>
    tpu.wait_dma2 semaphore(%arg26 : memref<!tpu.dma_semaphore, #tpu.memory_space<semaphore_mem>>) src(%dma_wait3A_81 : memref<8x64xi32, #tpu.memory_space<hbm>>) dst(%arg7 : memref<8x64xi32, #tpu.memory_space<vmem>>)
    %dma_wait3A_82 = arith.constant 0 : i32
    %dma_wait3A_83 = arith.constant 0 : i32
    %dma_wait3A_84 = tpu.memref_slice %arg4[%add3A, %dma_wait3A_82, %dma_wait3A_83] : memref<32x160x64xi32, #tpu.memory_space<hbm>> -> memref<1x8x64xi32, #tpu.memory_space<hbm>>
    %dma_wait3A_85 = tpu.memref_squeeze %dma_wait3A_84 : memref<1x8x64xi32, #tpu.memory_space<hbm>> -> memref<8x64xi32, #tpu.memory_space<hbm>>
    %dma_wait3A_86 = arith.constant 0 : i32
    %dma_wait3A_87 = arith.constant 0 : i32
    %dma_wait3A_88 = tpu.memref_slice %arg4[%add3A, %dma_wait3A_86, %dma_wait3A_87] : memref<32x160x64xi32, #tpu.memory_space<hbm>> -> memref<1x8x64xi32, #tpu.memory_space<hbm>>
    %dma_wait3A_89 = tpu.memref_squeeze %dma_wait3A_88 : memref<1x8x64xi32, #tpu.memory_space<hbm>> -> memref<8x64xi32, #tpu.memory_space<hbm>>
    tpu.wait_dma2 semaphore(%arg26 : memref<!tpu.dma_semaphore, #tpu.memory_space<semaphore_mem>>) src(%dma_wait3A_89 : memref<8x64xi32, #tpu.memory_space<hbm>>) dst(%arg8 : memref<8x64xi32, #tpu.memory_space<vmem>>)
    %dma_start3A_90 = arith.constant 0 : i32
    %dma_start3A_91 = arith.constant 0 : i32
    %dma_start3A_92 = tpu.memref_slice %arg7[%dma_start3A_90, %dma_start3A_91] : memref<8x64xi32, #tpu.memory_space<vmem>> -> memref<1x64xi32, #tpu.memory_space<vmem>>
    %dma_start3A_93 = tpu.memref_squeeze %dma_start3A_92 : memref<1x64xi32, #tpu.memory_space<vmem>> -> memref<64xi32, #tpu.memory_space<vmem>>
    %dma_start3A_94 = arith.constant 0 : i32
    %dma_start3A_95 = arith.constant 0 : i32
    %dma_start3A_96 = tpu.memref_slice %arg2[%dma_start3A_94, %dma_start3A_95] : memref<10000x128xf32, #tpu.memory_space<hbm>> -> memref<10000x128xf32, #tpu.memory_space<hbm>>
    tpu.enqueue_indirect_dma source(%dma_start3A_96 : memref<10000x128xf32, #tpu.memory_space<hbm>>) target(%arg11 : memref<64x128xf32, #tpu.memory_space<vmem>>) offsets(%dma_start3A_93 : memref<64xi32, #tpu.memory_space<vmem>>) semaphore(%arg18 : memref<!tpu.dma_semaphore, #tpu.memory_space<semaphore_mem>>)
    %dma_start3A_97 = arith.constant 1 : i32
    %dma_start3A_98 = arith.constant 0 : i32
    %dma_start3A_99 = tpu.memref_slice %arg7[%dma_start3A_97, %dma_start3A_98] : memref<8x64xi32, #tpu.memory_space<vmem>> -> memref<1x64xi32, #tpu.memory_space<vmem>>
    %dma_start3A_100 = tpu.memref_squeeze %dma_start3A_99 : memref<1x64xi32, #tpu.memory_space<vmem>> -> memref<64xi32, #tpu.memory_space<vmem>>
    %dma_start3A_101 = arith.constant 0 : i32
    %dma_start3A_102 = arith.constant 0 : i32
    %dma_start3A_103 = tpu.memref_slice %arg2[%dma_start3A_101, %dma_start3A_102] : memref<10000x128xf32, #tpu.memory_space<hbm>> -> memref<10000x128xf32, #tpu.memory_space<hbm>>
    tpu.enqueue_indirect_dma source(%dma_start3A_103 : memref<10000x128xf32, #tpu.memory_space<hbm>>) target(%arg12 : memref<64x128xf32, #tpu.memory_space<vmem>>) offsets(%dma_start3A_100 : memref<64xi32, #tpu.memory_space<vmem>>) semaphore(%arg19 : memref<!tpu.dma_semaphore, #tpu.memory_space<semaphore_mem>>)
    %scan3A_104 = arith.constant 0 : i32
    %scan3A_105 = arith.constant 0 : i32
    %scan3A_106 = arith.constant 10 : i32
    %scan3A_107 = arith.addi %scan3A_105, %scan3A_106 : i32
    %scan3A_108 = arith.constant 1 : i32
    scf.for %scan3A_176 = %scan3A_105 to %scan3A_107 step %scan3A_108  : i32 {
      %dma_wait3A_177 = arith.constant 0 : i32
      %dma_wait3A_178 = arith.constant 0 : i32
      %dma_wait3A_179 = tpu.memref_slice %arg7[%dma_wait3A_177, %dma_wait3A_178] : memref<8x64xi32, #tpu.memory_space<vmem>> -> memref<1x64xi32, #tpu.memory_space<vmem>>
      %dma_wait3A_180 = tpu.memref_squeeze %dma_wait3A_179 : memref<1x64xi32, #tpu.memory_space<vmem>> -> memref<64xi32, #tpu.memory_space<vmem>>
      %dma_wait3A_181 = arith.constant 0 : i32
      %dma_wait3A_182 = arith.constant 0 : i32
      %dma_wait3A_183 = tpu.memref_slice %arg2[%dma_wait3A_181, %dma_wait3A_182] : memref<10000x128xf32, #tpu.memory_space<hbm>> -> memref<10000x128xf32, #tpu.memory_space<hbm>>
      tpu.wait_indirect_dma semaphore(%arg18 : memref<!tpu.dma_semaphore, #tpu.memory_space<semaphore_mem>>) src(%dma_wait3A_183 : memref<10000x128xf32, #tpu.memory_space<hbm>>) dst(%arg11 : memref<64x128xf32, #tpu.memory_space<vmem>>)
      %dma_start3A_184 = arith.constant 0 : i32
      %dma_start3A_185 = arith.constant 0 : i32
      %dma_start3A_186 = tpu.memref_slice %arg8[%dma_start3A_184, %dma_start3A_185] : memref<8x64xi32, #tpu.memory_space<vmem>> -> memref<1x64xi32, #tpu.memory_space<vmem>>
      %dma_start3A_187 = tpu.memref_squeeze %dma_start3A_186 : memref<1x64xi32, #tpu.memory_space<vmem>> -> memref<64xi32, #tpu.memory_space<vmem>>
      %dma_start3A_188 = arith.constant 0 : i32
      %dma_start3A_189 = arith.constant 0 : i32
      %dma_start3A_190 = tpu.memref_slice %arg16[%dma_start3A_188, %dma_start3A_189] : memref<10240x128xf32, #tpu.memory_space<vmem_shared>> -> memref<10240x128xf32, #tpu.memory_space<vmem_shared>>
      tpu.enqueue_indirect_dma source(%arg11 : memref<64x128xf32, #tpu.memory_space<vmem>>) target(%dma_start3A_190 : memref<10240x128xf32, #tpu.memory_space<vmem_shared>>) offsets(%dma_start3A_187 : memref<64xi32, #tpu.memory_space<vmem>>) semaphore(%arg22 : memref<!tpu.dma_semaphore, #tpu.memory_space<semaphore_mem>>) {add = true}
      %gt3A = arith.constant 0 : i32
      %gt3A_191 = arith.cmpi sgt, %scan3A_176, %gt3A : i32
      %convert_element_type3A = arith.extui %gt3A_191 : i1 to i32
      %cond3A = arith.constant 0 : i32
      %cond3A_192 = arith.cmpi ne, %convert_element_type3A, %cond3A : i32
      scf.if %cond3A_192 {
        %dma_wait3A_807 = arith.constant 6 : i32
        %dma_wait3A_808 = arith.constant 0 : i32
        %dma_wait3A_809 = tpu.memref_slice %arg10[%dma_wait3A_807, %dma_wait3A_808] : memref<8x64xi32, #tpu.memory_space<vmem>> -> memref<1x64xi32, #tpu.memory_space<vmem>>
        %dma_wait3A_810 = tpu.memref_squeeze %dma_wait3A_809 : memref<1x64xi32, #tpu.memory_space<vmem>> -> memref<64xi32, #tpu.memory_space<vmem>>
        %dma_wait3A_811 = arith.constant 0 : i32
        %dma_wait3A_812 = arith.constant 0 : i32
        %dma_wait3A_813 = tpu.memref_slice %arg16[%dma_wait3A_811, %dma_wait3A_812] : memref<10240x128xf32, #tpu.memory_space<vmem_shared>> -> memref<10240x128xf32, #tpu.memory_space<vmem_shared>>
        tpu.wait_indirect_dma semaphore(%arg24 : memref<!tpu.dma_semaphore, #tpu.memory_space<semaphore_mem>>) src(%arg13 : memref<64x128xf32, #tpu.memory_space<vmem>>) dst(%dma_wait3A_813 : memref<10240x128xf32, #tpu.memory_space<vmem_shared>>)
      } else {
      }
      %dma_start3A_193 = arith.constant 0 : i32
      %dma_start3A_194 = arith.constant 0 : i32
      %dma_start3A_195 = tpu.memref_slice %arg8[%dma_start3A_193, %dma_start3A_194] : memref<8x64xi32, #tpu.memory_space<vmem>> -> memref<1x64xi32, #tpu.memory_space<vmem>>
      %dma_start3A_196 = tpu.memref_squeeze %dma_start3A_195 : memref<1x64xi32, #tpu.memory_space<vmem>> -> memref<64xi32, #tpu.memory_space<vmem>>
      %dma_start3A_197 = arith.constant 0 : i32
      %dma_start3A_198 = tpu.memref_slice %arg17[%dma_start3A_197] : memref<10240xf32, #tpu.memory_space<vmem_shared>> -> memref<10240xf32, #tpu.memory_space<vmem_shared>>
      tpu.enqueue_indirect_dma source(%arg15 : memref<64xf32, #tpu.memory_space<vmem>>) target(%dma_start3A_198 : memref<10240xf32, #tpu.memory_space<vmem_shared>>) offsets(%dma_start3A_196 : memref<64xi32, #tpu.memory_space<vmem>>) semaphore(%arg28 : memref<!tpu.dma_semaphore, #tpu.memory_space<semaphore_mem>>) {add = true}
      %dma_start3A_199 = arith.constant 2 : i32
      %dma_start3A_200 = arith.constant 0 : i32
      %dma_start3A_201 = tpu.memref_slice %arg7[%dma_start3A_199, %dma_start3A_200] : memref<8x64xi32, #tpu.memory_space<vmem>> -> memref<1x64xi32, #tpu.memory_space<vmem>>
      %dma_start3A_202 = tpu.memref_squeeze %dma_start3A_201 : memref<1x64xi32, #tpu.memory_space<vmem>> -> memref<64xi32, #tpu.memory_space<vmem>>
      %dma_start3A_203 = arith.constant 0 : i32
      %dma_start3A_204 = arith.constant 0 : i32
      %dma_start3A_205 = tpu.memref_slice %arg2[%dma_start3A_203, %dma_start3A_204] : memref<10000x128xf32, #tpu.memory_space<hbm>> -> memref<10000x128xf32, #tpu.memory_space<hbm>>
      tpu.enqueue_indirect_dma source(%dma_start3A_205 : memref<10000x128xf32, #tpu.memory_space<hbm>>) target(%arg13 : memref<64x128xf32, #tpu.memory_space<vmem>>) offsets(%dma_start3A_202 : memref<64xi32, #tpu.memory_space<vmem>>) semaphore(%arg20 : memref<!tpu.dma_semaphore, #tpu.memory_space<semaphore_mem>>)
      %dma_wait3A_206 = arith.constant 1 : i32
      %dma_wait3A_207 = arith.constant 0 : i32
      %dma_wait3A_208 = tpu.memref_slice %arg7[%dma_wait3A_206, %dma_wait3A_207] : memref<8x64xi32, #tpu.memory_space<vmem>> -> memref<1x64xi32, #tpu.memory_space<vmem>>
      %dma_wait3A_209 = tpu.memref_squeeze %dma_wait3A_208 : memref<1x64xi32, #tpu.memory_space<vmem>> -> memref<64xi32, #tpu.memory_space<vmem>>
      %dma_wait3A_210 = arith.constant 0 : i32
      %dma_wait3A_211 = arith.constant 0 : i32
      %dma_wait3A_212 = tpu.memref_slice %arg2[%dma_wait3A_210, %dma_wait3A_211] : memref<10000x128xf32, #tpu.memory_space<hbm>> -> memref<10000x128xf32, #tpu.memory_space<hbm>>
      tpu.wait_indirect_dma semaphore(%arg19 : memref<!tpu.dma_semaphore, #tpu.memory_space<semaphore_mem>>) src(%dma_wait3A_212 : memref<10000x128xf32, #tpu.memory_space<hbm>>) dst(%arg12 : memref<64x128xf32, #tpu.memory_space<vmem>>)
      %dma_start3A_213 = arith.constant 1 : i32
      %dma_start3A_214 = arith.constant 0 : i32
      %dma_start3A_215 = tpu.memref_slice %arg8[%dma_start3A_213, %dma_start3A_214] : memref<8x64xi32, #tpu.memory_space<vmem>> -> memref<1x64xi32, #tpu.memory_space<vmem>>
      %dma_start3A_216 = tpu.memref_squeeze %dma_start3A_215 : memref<1x64xi32, #tpu.memory_space<vmem>> -> memref<64xi32, #tpu.memory_space<vmem>>
      %dma_start3A_217 = arith.constant 0 : i32
      %dma_start3A_218 = arith.constant 0 : i32
      %dma_start3A_219 = tpu.memref_slice %arg16[%dma_start3A_217, %dma_start3A_218] : memref<10240x128xf32, #tpu.memory_space<vmem_shared>> -> memref<10240x128xf32, #tpu.memory_space<vmem_shared>>
      tpu.enqueue_indirect_dma source(%arg12 : memref<64x128xf32, #tpu.memory_space<vmem>>) target(%dma_start3A_219 : memref<10240x128xf32, #tpu.memory_space<vmem_shared>>) offsets(%dma_start3A_216 : memref<64xi32, #tpu.memory_space<vmem>>) semaphore(%arg23 : memref<!tpu.dma_semaphore, #tpu.memory_space<semaphore_mem>>) {add = true}
      %gt3A_220 = arith.constant 0 : i32
      %gt3A_221 = arith.cmpi sgt, %scan3A_176, %gt3A_220 : i32
      %convert_element_type3A_222 = arith.extui %gt3A_221 : i1 to i32
      %cond3A_223 = arith.constant 0 : i32
      %cond3A_224 = arith.cmpi ne, %convert_element_type3A_222, %cond3A_223 : i32
      scf.if %cond3A_224 {
        %dma_wait3A_807 = arith.constant 7 : i32
        %dma_wait3A_808 = arith.constant 0 : i32
        %dma_wait3A_809 = tpu.memref_slice %arg10[%dma_wait3A_807, %dma_wait3A_808] : memref<8x64xi32, #tpu.memory_space<vmem>> -> memref<1x64xi32, #tpu.memory_space<vmem>>
        %dma_wait3A_810 = tpu.memref_squeeze %dma_wait3A_809 : memref<1x64xi32, #tpu.memory_space<vmem>> -> memref<64xi32, #tpu.memory_space<vmem>>
        %dma_wait3A_811 = arith.constant 0 : i32
        %dma_wait3A_812 = arith.constant 0 : i32
        %dma_wait3A_813 = tpu.memref_slice %arg16[%dma_wait3A_811, %dma_wait3A_812] : memref<10240x128xf32, #tpu.memory_space<vmem_shared>> -> memref<10240x128xf32, #tpu.memory_space<vmem_shared>>
        tpu.wait_indirect_dma semaphore(%arg25 : memref<!tpu.dma_semaphore, #tpu.memory_space<semaphore_mem>>) src(%arg14 : memref<64x128xf32, #tpu.memory_space<vmem>>) dst(%dma_wait3A_813 : memref<10240x128xf32, #tpu.memory_space<vmem_shared>>)
      } else {
      }
      %dma_start3A_225 = arith.constant 1 : i32
      %dma_start3A_226 = arith.constant 0 : i32
      %dma_start3A_227 = tpu.memref_slice %arg8[%dma_start3A_225, %dma_start3A_226] : memref<8x64xi32, #tpu.memory_space<vmem>> -> memref<1x64xi32, #tpu.memory_space<vmem>>
      %dma_start3A_228 = tpu.memref_squeeze %dma_start3A_227 : memref<1x64xi32, #tpu.memory_space<vmem>> -> memref<64xi32, #tpu.memory_space<vmem>>
      %dma_start3A_229 = arith.constant 0 : i32
      %dma_start3A_230 = tpu.memref_slice %arg17[%dma_start3A_229] : memref<10240xf32, #tpu.memory_space<vmem_shared>> -> memref<10240xf32, #tpu.memory_space<vmem_shared>>
      tpu.enqueue_indirect_dma source(%arg15 : memref<64xf32, #tpu.memory_space<vmem>>) target(%dma_start3A_230 : memref<10240xf32, #tpu.memory_space<vmem_shared>>) offsets(%dma_start3A_228 : memref<64xi32, #tpu.memory_space<vmem>>) semaphore(%arg28 : memref<!tpu.dma_semaphore, #tpu.memory_space<semaphore_mem>>) {add = true}
      %dma_start3A_231 = arith.constant 3 : i32
      %dma_start3A_232 = arith.constant 0 : i32
      %dma_start3A_233 = tpu.memref_slice %arg7[%dma_start3A_231, %dma_start3A_232] : memref<8x64xi32, #tpu.memory_space<vmem>> -> memref<1x64xi32, #tpu.memory_space<vmem>>
      %dma_start3A_234 = tpu.memref_squeeze %dma_start3A_233 : memref<1x64xi32, #tpu.memory_space<vmem>> -> memref<64xi32, #tpu.memory_space<vmem>>
      %dma_start3A_235 = arith.constant 0 : i32
      %dma_start3A_236 = arith.constant 0 : i32
      %dma_start3A_237 = tpu.memref_slice %arg2[%dma_start3A_235, %dma_start3A_236] : memref<10000x128xf32, #tpu.memory_space<hbm>> -> memref<10000x128xf32, #tpu.memory_space<hbm>>
      tpu.enqueue_indirect_dma source(%dma_start3A_237 : memref<10000x128xf32, #tpu.memory_space<hbm>>) target(%arg14 : memref<64x128xf32, #tpu.memory_space<vmem>>) offsets(%dma_start3A_234 : memref<64xi32, #tpu.memory_space<vmem>>) semaphore(%arg21 : memref<!tpu.dma_semaphore, #tpu.memory_space<semaphore_mem>>)
      %dma_wait3A_238 = arith.constant 2 : i32
      %dma_wait3A_239 = arith.constant 0 : i32
      %dma_wait3A_240 = tpu.memref_slice %arg7[%dma_wait3A_238, %dma_wait3A_239] : memref<8x64xi32, #tpu.memory_space<vmem>> -> memref<1x64xi32, #tpu.memory_space<vmem>>
      %dma_wait3A_241 = tpu.memref_squeeze %dma_wait3A_240 : memref<1x64xi32, #tpu.memory_space<vmem>> -> memref<64xi32, #tpu.memory_space<vmem>>
      %dma_wait3A_242 = arith.constant 0 : i32
      %dma_wait3A_243 = arith.constant 0 : i32
      %dma_wait3A_244 = tpu.memref_slice %arg2[%dma_wait3A_242, %dma_wait3A_243] : memref<10000x128xf32, #tpu.memory_space<hbm>> -> memref<10000x128xf32, #tpu.memory_space<hbm>>
      tpu.wait_indirect_dma semaphore(%arg20 : memref<!tpu.dma_semaphore, #tpu.memory_space<semaphore_mem>>) src(%dma_wait3A_244 : memref<10000x128xf32, #tpu.memory_space<hbm>>) dst(%arg13 : memref<64x128xf32, #tpu.memory_space<vmem>>)
      %dma_start3A_245 = arith.constant 2 : i32
      %dma_start3A_246 = arith.constant 0 : i32
      %dma_start3A_247 = tpu.memref_slice %arg8[%dma_start3A_245, %dma_start3A_246] : memref<8x64xi32, #tpu.memory_space<vmem>> -> memref<1x64xi32, #tpu.memory_space<vmem>>
      %dma_start3A_248 = tpu.memref_squeeze %dma_start3A_247 : memref<1x64xi32, #tpu.memory_space<vmem>> -> memref<64xi32, #tpu.memory_space<vmem>>
      %dma_start3A_249 = arith.constant 0 : i32
      %dma_start3A_250 = arith.constant 0 : i32
      %dma_start3A_251 = tpu.memref_slice %arg16[%dma_start3A_249, %dma_start3A_250] : memref<10240x128xf32, #tpu.memory_space<vmem_shared>> -> memref<10240x128xf32, #tpu.memory_space<vmem_shared>>
      tpu.enqueue_indirect_dma source(%arg13 : memref<64x128xf32, #tpu.memory_space<vmem>>) target(%dma_start3A_251 : memref<10240x128xf32, #tpu.memory_space<vmem_shared>>) offsets(%dma_start3A_248 : memref<64xi32, #tpu.memory_space<vmem>>) semaphore(%arg24 : memref<!tpu.dma_semaphore, #tpu.memory_space<semaphore_mem>>) {add = true}
      %dma_wait3A_252 = arith.constant 0 : i32
      %dma_wait3A_253 = arith.constant 0 : i32
      %dma_wait3A_254 = tpu.memref_slice %arg8[%dma_wait3A_252, %dma_wait3A_253] : memref<8x64xi32, #tpu.memory_space<vmem>> -> memref<1x64xi32, #tpu.memory_space<vmem>>
      %dma_wait3A_255 = tpu.memref_squeeze %dma_wait3A_254 : memref<1x64xi32, #tpu.memory_space<vmem>> -> memref<64xi32, #tpu.memory_space<vmem>>
      %dma_wait3A_256 = arith.constant 0 : i32
      %dma_wait3A_257 = arith.constant 0 : i32
      %dma_wait3A_258 = tpu.memref_slice %arg16[%dma_wait3A_256, %dma_wait3A_257] : memref<10240x128xf32, #tpu.memory_space<vmem_shared>> -> memref<10240x128xf32, #tpu.memory_space<vmem_shared>>
      tpu.wait_indirect_dma semaphore(%arg22 : memref<!tpu.dma_semaphore, #tpu.memory_space<semaphore_mem>>) src(%arg11 : memref<64x128xf32, #tpu.memory_space<vmem>>) dst(%dma_wait3A_258 : memref<10240x128xf32, #tpu.memory_space<vmem_shared>>)
      %gt3A_259 = arith.constant 0 : i32
      %gt3A_260 = arith.cmpi sgt, %scan3A_176, %gt3A_259 : i32
      %convert_element_type3A_261 = arith.extui %gt3A_260 : i1 to i32
      %cond3A_262 = arith.constant 0 : i32
      %cond3A_263 = arith.cmpi ne, %convert_element_type3A_261, %cond3A_262 : i32
      scf.if %cond3A_263 {
        %dma_wait3A_807 = arith.constant 0 : i32
        %dma_wait3A_808 = arith.constant 0 : i32
        %dma_wait3A_809 = tpu.memref_slice %arg10[%dma_wait3A_807, %dma_wait3A_808] : memref<8x64xi32, #tpu.memory_space<vmem>> -> memref<1x64xi32, #tpu.memory_space<vmem>>
        %dma_wait3A_810 = tpu.memref_squeeze %dma_wait3A_809 : memref<1x64xi32, #tpu.memory_space<vmem>> -> memref<64xi32, #tpu.memory_space<vmem>>
        %dma_wait3A_811 = arith.constant 0 : i32
        %dma_wait3A_812 = tpu.memref_slice %arg17[%dma_wait3A_811] : memref<10240xf32, #tpu.memory_space<vmem_shared>> -> memref<10240xf32, #tpu.memory_space<vmem_shared>>
        tpu.wait_indirect_dma semaphore(%arg29 : memref<!tpu.dma_semaphore, #tpu.memory_space<semaphore_mem>>) src(%arg15 : memref<64xf32, #tpu.memory_space<vmem>>) dst(%dma_wait3A_812 : memref<10240xf32, #tpu.memory_space<vmem_shared>>)
        %dma_wait3A_813 = arith.constant 1 : i32
        %dma_wait3A_814 = arith.constant 0 : i32
        %dma_wait3A_815 = tpu.memref_slice %arg10[%dma_wait3A_813, %dma_wait3A_814] : memref<8x64xi32, #tpu.memory_space<vmem>> -> memref<1x64xi32, #tpu.memory_space<vmem>>
        %dma_wait3A_816 = tpu.memref_squeeze %dma_wait3A_815 : memref<1x64xi32, #tpu.memory_space<vmem>> -> memref<64xi32, #tpu.memory_space<vmem>>
        %dma_wait3A_817 = arith.constant 0 : i32
        %dma_wait3A_818 = tpu.memref_slice %arg17[%dma_wait3A_817] : memref<10240xf32, #tpu.memory_space<vmem_shared>> -> memref<10240xf32, #tpu.memory_space<vmem_shared>>
        tpu.wait_indirect_dma semaphore(%arg29 : memref<!tpu.dma_semaphore, #tpu.memory_space<semaphore_mem>>) src(%arg15 : memref<64xf32, #tpu.memory_space<vmem>>) dst(%dma_wait3A_818 : memref<10240xf32, #tpu.memory_space<vmem_shared>>)
        %dma_wait3A_819 = arith.constant 2 : i32
        %dma_wait3A_820 = arith.constant 0 : i32
        %dma_wait3A_821 = tpu.memref_slice %arg10[%dma_wait3A_819, %dma_wait3A_820] : memref<8x64xi32, #tpu.memory_space<vmem>> -> memref<1x64xi32, #tpu.memory_space<vmem>>
        %dma_wait3A_822 = tpu.memref_squeeze %dma_wait3A_821 : memref<1x64xi32, #tpu.memory_space<vmem>> -> memref<64xi32, #tpu.memory_space<vmem>>
        %dma_wait3A_823 = arith.constant 0 : i32
        %dma_wait3A_824 = tpu.memref_slice %arg17[%dma_wait3A_823] : memref<10240xf32, #tpu.memory_space<vmem_shared>> -> memref<10240xf32, #tpu.memory_space<vmem_shared>>
        tpu.wait_indirect_dma semaphore(%arg29 : memref<!tpu.dma_semaphore, #tpu.memory_space<semaphore_mem>>) src(%arg15 : memref<64xf32, #tpu.memory_space<vmem>>) dst(%dma_wait3A_824 : memref<10240xf32, #tpu.memory_space<vmem_shared>>)
        %dma_wait3A_825 = arith.constant 3 : i32
        %dma_wait3A_826 = arith.constant 0 : i32
        %dma_wait3A_827 = tpu.memref_slice %arg10[%dma_wait3A_825, %dma_wait3A_826] : memref<8x64xi32, #tpu.memory_space<vmem>> -> memref<1x64xi32, #tpu.memory_space<vmem>>
        %dma_wait3A_828 = tpu.memref_squeeze %dma_wait3A_827 : memref<1x64xi32, #tpu.memory_space<vmem>> -> memref<64xi32, #tpu.memory_space<vmem>>
        %dma_wait3A_829 = arith.constant 0 : i32
        %dma_wait3A_830 = tpu.memref_slice %arg17[%dma_wait3A_829] : memref<10240xf32, #tpu.memory_space<vmem_shared>> -> memref<10240xf32, #tpu.memory_space<vmem_shared>>
        tpu.wait_indirect_dma semaphore(%arg29 : memref<!tpu.dma_semaphore, #tpu.memory_space<semaphore_mem>>) src(%arg15 : memref<64xf32, #tpu.memory_space<vmem>>) dst(%dma_wait3A_830 : memref<10240xf32, #tpu.memory_space<vmem_shared>>)
        %dma_wait3A_831 = arith.constant 4 : i32
        %dma_wait3A_832 = arith.constant 0 : i32
        %dma_wait3A_833 = tpu.memref_slice %arg10[%dma_wait3A_831, %dma_wait3A_832] : memref<8x64xi32, #tpu.memory_space<vmem>> -> memref<1x64xi32, #tpu.memory_space<vmem>>
        %dma_wait3A_834 = tpu.memref_squeeze %dma_wait3A_833 : memref<1x64xi32, #tpu.memory_space<vmem>> -> memref<64xi32, #tpu.memory_space<vmem>>
        %dma_wait3A_835 = arith.constant 0 : i32
        %dma_wait3A_836 = tpu.memref_slice %arg17[%dma_wait3A_835] : memref<10240xf32, #tpu.memory_space<vmem_shared>> -> memref<10240xf32, #tpu.memory_space<vmem_shared>>
        tpu.wait_indirect_dma semaphore(%arg29 : memref<!tpu.dma_semaphore, #tpu.memory_space<semaphore_mem>>) src(%arg15 : memref<64xf32, #tpu.memory_space<vmem>>) dst(%dma_wait3A_836 : memref<10240xf32, #tpu.memory_space<vmem_shared>>)
        %dma_wait3A_837 = arith.constant 5 : i32
        %dma_wait3A_838 = arith.constant 0 : i32
        %dma_wait3A_839 = tpu.memref_slice %arg10[%dma_wait3A_837, %dma_wait3A_838] : memref<8x64xi32, #tpu.memory_space<vmem>> -> memref<1x64xi32, #tpu.memory_space<vmem>>
        %dma_wait3A_840 = tpu.memref_squeeze %dma_wait3A_839 : memref<1x64xi32, #tpu.memory_space<vmem>> -> memref<64xi32, #tpu.memory_space<vmem>>
        %dma_wait3A_841 = arith.constant 0 : i32
        %dma_wait3A_842 = tpu.memref_slice %arg17[%dma_wait3A_841] : memref<10240xf32, #tpu.memory_space<vmem_shared>> -> memref<10240xf32, #tpu.memory_space<vmem_shared>>
        tpu.wait_indirect_dma semaphore(%arg29 : memref<!tpu.dma_semaphore, #tpu.memory_space<semaphore_mem>>) src(%arg15 : memref<64xf32, #tpu.memory_space<vmem>>) dst(%dma_wait3A_842 : memref<10240xf32, #tpu.memory_space<vmem_shared>>)
        %dma_wait3A_843 = arith.constant 6 : i32
        %dma_wait3A_844 = arith.constant 0 : i32
        %dma_wait3A_845 = tpu.memref_slice %arg10[%dma_wait3A_843, %dma_wait3A_844] : memref<8x64xi32, #tpu.memory_space<vmem>> -> memref<1x64xi32, #tpu.memory_space<vmem>>
        %dma_wait3A_846 = tpu.memref_squeeze %dma_wait3A_845 : memref<1x64xi32, #tpu.memory_space<vmem>> -> memref<64xi32, #tpu.memory_space<vmem>>
        %dma_wait3A_847 = arith.constant 0 : i32
        %dma_wait3A_848 = tpu.memref_slice %arg17[%dma_wait3A_847] : memref<10240xf32, #tpu.memory_space<vmem_shared>> -> memref<10240xf32, #tpu.memory_space<vmem_shared>>
        tpu.wait_indirect_dma semaphore(%arg29 : memref<!tpu.dma_semaphore, #tpu.memory_space<semaphore_mem>>) src(%arg15 : memref<64xf32, #tpu.memory_space<vmem>>) dst(%dma_wait3A_848 : memref<10240xf32, #tpu.memory_space<vmem_shared>>)
        %dma_wait3A_849 = arith.constant 7 : i32
        %dma_wait3A_850 = arith.constant 0 : i32
        %dma_wait3A_851 = tpu.memref_slice %arg10[%dma_wait3A_849, %dma_wait3A_850] : memref<8x64xi32, #tpu.memory_space<vmem>> -> memref<1x64xi32, #tpu.memory_space<vmem>>
        %dma_wait3A_852 = tpu.memref_squeeze %dma_wait3A_851 : memref<1x64xi32, #tpu.memory_space<vmem>> -> memref<64xi32, #tpu.memory_space<vmem>>
        %dma_wait3A_853 = arith.constant 0 : i32
        %dma_wait3A_854 = tpu.memref_slice %arg17[%dma_wait3A_853] : memref<10240xf32, #tpu.memory_space<vmem_shared>> -> memref<10240xf32, #tpu.memory_space<vmem_shared>>
        tpu.wait_indirect_dma semaphore(%arg29 : memref<!tpu.dma_semaphore, #tpu.memory_space<semaphore_mem>>) src(%arg15 : memref<64xf32, #tpu.memory_space<vmem>>) dst(%dma_wait3A_854 : memref<10240xf32, #tpu.memory_space<vmem_shared>>)
      } else {
      }
      %mul3A_264 = arith.constant 2 : i32
      %mul3A_265 = arith.muli %mul3A_264, %scan3A_176 : i32
      %add3A_266 = arith.constant 1 : i32
      %add3A_267 = arith.addi %mul3A_265, %add3A_266 : i32
      %mul3A_268 = arith.constant 8 : i32
      %mul3A_269 = arith.muli %add3A_267, %mul3A_268 : i32
      %dma_start3A_270 = arith.constant 0 : i32
      %dma_start3A_271 = tpu.memref_slice %arg3[%add3A, %mul3A_269, %dma_start3A_270] : memref<32x160x64xi32, #tpu.memory_space<hbm>> -> memref<1x8x64xi32, #tpu.memory_space<hbm>>
      %dma_start3A_272 = tpu.memref_squeeze %dma_start3A_271 : memref<1x8x64xi32, #tpu.memory_space<hbm>> -> memref<8x64xi32, #tpu.memory_space<hbm>>
      %dma_start3A_273 = arith.constant 0 : i32
      %dma_start3A_274 = tpu.memref_slice %arg3[%add3A, %mul3A_269, %dma_start3A_273] : memref<32x160x64xi32, #tpu.memory_space<hbm>> -> memref<1x8x64xi32, #tpu.memory_space<hbm>>
      %dma_start3A_275 = tpu.memref_squeeze %dma_start3A_274 : memref<1x8x64xi32, #tpu.memory_space<hbm>> -> memref<8x64xi32, #tpu.memory_space<hbm>>
      tpu.enqueue_dma source(%dma_start3A_275 : memref<8x64xi32, #tpu.memory_space<hbm>>) target(%arg9 : memref<8x64xi32, #tpu.memory_space<vmem>>) target_semaphore(%arg27 : memref<!tpu.dma_semaphore, #tpu.memory_space<semaphore_mem>>)
      %mul3A_276 = arith.constant 8 : i32
      %mul3A_277 = arith.muli %add3A_267, %mul3A_276 : i32
      %dma_start3A_278 = arith.constant 0 : i32
      %dma_start3A_279 = tpu.memref_slice %arg4[%add3A, %mul3A_277, %dma_start3A_278] : memref<32x160x64xi32, #tpu.memory_space<hbm>> -> memref<1x8x64xi32, #tpu.memory_space<hbm>>
      %dma_start3A_280 = tpu.memref_squeeze %dma_start3A_279 : memref<1x8x64xi32, #tpu.memory_space<hbm>> -> memref<8x64xi32, #tpu.memory_space<hbm>>
      %dma_start3A_281 = arith.constant 0 : i32
      %dma_start3A_282 = tpu.memref_slice %arg4[%add3A, %mul3A_277, %dma_start3A_281] : memref<32x160x64xi32, #tpu.memory_space<hbm>> -> memref<1x8x64xi32, #tpu.memory_space<hbm>>
      %dma_start3A_283 = tpu.memref_squeeze %dma_start3A_282 : memref<1x8x64xi32, #tpu.memory_space<hbm>> -> memref<8x64xi32, #tpu.memory_space<hbm>>
      tpu.enqueue_dma source(%dma_start3A_283 : memref<8x64xi32, #tpu.memory_space<hbm>>) target(%arg10 : memref<8x64xi32, #tpu.memory_space<vmem>>) target_semaphore(%arg27 : memref<!tpu.dma_semaphore, #tpu.memory_space<semaphore_mem>>)
      %dma_start3A_284 = arith.constant 2 : i32
      %dma_start3A_285 = arith.constant 0 : i32
      %dma_start3A_286 = tpu.memref_slice %arg8[%dma_start3A_284, %dma_start3A_285] : memref<8x64xi32, #tpu.memory_space<vmem>> -> memref<1x64xi32, #tpu.memory_space<vmem>>
      %dma_start3A_287 = tpu.memref_squeeze %dma_start3A_286 : memref<1x64xi32, #tpu.memory_space<vmem>> -> memref<64xi32, #tpu.memory_space<vmem>>
      %dma_start3A_288 = arith.constant 0 : i32
      %dma_start3A_289 = tpu.memref_slice %arg17[%dma_start3A_288] : memref<10240xf32, #tpu.memory_space<vmem_shared>> -> memref<10240xf32, #tpu.memory_space<vmem_shared>>
      tpu.enqueue_indirect_dma source(%arg15 : memref<64xf32, #tpu.memory_space<vmem>>) target(%dma_start3A_289 : memref<10240xf32, #tpu.memory_space<vmem_shared>>) offsets(%dma_start3A_287 : memref<64xi32, #tpu.memory_space<vmem>>) semaphore(%arg28 : memref<!tpu.dma_semaphore, #tpu.memory_space<semaphore_mem>>) {add = true}
      %dma_start3A_290 = arith.constant 4 : i32
      %dma_start3A_291 = arith.constant 0 : i32
      %dma_start3A_292 = tpu.memref_slice %arg7[%dma_start3A_290, %dma_start3A_291] : memref<8x64xi32, #tpu.memory_space<vmem>> -> memref<1x64xi32, #tpu.memory_space<vmem>>
      %dma_start3A_293 = tpu.memref_squeeze %dma_start3A_292 : memref<1x64xi32, #tpu.memory_space<vmem>> -> memref<64xi32, #tpu.memory_space<vmem>>
      %dma_start3A_294 = arith.constant 0 : i32
      %dma_start3A_295 = arith.constant 0 : i32
      %dma_start3A_296 = tpu.memref_slice %arg2[%dma_start3A_294, %dma_start3A_295] : memref<10000x128xf32, #tpu.memory_space<hbm>> -> memref<10000x128xf32, #tpu.memory_space<hbm>>
      tpu.enqueue_indirect_dma source(%dma_start3A_296 : memref<10000x128xf32, #tpu.memory_space<hbm>>) target(%arg11 : memref<64x128xf32, #tpu.memory_space<vmem>>) offsets(%dma_start3A_293 : memref<64xi32, #tpu.memory_space<vmem>>) semaphore(%arg18 : memref<!tpu.dma_semaphore, #tpu.memory_space<semaphore_mem>>)
      %dma_wait3A_297 = arith.constant 3 : i32
      %dma_wait3A_298 = arith.constant 0 : i32
      %dma_wait3A_299 = tpu.memref_slice %arg7[%dma_wait3A_297, %dma_wait3A_298] : memref<8x64xi32, #tpu.memory_space<vmem>> -> memref<1x64xi32, #tpu.memory_space<vmem>>
      %dma_wait3A_300 = tpu.memref_squeeze %dma_wait3A_299 : memref<1x64xi32, #tpu.memory_space<vmem>> -> memref<64xi32, #tpu.memory_space<vmem>>
      %dma_wait3A_301 = arith.constant 0 : i32
      %dma_wait3A_302 = arith.constant 0 : i32
      %dma_wait3A_303 = tpu.memref_slice %arg2[%dma_wait3A_301, %dma_wait3A_302] : memref<10000x128xf32, #tpu.memory_space<hbm>> -> memref<10000x128xf32, #tpu.memory_space<hbm>>
      tpu.wait_indirect_dma semaphore(%arg21 : memref<!tpu.dma_semaphore, #tpu.memory_space<semaphore_mem>>) src(%dma_wait3A_303 : memref<10000x128xf32, #tpu.memory_space<hbm>>) dst(%arg14 : memref<64x128xf32, #tpu.memory_space<vmem>>)
      %dma_start3A_304 = arith.constant 3 : i32
      %dma_start3A_305 = arith.constant 0 : i32
      %dma_start3A_306 = tpu.memref_slice %arg8[%dma_start3A_304, %dma_start3A_305] : memref<8x64xi32, #tpu.memory_space<vmem>> -> memref<1x64xi32, #tpu.memory_space<vmem>>
      %dma_start3A_307 = tpu.memref_squeeze %dma_start3A_306 : memref<1x64xi32, #tpu.memory_space<vmem>> -> memref<64xi32, #tpu.memory_space<vmem>>
      %dma_start3A_308 = arith.constant 0 : i32
      %dma_start3A_309 = arith.constant 0 : i32
      %dma_start3A_310 = tpu.memref_slice %arg16[%dma_start3A_308, %dma_start3A_309] : memref<10240x128xf32, #tpu.memory_space<vmem_shared>> -> memref<10240x128xf32, #tpu.memory_space<vmem_shared>>
      tpu.enqueue_indirect_dma source(%arg14 : memref<64x128xf32, #tpu.memory_space<vmem>>) target(%dma_start3A_310 : memref<10240x128xf32, #tpu.memory_space<vmem_shared>>) offsets(%dma_start3A_307 : memref<64xi32, #tpu.memory_space<vmem>>) semaphore(%arg25 : memref<!tpu.dma_semaphore, #tpu.memory_space<semaphore_mem>>) {add = true}
      %dma_wait3A_311 = arith.constant 1 : i32
      %dma_wait3A_312 = arith.constant 0 : i32
      %dma_wait3A_313 = tpu.memref_slice %arg8[%dma_wait3A_311, %dma_wait3A_312] : memref<8x64xi32, #tpu.memory_space<vmem>> -> memref<1x64xi32, #tpu.memory_space<vmem>>
      %dma_wait3A_314 = tpu.memref_squeeze %dma_wait3A_313 : memref<1x64xi32, #tpu.memory_space<vmem>> -> memref<64xi32, #tpu.memory_space<vmem>>
      %dma_wait3A_315 = arith.constant 0 : i32
      %dma_wait3A_316 = arith.constant 0 : i32
      %dma_wait3A_317 = tpu.memref_slice %arg16[%dma_wait3A_315, %dma_wait3A_316] : memref<10240x128xf32, #tpu.memory_space<vmem_shared>> -> memref<10240x128xf32, #tpu.memory_space<vmem_shared>>
      tpu.wait_indirect_dma semaphore(%arg23 : memref<!tpu.dma_semaphore, #tpu.memory_space<semaphore_mem>>) src(%arg12 : memref<64x128xf32, #tpu.memory_space<vmem>>) dst(%dma_wait3A_317 : memref<10240x128xf32, #tpu.memory_space<vmem_shared>>)
      %dma_start3A_318 = arith.constant 3 : i32
      %dma_start3A_319 = arith.constant 0 : i32
      %dma_start3A_320 = tpu.memref_slice %arg8[%dma_start3A_318, %dma_start3A_319] : memref<8x64xi32, #tpu.memory_space<vmem>> -> memref<1x64xi32, #tpu.memory_space<vmem>>
      %dma_start3A_321 = tpu.memref_squeeze %dma_start3A_320 : memref<1x64xi32, #tpu.memory_space<vmem>> -> memref<64xi32, #tpu.memory_space<vmem>>
      %dma_start3A_322 = arith.constant 0 : i32
      %dma_start3A_323 = tpu.memref_slice %arg17[%dma_start3A_322] : memref<10240xf32, #tpu.memory_space<vmem_shared>> -> memref<10240xf32, #tpu.memory_space<vmem_shared>>
      tpu.enqueue_indirect_dma source(%arg15 : memref<64xf32, #tpu.memory_space<vmem>>) target(%dma_start3A_323 : memref<10240xf32, #tpu.memory_space<vmem_shared>>) offsets(%dma_start3A_321 : memref<64xi32, #tpu.memory_space<vmem>>) semaphore(%arg28 : memref<!tpu.dma_semaphore, #tpu.memory_space<semaphore_mem>>) {add = true}
      %dma_start3A_324 = arith.constant 5 : i32
      %dma_start3A_325 = arith.constant 0 : i32
      %dma_start3A_326 = tpu.memref_slice %arg7[%dma_start3A_324, %dma_start3A_325] : memref<8x64xi32, #tpu.memory_space<vmem>> -> memref<1x64xi32, #tpu.memory_space<vmem>>
      %dma_start3A_327 = tpu.memref_squeeze %dma_start3A_326 : memref<1x64xi32, #tpu.memory_space<vmem>> -> memref<64xi32, #tpu.memory_space<vmem>>
      %dma_start3A_328 = arith.constant 0 : i32
      %dma_start3A_329 = arith.constant 0 : i32
      %dma_start3A_330 = tpu.memref_slice %arg2[%dma_start3A_328, %dma_start3A_329] : memref<10000x128xf32, #tpu.memory_space<hbm>> -> memref<10000x128xf32, #tpu.memory_space<hbm>>
      tpu.enqueue_indirect_dma source(%dma_start3A_330 : memref<10000x128xf32, #tpu.memory_space<hbm>>) target(%arg12 : memref<64x128xf32, #tpu.memory_space<vmem>>) offsets(%dma_start3A_327 : memref<64xi32, #tpu.memory_space<vmem>>) semaphore(%arg19 : memref<!tpu.dma_semaphore, #tpu.memory_space<semaphore_mem>>)
      %dma_wait3A_331 = arith.constant 4 : i32
      %dma_wait3A_332 = arith.constant 0 : i32
      %dma_wait3A_333 = tpu.memref_slice %arg7[%dma_wait3A_331, %dma_wait3A_332] : memref<8x64xi32, #tpu.memory_space<vmem>> -> memref<1x64xi32, #tpu.memory_space<vmem>>
      %dma_wait3A_334 = tpu.memref_squeeze %dma_wait3A_333 : memref<1x64xi32, #tpu.memory_space<vmem>> -> memref<64xi32, #tpu.memory_space<vmem>>
      %dma_wait3A_335 = arith.constant 0 : i32
      %dma_wait3A_336 = arith.constant 0 : i32
      %dma_wait3A_337 = tpu.memref_slice %arg2[%dma_wait3A_335, %dma_wait3A_336] : memref<10000x128xf32, #tpu.memory_space<hbm>> -> memref<10000x128xf32, #tpu.memory_space<hbm>>
      tpu.wait_indirect_dma semaphore(%arg18 : memref<!tpu.dma_semaphore, #tpu.memory_space<semaphore_mem>>) src(%dma_wait3A_337 : memref<10000x128xf32, #tpu.memory_space<hbm>>) dst(%arg11 : memref<64x128xf32, #tpu.memory_space<vmem>>)
      %dma_start3A_338 = arith.constant 4 : i32
      %dma_start3A_339 = arith.constant 0 : i32
      %dma_start3A_340 = tpu.memref_slice %arg8[%dma_start3A_338, %dma_start3A_339] : memref<8x64xi32, #tpu.memory_space<vmem>> -> memref<1x64xi32, #tpu.memory_space<vmem>>
      %dma_start3A_341 = tpu.memref_squeeze %dma_start3A_340 : memref<1x64xi32, #tpu.memory_space<vmem>> -> memref<64xi32, #tpu.memory_space<vmem>>
      %dma_start3A_342 = arith.constant 0 : i32
      %dma_start3A_343 = arith.constant 0 : i32
      %dma_start3A_344 = tpu.memref_slice %arg16[%dma_start3A_342, %dma_start3A_343] : memref<10240x128xf32, #tpu.memory_space<vmem_shared>> -> memref<10240x128xf32, #tpu.memory_space<vmem_shared>>
      tpu.enqueue_indirect_dma source(%arg11 : memref<64x128xf32, #tpu.memory_space<vmem>>) target(%dma_start3A_344 : memref<10240x128xf32, #tpu.memory_space<vmem_shared>>) offsets(%dma_start3A_341 : memref<64xi32, #tpu.memory_space<vmem>>) semaphore(%arg22 : memref<!tpu.dma_semaphore, #tpu.memory_space<semaphore_mem>>) {add = true}
      %dma_wait3A_345 = arith.constant 2 : i32
      %dma_wait3A_346 = arith.constant 0 : i32
      %dma_wait3A_347 = tpu.memref_slice %arg8[%dma_wait3A_345, %dma_wait3A_346] : memref<8x64xi32, #tpu.memory_space<vmem>> -> memref<1x64xi32, #tpu.memory_space<vmem>>
      %dma_wait3A_348 = tpu.memref_squeeze %dma_wait3A_347 : memref<1x64xi32, #tpu.memory_space<vmem>> -> memref<64xi32, #tpu.memory_space<vmem>>
      %dma_wait3A_349 = arith.constant 0 : i32
      %dma_wait3A_350 = arith.constant 0 : i32
      %dma_wait3A_351 = tpu.memref_slice %arg16[%dma_wait3A_349, %dma_wait3A_350] : memref<10240x128xf32, #tpu.memory_space<vmem_shared>> -> memref<10240x128xf32, #tpu.memory_space<vmem_shared>>
      tpu.wait_indirect_dma semaphore(%arg24 : memref<!tpu.dma_semaphore, #tpu.memory_space<semaphore_mem>>) src(%arg13 : memref<64x128xf32, #tpu.memory_space<vmem>>) dst(%dma_wait3A_351 : memref<10240x128xf32, #tpu.memory_space<vmem_shared>>)
      %dma_start3A_352 = arith.constant 4 : i32
      %dma_start3A_353 = arith.constant 0 : i32
      %dma_start3A_354 = tpu.memref_slice %arg8[%dma_start3A_352, %dma_start3A_353] : memref<8x64xi32, #tpu.memory_space<vmem>> -> memref<1x64xi32, #tpu.memory_space<vmem>>
      %dma_start3A_355 = tpu.memref_squeeze %dma_start3A_354 : memref<1x64xi32, #tpu.memory_space<vmem>> -> memref<64xi32, #tpu.memory_space<vmem>>
      %dma_start3A_356 = arith.constant 0 : i32
      %dma_start3A_357 = tpu.memref_slice %arg17[%dma_start3A_356] : memref<10240xf32, #tpu.memory_space<vmem_shared>> -> memref<10240xf32, #tpu.memory_space<vmem_shared>>
      tpu.enqueue_indirect_dma source(%arg15 : memref<64xf32, #tpu.memory_space<vmem>>) target(%dma_start3A_357 : memref<10240xf32, #tpu.memory_space<vmem_shared>>) offsets(%dma_start3A_355 : memref<64xi32, #tpu.memory_space<vmem>>) semaphore(%arg28 : memref<!tpu.dma_semaphore, #tpu.memory_space<semaphore_mem>>) {add = true}
      %dma_start3A_358 = arith.constant 6 : i32
      %dma_start3A_359 = arith.constant 0 : i32
      %dma_start3A_360 = tpu.memref_slice %arg7[%dma_start3A_358, %dma_start3A_359] : memref<8x64xi32, #tpu.memory_space<vmem>> -> memref<1x64xi32, #tpu.memory_space<vmem>>
      %dma_start3A_361 = tpu.memref_squeeze %dma_start3A_360 : memref<1x64xi32, #tpu.memory_space<vmem>> -> memref<64xi32, #tpu.memory_space<vmem>>
      %dma_start3A_362 = arith.constant 0 : i32
      %dma_start3A_363 = arith.constant 0 : i32
      %dma_start3A_364 = tpu.memref_slice %arg2[%dma_start3A_362, %dma_start3A_363] : memref<10000x128xf32, #tpu.memory_space<hbm>> -> memref<10000x128xf32, #tpu.memory_space<hbm>>
      tpu.enqueue_indirect_dma source(%dma_start3A_364 : memref<10000x128xf32, #tpu.memory_space<hbm>>) target(%arg13 : memref<64x128xf32, #tpu.memory_space<vmem>>) offsets(%dma_start3A_361 : memref<64xi32, #tpu.memory_space<vmem>>) semaphore(%arg20 : memref<!tpu.dma_semaphore, #tpu.memory_space<semaphore_mem>>)
      %dma_wait3A_365 = arith.constant 5 : i32
      %dma_wait3A_366 = arith.constant 0 : i32
      %dma_wait3A_367 = tpu.memref_slice %arg7[%dma_wait3A_365, %dma_wait3A_366] : memref<8x64xi32, #tpu.memory_space<vmem>> -> memref<1x64xi32, #tpu.memory_space<vmem>>
      %dma_wait3A_368 = tpu.memref_squeeze %dma_wait3A_367 : memref<1x64xi32, #tpu.memory_space<vmem>> -> memref<64xi32, #tpu.memory_space<vmem>>
      %dma_wait3A_369 = arith.constant 0 : i32
      %dma_wait3A_370 = arith.constant 0 : i32
      %dma_wait3A_371 = tpu.memref_slice %arg2[%dma_wait3A_369, %dma_wait3A_370] : memref<10000x128xf32, #tpu.memory_space<hbm>> -> memref<10000x128xf32, #tpu.memory_space<hbm>>
      tpu.wait_indirect_dma semaphore(%arg19 : memref<!tpu.dma_semaphore, #tpu.memory_space<semaphore_mem>>) src(%dma_wait3A_371 : memref<10000x128xf32, #tpu.memory_space<hbm>>) dst(%arg12 : memref<64x128xf32, #tpu.memory_space<vmem>>)
      %dma_start3A_372 = arith.constant 5 : i32
      %dma_start3A_373 = arith.constant 0 : i32
      %dma_start3A_374 = tpu.memref_slice %arg8[%dma_start3A_372, %dma_start3A_373] : memref<8x64xi32, #tpu.memory_space<vmem>> -> memref<1x64xi32, #tpu.memory_space<vmem>>
      %dma_start3A_375 = tpu.memref_squeeze %dma_start3A_374 : memref<1x64xi32, #tpu.memory_space<vmem>> -> memref<64xi32, #tpu.memory_space<vmem>>
      %dma_start3A_376 = arith.constant 0 : i32
      %dma_start3A_377 = arith.constant 0 : i32
      %dma_start3A_378 = tpu.memref_slice %arg16[%dma_start3A_376, %dma_start3A_377] : memref<10240x128xf32, #tpu.memory_space<vmem_shared>> -> memref<10240x128xf32, #tpu.memory_space<vmem_shared>>
      tpu.enqueue_indirect_dma source(%arg12 : memref<64x128xf32, #tpu.memory_space<vmem>>) target(%dma_start3A_378 : memref<10240x128xf32, #tpu.memory_space<vmem_shared>>) offsets(%dma_start3A_375 : memref<64xi32, #tpu.memory_space<vmem>>) semaphore(%arg23 : memref<!tpu.dma_semaphore, #tpu.memory_space<semaphore_mem>>) {add = true}
      %dma_wait3A_379 = arith.constant 3 : i32
      %dma_wait3A_380 = arith.constant 0 : i32
      %dma_wait3A_381 = tpu.memref_slice %arg8[%dma_wait3A_379, %dma_wait3A_380] : memref<8x64xi32, #tpu.memory_space<vmem>> -> memref<1x64xi32, #tpu.memory_space<vmem>>
      %dma_wait3A_382 = tpu.memref_squeeze %dma_wait3A_381 : memref<1x64xi32, #tpu.memory_space<vmem>> -> memref<64xi32, #tpu.memory_space<vmem>>
      %dma_wait3A_383 = arith.constant 0 : i32
      %dma_wait3A_384 = arith.constant 0 : i32
      %dma_wait3A_385 = tpu.memref_slice %arg16[%dma_wait3A_383, %dma_wait3A_384] : memref<10240x128xf32, #tpu.memory_space<vmem_shared>> -> memref<10240x128xf32, #tpu.memory_space<vmem_shared>>
      tpu.wait_indirect_dma semaphore(%arg25 : memref<!tpu.dma_semaphore, #tpu.memory_space<semaphore_mem>>) src(%arg14 : memref<64x128xf32, #tpu.memory_space<vmem>>) dst(%dma_wait3A_385 : memref<10240x128xf32, #tpu.memory_space<vmem_shared>>)
      %dma_start3A_386 = arith.constant 5 : i32
      %dma_start3A_387 = arith.constant 0 : i32
      %dma_start3A_388 = tpu.memref_slice %arg8[%dma_start3A_386, %dma_start3A_387] : memref<8x64xi32, #tpu.memory_space<vmem>> -> memref<1x64xi32, #tpu.memory_space<vmem>>
      %dma_start3A_389 = tpu.memref_squeeze %dma_start3A_388 : memref<1x64xi32, #tpu.memory_space<vmem>> -> memref<64xi32, #tpu.memory_space<vmem>>
      %dma_start3A_390 = arith.constant 0 : i32
      %dma_start3A_391 = tpu.memref_slice %arg17[%dma_start3A_390] : memref<10240xf32, #tpu.memory_space<vmem_shared>> -> memref<10240xf32, #tpu.memory_space<vmem_shared>>
      tpu.enqueue_indirect_dma source(%arg15 : memref<64xf32, #tpu.memory_space<vmem>>) target(%dma_start3A_391 : memref<10240xf32, #tpu.memory_space<vmem_shared>>) offsets(%dma_start3A_389 : memref<64xi32, #tpu.memory_space<vmem>>) semaphore(%arg28 : memref<!tpu.dma_semaphore, #tpu.memory_space<semaphore_mem>>) {add = true}
      %dma_start3A_392 = arith.constant 7 : i32
      %dma_start3A_393 = arith.constant 0 : i32
      %dma_start3A_394 = tpu.memref_slice %arg7[%dma_start3A_392, %dma_start3A_393] : memref<8x64xi32, #tpu.memory_space<vmem>> -> memref<1x64xi32, #tpu.memory_space<vmem>>
      %dma_start3A_395 = tpu.memref_squeeze %dma_start3A_394 : memref<1x64xi32, #tpu.memory_space<vmem>> -> memref<64xi32, #tpu.memory_space<vmem>>
      %dma_start3A_396 = arith.constant 0 : i32
      %dma_start3A_397 = arith.constant 0 : i32
      %dma_start3A_398 = tpu.memref_slice %arg2[%dma_start3A_396, %dma_start3A_397] : memref<10000x128xf32, #tpu.memory_space<hbm>> -> memref<10000x128xf32, #tpu.memory_space<hbm>>
      tpu.enqueue_indirect_dma source(%dma_start3A_398 : memref<10000x128xf32, #tpu.memory_space<hbm>>) target(%arg14 : memref<64x128xf32, #tpu.memory_space<vmem>>) offsets(%dma_start3A_395 : memref<64xi32, #tpu.memory_space<vmem>>) semaphore(%arg21 : memref<!tpu.dma_semaphore, #tpu.memory_space<semaphore_mem>>)
      %dma_wait3A_399 = arith.constant 6 : i32
      %dma_wait3A_400 = arith.constant 0 : i32
      %dma_wait3A_401 = tpu.memref_slice %arg7[%dma_wait3A_399, %dma_wait3A_400] : memref<8x64xi32, #tpu.memory_space<vmem>> -> memref<1x64xi32, #tpu.memory_space<vmem>>
      %dma_wait3A_402 = tpu.memref_squeeze %dma_wait3A_401 : memref<1x64xi32, #tpu.memory_space<vmem>> -> memref<64xi32, #tpu.memory_space<vmem>>
      %dma_wait3A_403 = arith.constant 0 : i32
      %dma_wait3A_404 = arith.constant 0 : i32
      %dma_wait3A_405 = tpu.memref_slice %arg2[%dma_wait3A_403, %dma_wait3A_404] : memref<10000x128xf32, #tpu.memory_space<hbm>> -> memref<10000x128xf32, #tpu.memory_space<hbm>>
      tpu.wait_indirect_dma semaphore(%arg20 : memref<!tpu.dma_semaphore, #tpu.memory_space<semaphore_mem>>) src(%dma_wait3A_405 : memref<10000x128xf32, #tpu.memory_space<hbm>>) dst(%arg13 : memref<64x128xf32, #tpu.memory_space<vmem>>)
      %dma_start3A_406 = arith.constant 6 : i32
      %dma_start3A_407 = arith.constant 0 : i32
      %dma_start3A_408 = tpu.memref_slice %arg8[%dma_start3A_406, %dma_start3A_407] : memref<8x64xi32, #tpu.memory_space<vmem>> -> memref<1x64xi32, #tpu.memory_space<vmem>>
      %dma_start3A_409 = tpu.memref_squeeze %dma_start3A_408 : memref<1x64xi32, #tpu.memory_space<vmem>> -> memref<64xi32, #tpu.memory_space<vmem>>
      %dma_start3A_410 = arith.constant 0 : i32
      %dma_start3A_411 = arith.constant 0 : i32
      %dma_start3A_412 = tpu.memref_slice %arg16[%dma_start3A_410, %dma_start3A_411] : memref<10240x128xf32, #tpu.memory_space<vmem_shared>> -> memref<10240x128xf32, #tpu.memory_space<vmem_shared>>
      tpu.enqueue_indirect_dma source(%arg13 : memref<64x128xf32, #tpu.memory_space<vmem>>) target(%dma_start3A_412 : memref<10240x128xf32, #tpu.memory_space<vmem_shared>>) offsets(%dma_start3A_409 : memref<64xi32, #tpu.memory_space<vmem>>) semaphore(%arg24 : memref<!tpu.dma_semaphore, #tpu.memory_space<semaphore_mem>>) {add = true}
      %dma_wait3A_413 = arith.constant 4 : i32
      %dma_wait3A_414 = arith.constant 0 : i32
      %dma_wait3A_415 = tpu.memref_slice %arg8[%dma_wait3A_413, %dma_wait3A_414] : memref<8x64xi32, #tpu.memory_space<vmem>> -> memref<1x64xi32, #tpu.memory_space<vmem>>
      %dma_wait3A_416 = tpu.memref_squeeze %dma_wait3A_415 : memref<1x64xi32, #tpu.memory_space<vmem>> -> memref<64xi32, #tpu.memory_space<vmem>>
      %dma_wait3A_417 = arith.constant 0 : i32
      %dma_wait3A_418 = arith.constant 0 : i32
      %dma_wait3A_419 = tpu.memref_slice %arg16[%dma_wait3A_417, %dma_wait3A_418] : memref<10240x128xf32, #tpu.memory_space<vmem_shared>> -> memref<10240x128xf32, #tpu.memory_space<vmem_shared>>
      tpu.wait_indirect_dma semaphore(%arg22 : memref<!tpu.dma_semaphore, #tpu.memory_space<semaphore_mem>>) src(%arg11 : memref<64x128xf32, #tpu.memory_space<vmem>>) dst(%dma_wait3A_419 : memref<10240x128xf32, #tpu.memory_space<vmem_shared>>)
      %dma_start3A_420 = arith.constant 6 : i32
      %dma_start3A_421 = arith.constant 0 : i32
      %dma_start3A_422 = tpu.memref_slice %arg8[%dma_start3A_420, %dma_start3A_421] : memref<8x64xi32, #tpu.memory_space<vmem>> -> memref<1x64xi32, #tpu.memory_space<vmem>>
      %dma_start3A_423 = tpu.memref_squeeze %dma_start3A_422 : memref<1x64xi32, #tpu.memory_space<vmem>> -> memref<64xi32, #tpu.memory_space<vmem>>
      %dma_start3A_424 = arith.constant 0 : i32
      %dma_start3A_425 = tpu.memref_slice %arg17[%dma_start3A_424] : memref<10240xf32, #tpu.memory_space<vmem_shared>> -> memref<10240xf32, #tpu.memory_space<vmem_shared>>
      tpu.enqueue_indirect_dma source(%arg15 : memref<64xf32, #tpu.memory_space<vmem>>) target(%dma_start3A_425 : memref<10240xf32, #tpu.memory_space<vmem_shared>>) offsets(%dma_start3A_423 : memref<64xi32, #tpu.memory_space<vmem>>) semaphore(%arg28 : memref<!tpu.dma_semaphore, #tpu.memory_space<semaphore_mem>>) {add = true}
      %mul3A_426 = arith.constant 2 : i32
      %mul3A_427 = arith.muli %mul3A_426, %scan3A_176 : i32
      %add3A_428 = arith.constant 1 : i32
      %add3A_429 = arith.addi %mul3A_427, %add3A_428 : i32
      %mul3A_430 = arith.constant 8 : i32
      %mul3A_431 = arith.muli %add3A_429, %mul3A_430 : i32
      %dma_wait3A_432 = arith.constant 0 : i32
      %dma_wait3A_433 = tpu.memref_slice %arg3[%add3A, %mul3A_431, %dma_wait3A_432] : memref<32x160x64xi32, #tpu.memory_space<hbm>> -> memref<1x8x64xi32, #tpu.memory_space<hbm>>
      %dma_wait3A_434 = tpu.memref_squeeze %dma_wait3A_433 : memref<1x8x64xi32, #tpu.memory_space<hbm>> -> memref<8x64xi32, #tpu.memory_space<hbm>>
      %dma_wait3A_435 = arith.constant 0 : i32
      %dma_wait3A_436 = tpu.memref_slice %arg3[%add3A, %mul3A_431, %dma_wait3A_435] : memref<32x160x64xi32, #tpu.memory_space<hbm>> -> memref<1x8x64xi32, #tpu.memory_space<hbm>>
      %dma_wait3A_437 = tpu.memref_squeeze %dma_wait3A_436 : memref<1x8x64xi32, #tpu.memory_space<hbm>> -> memref<8x64xi32, #tpu.memory_space<hbm>>
      tpu.wait_dma2 semaphore(%arg27 : memref<!tpu.dma_semaphore, #tpu.memory_space<semaphore_mem>>) src(%dma_wait3A_437 : memref<8x64xi32, #tpu.memory_space<hbm>>) dst(%arg9 : memref<8x64xi32, #tpu.memory_space<vmem>>)
      %mul3A_438 = arith.constant 8 : i32
      %mul3A_439 = arith.muli %add3A_429, %mul3A_438 : i32
      %dma_wait3A_440 = arith.constant 0 : i32
      %dma_wait3A_441 = tpu.memref_slice %arg4[%add3A, %mul3A_439, %dma_wait3A_440] : memref<32x160x64xi32, #tpu.memory_space<hbm>> -> memref<1x8x64xi32, #tpu.memory_space<hbm>>
      %dma_wait3A_442 = tpu.memref_squeeze %dma_wait3A_441 : memref<1x8x64xi32, #tpu.memory_space<hbm>> -> memref<8x64xi32, #tpu.memory_space<hbm>>
      %dma_wait3A_443 = arith.constant 0 : i32
      %dma_wait3A_444 = tpu.memref_slice %arg4[%add3A, %mul3A_439, %dma_wait3A_443] : memref<32x160x64xi32, #tpu.memory_space<hbm>> -> memref<1x8x64xi32, #tpu.memory_space<hbm>>
      %dma_wait3A_445 = tpu.memref_squeeze %dma_wait3A_444 : memref<1x8x64xi32, #tpu.memory_space<hbm>> -> memref<8x64xi32, #tpu.memory_space<hbm>>
      tpu.wait_dma2 semaphore(%arg27 : memref<!tpu.dma_semaphore, #tpu.memory_space<semaphore_mem>>) src(%dma_wait3A_445 : memref<8x64xi32, #tpu.memory_space<hbm>>) dst(%arg10 : memref<8x64xi32, #tpu.memory_space<vmem>>)
      %dma_start3A_446 = arith.constant 0 : i32
      %dma_start3A_447 = arith.constant 0 : i32
      %dma_start3A_448 = tpu.memref_slice %arg9[%dma_start3A_446, %dma_start3A_447] : memref<8x64xi32, #tpu.memory_space<vmem>> -> memref<1x64xi32, #tpu.memory_space<vmem>>
      %dma_start3A_449 = tpu.memref_squeeze %dma_start3A_448 : memref<1x64xi32, #tpu.memory_space<vmem>> -> memref<64xi32, #tpu.memory_space<vmem>>
      %dma_start3A_450 = arith.constant 0 : i32
      %dma_start3A_451 = arith.constant 0 : i32
      %dma_start3A_452 = tpu.memref_slice %arg2[%dma_start3A_450, %dma_start3A_451] : memref<10000x128xf32, #tpu.memory_space<hbm>> -> memref<10000x128xf32, #tpu.memory_space<hbm>>
      tpu.enqueue_indirect_dma source(%dma_start3A_452 : memref<10000x128xf32, #tpu.memory_space<hbm>>) target(%arg11 : memref<64x128xf32, #tpu.memory_space<vmem>>) offsets(%dma_start3A_449 : memref<64xi32, #tpu.memory_space<vmem>>) semaphore(%arg18 : memref<!tpu.dma_semaphore, #tpu.memory_space<semaphore_mem>>)
      %dma_wait3A_453 = arith.constant 7 : i32
      %dma_wait3A_454 = arith.constant 0 : i32
      %dma_wait3A_455 = tpu.memref_slice %arg7[%dma_wait3A_453, %dma_wait3A_454] : memref<8x64xi32, #tpu.memory_space<vmem>> -> memref<1x64xi32, #tpu.memory_space<vmem>>
      %dma_wait3A_456 = tpu.memref_squeeze %dma_wait3A_455 : memref<1x64xi32, #tpu.memory_space<vmem>> -> memref<64xi32, #tpu.memory_space<vmem>>
      %dma_wait3A_457 = arith.constant 0 : i32
      %dma_wait3A_458 = arith.constant 0 : i32
      %dma_wait3A_459 = tpu.memref_slice %arg2[%dma_wait3A_457, %dma_wait3A_458] : memref<10000x128xf32, #tpu.memory_space<hbm>> -> memref<10000x128xf32, #tpu.memory_space<hbm>>
      tpu.wait_indirect_dma semaphore(%arg21 : memref<!tpu.dma_semaphore, #tpu.memory_space<semaphore_mem>>) src(%dma_wait3A_459 : memref<10000x128xf32, #tpu.memory_space<hbm>>) dst(%arg14 : memref<64x128xf32, #tpu.memory_space<vmem>>)
      %dma_start3A_460 = arith.constant 7 : i32
      %dma_start3A_461 = arith.constant 0 : i32
      %dma_start3A_462 = tpu.memref_slice %arg8[%dma_start3A_460, %dma_start3A_461] : memref<8x64xi32, #tpu.memory_space<vmem>> -> memref<1x64xi32, #tpu.memory_space<vmem>>
      %dma_start3A_463 = tpu.memref_squeeze %dma_start3A_462 : memref<1x64xi32, #tpu.memory_space<vmem>> -> memref<64xi32, #tpu.memory_space<vmem>>
      %dma_start3A_464 = arith.constant 0 : i32
      %dma_start3A_465 = arith.constant 0 : i32
      %dma_start3A_466 = tpu.memref_slice %arg16[%dma_start3A_464, %dma_start3A_465] : memref<10240x128xf32, #tpu.memory_space<vmem_shared>> -> memref<10240x128xf32, #tpu.memory_space<vmem_shared>>
      tpu.enqueue_indirect_dma source(%arg14 : memref<64x128xf32, #tpu.memory_space<vmem>>) target(%dma_start3A_466 : memref<10240x128xf32, #tpu.memory_space<vmem_shared>>) offsets(%dma_start3A_463 : memref<64xi32, #tpu.memory_space<vmem>>) semaphore(%arg25 : memref<!tpu.dma_semaphore, #tpu.memory_space<semaphore_mem>>) {add = true}
      %dma_wait3A_467 = arith.constant 5 : i32
      %dma_wait3A_468 = arith.constant 0 : i32
      %dma_wait3A_469 = tpu.memref_slice %arg8[%dma_wait3A_467, %dma_wait3A_468] : memref<8x64xi32, #tpu.memory_space<vmem>> -> memref<1x64xi32, #tpu.memory_space<vmem>>
      %dma_wait3A_470 = tpu.memref_squeeze %dma_wait3A_469 : memref<1x64xi32, #tpu.memory_space<vmem>> -> memref<64xi32, #tpu.memory_space<vmem>>
      %dma_wait3A_471 = arith.constant 0 : i32
      %dma_wait3A_472 = arith.constant 0 : i32
      %dma_wait3A_473 = tpu.memref_slice %arg16[%dma_wait3A_471, %dma_wait3A_472] : memref<10240x128xf32, #tpu.memory_space<vmem_shared>> -> memref<10240x128xf32, #tpu.memory_space<vmem_shared>>
      tpu.wait_indirect_dma semaphore(%arg23 : memref<!tpu.dma_semaphore, #tpu.memory_space<semaphore_mem>>) src(%arg12 : memref<64x128xf32, #tpu.memory_space<vmem>>) dst(%dma_wait3A_473 : memref<10240x128xf32, #tpu.memory_space<vmem_shared>>)
      %dma_start3A_474 = arith.constant 7 : i32
      %dma_start3A_475 = arith.constant 0 : i32
      %dma_start3A_476 = tpu.memref_slice %arg8[%dma_start3A_474, %dma_start3A_475] : memref<8x64xi32, #tpu.memory_space<vmem>> -> memref<1x64xi32, #tpu.memory_space<vmem>>
      %dma_start3A_477 = tpu.memref_squeeze %dma_start3A_476 : memref<1x64xi32, #tpu.memory_space<vmem>> -> memref<64xi32, #tpu.memory_space<vmem>>
      %dma_start3A_478 = arith.constant 0 : i32
      %dma_start3A_479 = tpu.memref_slice %arg17[%dma_start3A_478] : memref<10240xf32, #tpu.memory_space<vmem_shared>> -> memref<10240xf32, #tpu.memory_space<vmem_shared>>
      tpu.enqueue_indirect_dma source(%arg15 : memref<64xf32, #tpu.memory_space<vmem>>) target(%dma_start3A_479 : memref<10240xf32, #tpu.memory_space<vmem_shared>>) offsets(%dma_start3A_477 : memref<64xi32, #tpu.memory_space<vmem>>) semaphore(%arg28 : memref<!tpu.dma_semaphore, #tpu.memory_space<semaphore_mem>>) {add = true}
      %dma_start3A_480 = arith.constant 1 : i32
      %dma_start3A_481 = arith.constant 0 : i32
      %dma_start3A_482 = tpu.memref_slice %arg9[%dma_start3A_480, %dma_start3A_481] : memref<8x64xi32, #tpu.memory_space<vmem>> -> memref<1x64xi32, #tpu.memory_space<vmem>>
      %dma_start3A_483 = tpu.memref_squeeze %dma_start3A_482 : memref<1x64xi32, #tpu.memory_space<vmem>> -> memref<64xi32, #tpu.memory_space<vmem>>
      %dma_start3A_484 = arith.constant 0 : i32
      %dma_start3A_485 = arith.constant 0 : i32
      %dma_start3A_486 = tpu.memref_slice %arg2[%dma_start3A_484, %dma_start3A_485] : memref<10000x128xf32, #tpu.memory_space<hbm>> -> memref<10000x128xf32, #tpu.memory_space<hbm>>
      tpu.enqueue_indirect_dma source(%dma_start3A_486 : memref<10000x128xf32, #tpu.memory_space<hbm>>) target(%arg12 : memref<64x128xf32, #tpu.memory_space<vmem>>) offsets(%dma_start3A_483 : memref<64xi32, #tpu.memory_space<vmem>>) semaphore(%arg19 : memref<!tpu.dma_semaphore, #tpu.memory_space<semaphore_mem>>)
      %dma_wait3A_487 = arith.constant 0 : i32
      %dma_wait3A_488 = arith.constant 0 : i32
      %dma_wait3A_489 = tpu.memref_slice %arg9[%dma_wait3A_487, %dma_wait3A_488] : memref<8x64xi32, #tpu.memory_space<vmem>> -> memref<1x64xi32, #tpu.memory_space<vmem>>
      %dma_wait3A_490 = tpu.memref_squeeze %dma_wait3A_489 : memref<1x64xi32, #tpu.memory_space<vmem>> -> memref<64xi32, #tpu.memory_space<vmem>>
      %dma_wait3A_491 = arith.constant 0 : i32
      %dma_wait3A_492 = arith.constant 0 : i32
      %dma_wait3A_493 = tpu.memref_slice %arg2[%dma_wait3A_491, %dma_wait3A_492] : memref<10000x128xf32, #tpu.memory_space<hbm>> -> memref<10000x128xf32, #tpu.memory_space<hbm>>
      tpu.wait_indirect_dma semaphore(%arg18 : memref<!tpu.dma_semaphore, #tpu.memory_space<semaphore_mem>>) src(%dma_wait3A_493 : memref<10000x128xf32, #tpu.memory_space<hbm>>) dst(%arg11 : memref<64x128xf32, #tpu.memory_space<vmem>>)
      %dma_start3A_494 = arith.constant 0 : i32
      %dma_start3A_495 = arith.constant 0 : i32
      %dma_start3A_496 = tpu.memref_slice %arg10[%dma_start3A_494, %dma_start3A_495] : memref<8x64xi32, #tpu.memory_space<vmem>> -> memref<1x64xi32, #tpu.memory_space<vmem>>
      %dma_start3A_497 = tpu.memref_squeeze %dma_start3A_496 : memref<1x64xi32, #tpu.memory_space<vmem>> -> memref<64xi32, #tpu.memory_space<vmem>>
      %dma_start3A_498 = arith.constant 0 : i32
      %dma_start3A_499 = arith.constant 0 : i32
      %dma_start3A_500 = tpu.memref_slice %arg16[%dma_start3A_498, %dma_start3A_499] : memref<10240x128xf32, #tpu.memory_space<vmem_shared>> -> memref<10240x128xf32, #tpu.memory_space<vmem_shared>>
      tpu.enqueue_indirect_dma source(%arg11 : memref<64x128xf32, #tpu.memory_space<vmem>>) target(%dma_start3A_500 : memref<10240x128xf32, #tpu.memory_space<vmem_shared>>) offsets(%dma_start3A_497 : memref<64xi32, #tpu.memory_space<vmem>>) semaphore(%arg22 : memref<!tpu.dma_semaphore, #tpu.memory_space<semaphore_mem>>) {add = true}
      %dma_wait3A_501 = arith.constant 6 : i32
      %dma_wait3A_502 = arith.constant 0 : i32
      %dma_wait3A_503 = tpu.memref_slice %arg8[%dma_wait3A_501, %dma_wait3A_502] : memref<8x64xi32, #tpu.memory_space<vmem>> -> memref<1x64xi32, #tpu.memory_space<vmem>>
      %dma_wait3A_504 = tpu.memref_squeeze %dma_wait3A_503 : memref<1x64xi32, #tpu.memory_space<vmem>> -> memref<64xi32, #tpu.memory_space<vmem>>
      %dma_wait3A_505 = arith.constant 0 : i32
      %dma_wait3A_506 = arith.constant 0 : i32
      %dma_wait3A_507 = tpu.memref_slice %arg16[%dma_wait3A_505, %dma_wait3A_506] : memref<10240x128xf32, #tpu.memory_space<vmem_shared>> -> memref<10240x128xf32, #tpu.memory_space<vmem_shared>>
      tpu.wait_indirect_dma semaphore(%arg24 : memref<!tpu.dma_semaphore, #tpu.memory_space<semaphore_mem>>) src(%arg13 : memref<64x128xf32, #tpu.memory_space<vmem>>) dst(%dma_wait3A_507 : memref<10240x128xf32, #tpu.memory_space<vmem_shared>>)
      %dma_start3A_508 = arith.constant 0 : i32
      %dma_start3A_509 = arith.constant 0 : i32
      %dma_start3A_510 = tpu.memref_slice %arg10[%dma_start3A_508, %dma_start3A_509] : memref<8x64xi32, #tpu.memory_space<vmem>> -> memref<1x64xi32, #tpu.memory_space<vmem>>
      %dma_start3A_511 = tpu.memref_squeeze %dma_start3A_510 : memref<1x64xi32, #tpu.memory_space<vmem>> -> memref<64xi32, #tpu.memory_space<vmem>>
      %dma_start3A_512 = arith.constant 0 : i32
      %dma_start3A_513 = tpu.memref_slice %arg17[%dma_start3A_512] : memref<10240xf32, #tpu.memory_space<vmem_shared>> -> memref<10240xf32, #tpu.memory_space<vmem_shared>>
      tpu.enqueue_indirect_dma source(%arg15 : memref<64xf32, #tpu.memory_space<vmem>>) target(%dma_start3A_513 : memref<10240xf32, #tpu.memory_space<vmem_shared>>) offsets(%dma_start3A_511 : memref<64xi32, #tpu.memory_space<vmem>>) semaphore(%arg29 : memref<!tpu.dma_semaphore, #tpu.memory_space<semaphore_mem>>) {add = true}
      %dma_start3A_514 = arith.constant 2 : i32
      %dma_start3A_515 = arith.constant 0 : i32
      %dma_start3A_516 = tpu.memref_slice %arg9[%dma_start3A_514, %dma_start3A_515] : memref<8x64xi32, #tpu.memory_space<vmem>> -> memref<1x64xi32, #tpu.memory_space<vmem>>
      %dma_start3A_517 = tpu.memref_squeeze %dma_start3A_516 : memref<1x64xi32, #tpu.memory_space<vmem>> -> memref<64xi32, #tpu.memory_space<vmem>>
      %dma_start3A_518 = arith.constant 0 : i32
      %dma_start3A_519 = arith.constant 0 : i32
      %dma_start3A_520 = tpu.memref_slice %arg2[%dma_start3A_518, %dma_start3A_519] : memref<10000x128xf32, #tpu.memory_space<hbm>> -> memref<10000x128xf32, #tpu.memory_space<hbm>>
      tpu.enqueue_indirect_dma source(%dma_start3A_520 : memref<10000x128xf32, #tpu.memory_space<hbm>>) target(%arg13 : memref<64x128xf32, #tpu.memory_space<vmem>>) offsets(%dma_start3A_517 : memref<64xi32, #tpu.memory_space<vmem>>) semaphore(%arg20 : memref<!tpu.dma_semaphore, #tpu.memory_space<semaphore_mem>>)
      %dma_wait3A_521 = arith.constant 1 : i32
      %dma_wait3A_522 = arith.constant 0 : i32
      %dma_wait3A_523 = tpu.memref_slice %arg9[%dma_wait3A_521, %dma_wait3A_522] : memref<8x64xi32, #tpu.memory_space<vmem>> -> memref<1x64xi32, #tpu.memory_space<vmem>>
      %dma_wait3A_524 = tpu.memref_squeeze %dma_wait3A_523 : memref<1x64xi32, #tpu.memory_space<vmem>> -> memref<64xi32, #tpu.memory_space<vmem>>
      %dma_wait3A_525 = arith.constant 0 : i32
      %dma_wait3A_526 = arith.constant 0 : i32
      %dma_wait3A_527 = tpu.memref_slice %arg2[%dma_wait3A_525, %dma_wait3A_526] : memref<10000x128xf32, #tpu.memory_space<hbm>> -> memref<10000x128xf32, #tpu.memory_space<hbm>>
      tpu.wait_indirect_dma semaphore(%arg19 : memref<!tpu.dma_semaphore, #tpu.memory_space<semaphore_mem>>) src(%dma_wait3A_527 : memref<10000x128xf32, #tpu.memory_space<hbm>>) dst(%arg12 : memref<64x128xf32, #tpu.memory_space<vmem>>)
      %dma_start3A_528 = arith.constant 1 : i32
      %dma_start3A_529 = arith.constant 0 : i32
      %dma_start3A_530 = tpu.memref_slice %arg10[%dma_start3A_528, %dma_start3A_529] : memref<8x64xi32, #tpu.memory_space<vmem>> -> memref<1x64xi32, #tpu.memory_space<vmem>>
      %dma_start3A_531 = tpu.memref_squeeze %dma_start3A_530 : memref<1x64xi32, #tpu.memory_space<vmem>> -> memref<64xi32, #tpu.memory_space<vmem>>
      %dma_start3A_532 = arith.constant 0 : i32
      %dma_start3A_533 = arith.constant 0 : i32
      %dma_start3A_534 = tpu.memref_slice %arg16[%dma_start3A_532, %dma_start3A_533] : memref<10240x128xf32, #tpu.memory_space<vmem_shared>> -> memref<10240x128xf32, #tpu.memory_space<vmem_shared>>
      tpu.enqueue_indirect_dma source(%arg12 : memref<64x128xf32, #tpu.memory_space<vmem>>) target(%dma_start3A_534 : memref<10240x128xf32, #tpu.memory_space<vmem_shared>>) offsets(%dma_start3A_531 : memref<64xi32, #tpu.memory_space<vmem>>) semaphore(%arg23 : memref<!tpu.dma_semaphore, #tpu.memory_space<semaphore_mem>>) {add = true}
      %dma_wait3A_535 = arith.constant 7 : i32
      %dma_wait3A_536 = arith.constant 0 : i32
      %dma_wait3A_537 = tpu.memref_slice %arg8[%dma_wait3A_535, %dma_wait3A_536] : memref<8x64xi32, #tpu.memory_space<vmem>> -> memref<1x64xi32, #tpu.memory_space<vmem>>
      %dma_wait3A_538 = tpu.memref_squeeze %dma_wait3A_537 : memref<1x64xi32, #tpu.memory_space<vmem>> -> memref<64xi32, #tpu.memory_space<vmem>>
      %dma_wait3A_539 = arith.constant 0 : i32
      %dma_wait3A_540 = arith.constant 0 : i32
      %dma_wait3A_541 = tpu.memref_slice %arg16[%dma_wait3A_539, %dma_wait3A_540] : memref<10240x128xf32, #tpu.memory_space<vmem_shared>> -> memref<10240x128xf32, #tpu.memory_space<vmem_shared>>
      tpu.wait_indirect_dma semaphore(%arg25 : memref<!tpu.dma_semaphore, #tpu.memory_space<semaphore_mem>>) src(%arg14 : memref<64x128xf32, #tpu.memory_space<vmem>>) dst(%dma_wait3A_541 : memref<10240x128xf32, #tpu.memory_space<vmem_shared>>)
      %dma_start3A_542 = arith.constant 1 : i32
      %dma_start3A_543 = arith.constant 0 : i32
      %dma_start3A_544 = tpu.memref_slice %arg10[%dma_start3A_542, %dma_start3A_543] : memref<8x64xi32, #tpu.memory_space<vmem>> -> memref<1x64xi32, #tpu.memory_space<vmem>>
      %dma_start3A_545 = tpu.memref_squeeze %dma_start3A_544 : memref<1x64xi32, #tpu.memory_space<vmem>> -> memref<64xi32, #tpu.memory_space<vmem>>
      %dma_start3A_546 = arith.constant 0 : i32
      %dma_start3A_547 = tpu.memref_slice %arg17[%dma_start3A_546] : memref<10240xf32, #tpu.memory_space<vmem_shared>> -> memref<10240xf32, #tpu.memory_space<vmem_shared>>
      tpu.enqueue_indirect_dma source(%arg15 : memref<64xf32, #tpu.memory_space<vmem>>) target(%dma_start3A_547 : memref<10240xf32, #tpu.memory_space<vmem_shared>>) offsets(%dma_start3A_545 : memref<64xi32, #tpu.memory_space<vmem>>) semaphore(%arg29 : memref<!tpu.dma_semaphore, #tpu.memory_space<semaphore_mem>>) {add = true}
      %dma_start3A_548 = arith.constant 3 : i32
      %dma_start3A_549 = arith.constant 0 : i32
      %dma_start3A_550 = tpu.memref_slice %arg9[%dma_start3A_548, %dma_start3A_549] : memref<8x64xi32, #tpu.memory_space<vmem>> -> memref<1x64xi32, #tpu.memory_space<vmem>>
      %dma_start3A_551 = tpu.memref_squeeze %dma_start3A_550 : memref<1x64xi32, #tpu.memory_space<vmem>> -> memref<64xi32, #tpu.memory_space<vmem>>
      %dma_start3A_552 = arith.constant 0 : i32
      %dma_start3A_553 = arith.constant 0 : i32
      %dma_start3A_554 = tpu.memref_slice %arg2[%dma_start3A_552, %dma_start3A_553] : memref<10000x128xf32, #tpu.memory_space<hbm>> -> memref<10000x128xf32, #tpu.memory_space<hbm>>
      tpu.enqueue_indirect_dma source(%dma_start3A_554 : memref<10000x128xf32, #tpu.memory_space<hbm>>) target(%arg14 : memref<64x128xf32, #tpu.memory_space<vmem>>) offsets(%dma_start3A_551 : memref<64xi32, #tpu.memory_space<vmem>>) semaphore(%arg21 : memref<!tpu.dma_semaphore, #tpu.memory_space<semaphore_mem>>)
      %dma_wait3A_555 = arith.constant 2 : i32
      %dma_wait3A_556 = arith.constant 0 : i32
      %dma_wait3A_557 = tpu.memref_slice %arg9[%dma_wait3A_555, %dma_wait3A_556] : memref<8x64xi32, #tpu.memory_space<vmem>> -> memref<1x64xi32, #tpu.memory_space<vmem>>
      %dma_wait3A_558 = tpu.memref_squeeze %dma_wait3A_557 : memref<1x64xi32, #tpu.memory_space<vmem>> -> memref<64xi32, #tpu.memory_space<vmem>>
      %dma_wait3A_559 = arith.constant 0 : i32
      %dma_wait3A_560 = arith.constant 0 : i32
      %dma_wait3A_561 = tpu.memref_slice %arg2[%dma_wait3A_559, %dma_wait3A_560] : memref<10000x128xf32, #tpu.memory_space<hbm>> -> memref<10000x128xf32, #tpu.memory_space<hbm>>
      tpu.wait_indirect_dma semaphore(%arg20 : memref<!tpu.dma_semaphore, #tpu.memory_space<semaphore_mem>>) src(%dma_wait3A_561 : memref<10000x128xf32, #tpu.memory_space<hbm>>) dst(%arg13 : memref<64x128xf32, #tpu.memory_space<vmem>>)
      %dma_start3A_562 = arith.constant 2 : i32
      %dma_start3A_563 = arith.constant 0 : i32
      %dma_start3A_564 = tpu.memref_slice %arg10[%dma_start3A_562, %dma_start3A_563] : memref<8x64xi32, #tpu.memory_space<vmem>> -> memref<1x64xi32, #tpu.memory_space<vmem>>
      %dma_start3A_565 = tpu.memref_squeeze %dma_start3A_564 : memref<1x64xi32, #tpu.memory_space<vmem>> -> memref<64xi32, #tpu.memory_space<vmem>>
      %dma_start3A_566 = arith.constant 0 : i32
      %dma_start3A_567 = arith.constant 0 : i32
      %dma_start3A_568 = tpu.memref_slice %arg16[%dma_start3A_566, %dma_start3A_567] : memref<10240x128xf32, #tpu.memory_space<vmem_shared>> -> memref<10240x128xf32, #tpu.memory_space<vmem_shared>>
      tpu.enqueue_indirect_dma source(%arg13 : memref<64x128xf32, #tpu.memory_space<vmem>>) target(%dma_start3A_568 : memref<10240x128xf32, #tpu.memory_space<vmem_shared>>) offsets(%dma_start3A_565 : memref<64xi32, #tpu.memory_space<vmem>>) semaphore(%arg24 : memref<!tpu.dma_semaphore, #tpu.memory_space<semaphore_mem>>) {add = true}
      %dma_wait3A_569 = arith.constant 0 : i32
      %dma_wait3A_570 = arith.constant 0 : i32
      %dma_wait3A_571 = tpu.memref_slice %arg10[%dma_wait3A_569, %dma_wait3A_570] : memref<8x64xi32, #tpu.memory_space<vmem>> -> memref<1x64xi32, #tpu.memory_space<vmem>>
      %dma_wait3A_572 = tpu.memref_squeeze %dma_wait3A_571 : memref<1x64xi32, #tpu.memory_space<vmem>> -> memref<64xi32, #tpu.memory_space<vmem>>
      %dma_wait3A_573 = arith.constant 0 : i32
      %dma_wait3A_574 = arith.constant 0 : i32
      %dma_wait3A_575 = tpu.memref_slice %arg16[%dma_wait3A_573, %dma_wait3A_574] : memref<10240x128xf32, #tpu.memory_space<vmem_shared>> -> memref<10240x128xf32, #tpu.memory_space<vmem_shared>>
      tpu.wait_indirect_dma semaphore(%arg22 : memref<!tpu.dma_semaphore, #tpu.memory_space<semaphore_mem>>) src(%arg11 : memref<64x128xf32, #tpu.memory_space<vmem>>) dst(%dma_wait3A_575 : memref<10240x128xf32, #tpu.memory_space<vmem_shared>>)
      %dma_wait3A_576 = arith.constant 0 : i32
      %dma_wait3A_577 = arith.constant 0 : i32
      %dma_wait3A_578 = tpu.memref_slice %arg8[%dma_wait3A_576, %dma_wait3A_577] : memref<8x64xi32, #tpu.memory_space<vmem>> -> memref<1x64xi32, #tpu.memory_space<vmem>>
      %dma_wait3A_579 = tpu.memref_squeeze %dma_wait3A_578 : memref<1x64xi32, #tpu.memory_space<vmem>> -> memref<64xi32, #tpu.memory_space<vmem>>
      %dma_wait3A_580 = arith.constant 0 : i32
      %dma_wait3A_581 = tpu.memref_slice %arg17[%dma_wait3A_580] : memref<10240xf32, #tpu.memory_space<vmem_shared>> -> memref<10240xf32, #tpu.memory_space<vmem_shared>>
      tpu.wait_indirect_dma semaphore(%arg28 : memref<!tpu.dma_semaphore, #tpu.memory_space<semaphore_mem>>) src(%arg15 : memref<64xf32, #tpu.memory_space<vmem>>) dst(%dma_wait3A_581 : memref<10240xf32, #tpu.memory_space<vmem_shared>>)
      %dma_wait3A_582 = arith.constant 1 : i32
      %dma_wait3A_583 = arith.constant 0 : i32
      %dma_wait3A_584 = tpu.memref_slice %arg8[%dma_wait3A_582, %dma_wait3A_583] : memref<8x64xi32, #tpu.memory_space<vmem>> -> memref<1x64xi32, #tpu.memory_space<vmem>>
      %dma_wait3A_585 = tpu.memref_squeeze %dma_wait3A_584 : memref<1x64xi32, #tpu.memory_space<vmem>> -> memref<64xi32, #tpu.memory_space<vmem>>
      %dma_wait3A_586 = arith.constant 0 : i32
      %dma_wait3A_587 = tpu.memref_slice %arg17[%dma_wait3A_586] : memref<10240xf32, #tpu.memory_space<vmem_shared>> -> memref<10240xf32, #tpu.memory_space<vmem_shared>>
      tpu.wait_indirect_dma semaphore(%arg28 : memref<!tpu.dma_semaphore, #tpu.memory_space<semaphore_mem>>) src(%arg15 : memref<64xf32, #tpu.memory_space<vmem>>) dst(%dma_wait3A_587 : memref<10240xf32, #tpu.memory_space<vmem_shared>>)
      %dma_wait3A_588 = arith.constant 2 : i32
      %dma_wait3A_589 = arith.constant 0 : i32
      %dma_wait3A_590 = tpu.memref_slice %arg8[%dma_wait3A_588, %dma_wait3A_589] : memref<8x64xi32, #tpu.memory_space<vmem>> -> memref<1x64xi32, #tpu.memory_space<vmem>>
      %dma_wait3A_591 = tpu.memref_squeeze %dma_wait3A_590 : memref<1x64xi32, #tpu.memory_space<vmem>> -> memref<64xi32, #tpu.memory_space<vmem>>
      %dma_wait3A_592 = arith.constant 0 : i32
      %dma_wait3A_593 = tpu.memref_slice %arg17[%dma_wait3A_592] : memref<10240xf32, #tpu.memory_space<vmem_shared>> -> memref<10240xf32, #tpu.memory_space<vmem_shared>>
      tpu.wait_indirect_dma semaphore(%arg28 : memref<!tpu.dma_semaphore, #tpu.memory_space<semaphore_mem>>) src(%arg15 : memref<64xf32, #tpu.memory_space<vmem>>) dst(%dma_wait3A_593 : memref<10240xf32, #tpu.memory_space<vmem_shared>>)
      %dma_wait3A_594 = arith.constant 3 : i32
      %dma_wait3A_595 = arith.constant 0 : i32
      %dma_wait3A_596 = tpu.memref_slice %arg8[%dma_wait3A_594, %dma_wait3A_595] : memref<8x64xi32, #tpu.memory_space<vmem>> -> memref<1x64xi32, #tpu.memory_space<vmem>>
      %dma_wait3A_597 = tpu.memref_squeeze %dma_wait3A_596 : memref<1x64xi32, #tpu.memory_space<vmem>> -> memref<64xi32, #tpu.memory_space<vmem>>
      %dma_wait3A_598 = arith.constant 0 : i32
      %dma_wait3A_599 = tpu.memref_slice %arg17[%dma_wait3A_598] : memref<10240xf32, #tpu.memory_space<vmem_shared>> -> memref<10240xf32, #tpu.memory_space<vmem_shared>>
      tpu.wait_indirect_dma semaphore(%arg28 : memref<!tpu.dma_semaphore, #tpu.memory_space<semaphore_mem>>) src(%arg15 : memref<64xf32, #tpu.memory_space<vmem>>) dst(%dma_wait3A_599 : memref<10240xf32, #tpu.memory_space<vmem_shared>>)
      %dma_wait3A_600 = arith.constant 4 : i32
      %dma_wait3A_601 = arith.constant 0 : i32
      %dma_wait3A_602 = tpu.memref_slice %arg8[%dma_wait3A_600, %dma_wait3A_601] : memref<8x64xi32, #tpu.memory_space<vmem>> -> memref<1x64xi32, #tpu.memory_space<vmem>>
      %dma_wait3A_603 = tpu.memref_squeeze %dma_wait3A_602 : memref<1x64xi32, #tpu.memory_space<vmem>> -> memref<64xi32, #tpu.memory_space<vmem>>
      %dma_wait3A_604 = arith.constant 0 : i32
      %dma_wait3A_605 = tpu.memref_slice %arg17[%dma_wait3A_604] : memref<10240xf32, #tpu.memory_space<vmem_shared>> -> memref<10240xf32, #tpu.memory_space<vmem_shared>>
      tpu.wait_indirect_dma semaphore(%arg28 : memref<!tpu.dma_semaphore, #tpu.memory_space<semaphore_mem>>) src(%arg15 : memref<64xf32, #tpu.memory_space<vmem>>) dst(%dma_wait3A_605 : memref<10240xf32, #tpu.memory_space<vmem_shared>>)
      %dma_wait3A_606 = arith.constant 5 : i32
      %dma_wait3A_607 = arith.constant 0 : i32
      %dma_wait3A_608 = tpu.memref_slice %arg8[%dma_wait3A_606, %dma_wait3A_607] : memref<8x64xi32, #tpu.memory_space<vmem>> -> memref<1x64xi32, #tpu.memory_space<vmem>>
      %dma_wait3A_609 = tpu.memref_squeeze %dma_wait3A_608 : memref<1x64xi32, #tpu.memory_space<vmem>> -> memref<64xi32, #tpu.memory_space<vmem>>
      %dma_wait3A_610 = arith.constant 0 : i32
      %dma_wait3A_611 = tpu.memref_slice %arg17[%dma_wait3A_610] : memref<10240xf32, #tpu.memory_space<vmem_shared>> -> memref<10240xf32, #tpu.memory_space<vmem_shared>>
      tpu.wait_indirect_dma semaphore(%arg28 : memref<!tpu.dma_semaphore, #tpu.memory_space<semaphore_mem>>) src(%arg15 : memref<64xf32, #tpu.memory_space<vmem>>) dst(%dma_wait3A_611 : memref<10240xf32, #tpu.memory_space<vmem_shared>>)
      %dma_wait3A_612 = arith.constant 6 : i32
      %dma_wait3A_613 = arith.constant 0 : i32
      %dma_wait3A_614 = tpu.memref_slice %arg8[%dma_wait3A_612, %dma_wait3A_613] : memref<8x64xi32, #tpu.memory_space<vmem>> -> memref<1x64xi32, #tpu.memory_space<vmem>>
      %dma_wait3A_615 = tpu.memref_squeeze %dma_wait3A_614 : memref<1x64xi32, #tpu.memory_space<vmem>> -> memref<64xi32, #tpu.memory_space<vmem>>
      %dma_wait3A_616 = arith.constant 0 : i32
      %dma_wait3A_617 = tpu.memref_slice %arg17[%dma_wait3A_616] : memref<10240xf32, #tpu.memory_space<vmem_shared>> -> memref<10240xf32, #tpu.memory_space<vmem_shared>>
      tpu.wait_indirect_dma semaphore(%arg28 : memref<!tpu.dma_semaphore, #tpu.memory_space<semaphore_mem>>) src(%arg15 : memref<64xf32, #tpu.memory_space<vmem>>) dst(%dma_wait3A_617 : memref<10240xf32, #tpu.memory_space<vmem_shared>>)
      %dma_wait3A_618 = arith.constant 7 : i32
      %dma_wait3A_619 = arith.constant 0 : i32
      %dma_wait3A_620 = tpu.memref_slice %arg8[%dma_wait3A_618, %dma_wait3A_619] : memref<8x64xi32, #tpu.memory_space<vmem>> -> memref<1x64xi32, #tpu.memory_space<vmem>>
      %dma_wait3A_621 = tpu.memref_squeeze %dma_wait3A_620 : memref<1x64xi32, #tpu.memory_space<vmem>> -> memref<64xi32, #tpu.memory_space<vmem>>
      %dma_wait3A_622 = arith.constant 0 : i32
      %dma_wait3A_623 = tpu.memref_slice %arg17[%dma_wait3A_622] : memref<10240xf32, #tpu.memory_space<vmem_shared>> -> memref<10240xf32, #tpu.memory_space<vmem_shared>>
      tpu.wait_indirect_dma semaphore(%arg28 : memref<!tpu.dma_semaphore, #tpu.memory_space<semaphore_mem>>) src(%arg15 : memref<64xf32, #tpu.memory_space<vmem>>) dst(%dma_wait3A_623 : memref<10240xf32, #tpu.memory_space<vmem_shared>>)
      %lt3A = arith.constant 9 : i32
      %lt3A_624 = arith.cmpi slt, %scan3A_176, %lt3A : i32
      %convert_element_type3A_625 = arith.extui %lt3A_624 : i1 to i32
      %cond3A_626 = arith.constant 0 : i32
      %cond3A_627 = arith.cmpi ne, %convert_element_type3A_625, %cond3A_626 : i32
      scf.if %cond3A_627 {
        %mul3A_807 = arith.constant 2 : i32
        %mul3A_808 = arith.muli %mul3A_807, %scan3A_176 : i32
        %add3A_809 = arith.constant 2 : i32
        %add3A_810 = arith.addi %mul3A_808, %add3A_809 : i32
        %mul3A_811 = arith.constant 8 : i32
        %mul3A_812 = arith.muli %add3A_810, %mul3A_811 : i32
        %dma_start3A_813 = arith.constant 0 : i32
        %dma_start3A_814 = tpu.memref_slice %arg3[%add3A, %mul3A_812, %dma_start3A_813] : memref<32x160x64xi32, #tpu.memory_space<hbm>> -> memref<1x8x64xi32, #tpu.memory_space<hbm>>
        %dma_start3A_815 = tpu.memref_squeeze %dma_start3A_814 : memref<1x8x64xi32, #tpu.memory_space<hbm>> -> memref<8x64xi32, #tpu.memory_space<hbm>>
        %dma_start3A_816 = arith.constant 0 : i32
        %dma_start3A_817 = tpu.memref_slice %arg3[%add3A, %mul3A_812, %dma_start3A_816] : memref<32x160x64xi32, #tpu.memory_space<hbm>> -> memref<1x8x64xi32, #tpu.memory_space<hbm>>
        %dma_start3A_818 = tpu.memref_squeeze %dma_start3A_817 : memref<1x8x64xi32, #tpu.memory_space<hbm>> -> memref<8x64xi32, #tpu.memory_space<hbm>>
        tpu.enqueue_dma source(%dma_start3A_818 : memref<8x64xi32, #tpu.memory_space<hbm>>) target(%arg7 : memref<8x64xi32, #tpu.memory_space<vmem>>) target_semaphore(%arg26 : memref<!tpu.dma_semaphore, #tpu.memory_space<semaphore_mem>>)
        %mul3A_819 = arith.constant 8 : i32
        %mul3A_820 = arith.muli %add3A_810, %mul3A_819 : i32
        %dma_start3A_821 = arith.constant 0 : i32
        %dma_start3A_822 = tpu.memref_slice %arg4[%add3A, %mul3A_820, %dma_start3A_821] : memref<32x160x64xi32, #tpu.memory_space<hbm>> -> memref<1x8x64xi32, #tpu.memory_space<hbm>>
        %dma_start3A_823 = tpu.memref_squeeze %dma_start3A_822 : memref<1x8x64xi32, #tpu.memory_space<hbm>> -> memref<8x64xi32, #tpu.memory_space<hbm>>
        %dma_start3A_824 = arith.constant 0 : i32
        %dma_start3A_825 = tpu.memref_slice %arg4[%add3A, %mul3A_820, %dma_start3A_824] : memref<32x160x64xi32, #tpu.memory_space<hbm>> -> memref<1x8x64xi32, #tpu.memory_space<hbm>>
        %dma_start3A_826 = tpu.memref_squeeze %dma_start3A_825 : memref<1x8x64xi32, #tpu.memory_space<hbm>> -> memref<8x64xi32, #tpu.memory_space<hbm>>
        tpu.enqueue_dma source(%dma_start3A_826 : memref<8x64xi32, #tpu.memory_space<hbm>>) target(%arg8 : memref<8x64xi32, #tpu.memory_space<vmem>>) target_semaphore(%arg26 : memref<!tpu.dma_semaphore, #tpu.memory_space<semaphore_mem>>)
      } else {
      }
      %dma_start3A_628 = arith.constant 2 : i32
      %dma_start3A_629 = arith.constant 0 : i32
      %dma_start3A_630 = tpu.memref_slice %arg10[%dma_start3A_628, %dma_start3A_629] : memref<8x64xi32, #tpu.memory_space<vmem>> -> memref<1x64xi32, #tpu.memory_space<vmem>>
      %dma_start3A_631 = tpu.memref_squeeze %dma_start3A_630 : memref<1x64xi32, #tpu.memory_space<vmem>> -> memref<64xi32, #tpu.memory_space<vmem>>
      %dma_start3A_632 = arith.constant 0 : i32
      %dma_start3A_633 = tpu.memref_slice %arg17[%dma_start3A_632] : memref<10240xf32, #tpu.memory_space<vmem_shared>> -> memref<10240xf32, #tpu.memory_space<vmem_shared>>
      tpu.enqueue_indirect_dma source(%arg15 : memref<64xf32, #tpu.memory_space<vmem>>) target(%dma_start3A_633 : memref<10240xf32, #tpu.memory_space<vmem_shared>>) offsets(%dma_start3A_631 : memref<64xi32, #tpu.memory_space<vmem>>) semaphore(%arg29 : memref<!tpu.dma_semaphore, #tpu.memory_space<semaphore_mem>>) {add = true}
      %dma_start3A_634 = arith.constant 4 : i32
      %dma_start3A_635 = arith.constant 0 : i32
      %dma_start3A_636 = tpu.memref_slice %arg9[%dma_start3A_634, %dma_start3A_635] : memref<8x64xi32, #tpu.memory_space<vmem>> -> memref<1x64xi32, #tpu.memory_space<vmem>>
      %dma_start3A_637 = tpu.memref_squeeze %dma_start3A_636 : memref<1x64xi32, #tpu.memory_space<vmem>> -> memref<64xi32, #tpu.memory_space<vmem>>
      %dma_start3A_638 = arith.constant 0 : i32
      %dma_start3A_639 = arith.constant 0 : i32
      %dma_start3A_640 = tpu.memref_slice %arg2[%dma_start3A_638, %dma_start3A_639] : memref<10000x128xf32, #tpu.memory_space<hbm>> -> memref<10000x128xf32, #tpu.memory_space<hbm>>
      tpu.enqueue_indirect_dma source(%dma_start3A_640 : memref<10000x128xf32, #tpu.memory_space<hbm>>) target(%arg11 : memref<64x128xf32, #tpu.memory_space<vmem>>) offsets(%dma_start3A_637 : memref<64xi32, #tpu.memory_space<vmem>>) semaphore(%arg18 : memref<!tpu.dma_semaphore, #tpu.memory_space<semaphore_mem>>)
      %dma_wait3A_641 = arith.constant 3 : i32
      %dma_wait3A_642 = arith.constant 0 : i32
      %dma_wait3A_643 = tpu.memref_slice %arg9[%dma_wait3A_641, %dma_wait3A_642] : memref<8x64xi32, #tpu.memory_space<vmem>> -> memref<1x64xi32, #tpu.memory_space<vmem>>
      %dma_wait3A_644 = tpu.memref_squeeze %dma_wait3A_643 : memref<1x64xi32, #tpu.memory_space<vmem>> -> memref<64xi32, #tpu.memory_space<vmem>>
      %dma_wait3A_645 = arith.constant 0 : i32
      %dma_wait3A_646 = arith.constant 0 : i32
      %dma_wait3A_647 = tpu.memref_slice %arg2[%dma_wait3A_645, %dma_wait3A_646] : memref<10000x128xf32, #tpu.memory_space<hbm>> -> memref<10000x128xf32, #tpu.memory_space<hbm>>
      tpu.wait_indirect_dma semaphore(%arg21 : memref<!tpu.dma_semaphore, #tpu.memory_space<semaphore_mem>>) src(%dma_wait3A_647 : memref<10000x128xf32, #tpu.memory_space<hbm>>) dst(%arg14 : memref<64x128xf32, #tpu.memory_space<vmem>>)
      %dma_start3A_648 = arith.constant 3 : i32
      %dma_start3A_649 = arith.constant 0 : i32
      %dma_start3A_650 = tpu.memref_slice %arg10[%dma_start3A_648, %dma_start3A_649] : memref<8x64xi32, #tpu.memory_space<vmem>> -> memref<1x64xi32, #tpu.memory_space<vmem>>
      %dma_start3A_651 = tpu.memref_squeeze %dma_start3A_650 : memref<1x64xi32, #tpu.memory_space<vmem>> -> memref<64xi32, #tpu.memory_space<vmem>>
      %dma_start3A_652 = arith.constant 0 : i32
      %dma_start3A_653 = arith.constant 0 : i32
      %dma_start3A_654 = tpu.memref_slice %arg16[%dma_start3A_652, %dma_start3A_653] : memref<10240x128xf32, #tpu.memory_space<vmem_shared>> -> memref<10240x128xf32, #tpu.memory_space<vmem_shared>>
      tpu.enqueue_indirect_dma source(%arg14 : memref<64x128xf32, #tpu.memory_space<vmem>>) target(%dma_start3A_654 : memref<10240x128xf32, #tpu.memory_space<vmem_shared>>) offsets(%dma_start3A_651 : memref<64xi32, #tpu.memory_space<vmem>>) semaphore(%arg25 : memref<!tpu.dma_semaphore, #tpu.memory_space<semaphore_mem>>) {add = true}
      %dma_wait3A_655 = arith.constant 1 : i32
      %dma_wait3A_656 = arith.constant 0 : i32
      %dma_wait3A_657 = tpu.memref_slice %arg10[%dma_wait3A_655, %dma_wait3A_656] : memref<8x64xi32, #tpu.memory_space<vmem>> -> memref<1x64xi32, #tpu.memory_space<vmem>>
      %dma_wait3A_658 = tpu.memref_squeeze %dma_wait3A_657 : memref<1x64xi32, #tpu.memory_space<vmem>> -> memref<64xi32, #tpu.memory_space<vmem>>
      %dma_wait3A_659 = arith.constant 0 : i32
      %dma_wait3A_660 = arith.constant 0 : i32
      %dma_wait3A_661 = tpu.memref_slice %arg16[%dma_wait3A_659, %dma_wait3A_660] : memref<10240x128xf32, #tpu.memory_space<vmem_shared>> -> memref<10240x128xf32, #tpu.memory_space<vmem_shared>>
      tpu.wait_indirect_dma semaphore(%arg23 : memref<!tpu.dma_semaphore, #tpu.memory_space<semaphore_mem>>) src(%arg12 : memref<64x128xf32, #tpu.memory_space<vmem>>) dst(%dma_wait3A_661 : memref<10240x128xf32, #tpu.memory_space<vmem_shared>>)
      %dma_start3A_662 = arith.constant 3 : i32
      %dma_start3A_663 = arith.constant 0 : i32
      %dma_start3A_664 = tpu.memref_slice %arg10[%dma_start3A_662, %dma_start3A_663] : memref<8x64xi32, #tpu.memory_space<vmem>> -> memref<1x64xi32, #tpu.memory_space<vmem>>
      %dma_start3A_665 = tpu.memref_squeeze %dma_start3A_664 : memref<1x64xi32, #tpu.memory_space<vmem>> -> memref<64xi32, #tpu.memory_space<vmem>>
      %dma_start3A_666 = arith.constant 0 : i32
      %dma_start3A_667 = tpu.memref_slice %arg17[%dma_start3A_666] : memref<10240xf32, #tpu.memory_space<vmem_shared>> -> memref<10240xf32, #tpu.memory_space<vmem_shared>>
      tpu.enqueue_indirect_dma source(%arg15 : memref<64xf32, #tpu.memory_space<vmem>>) target(%dma_start3A_667 : memref<10240xf32, #tpu.memory_space<vmem_shared>>) offsets(%dma_start3A_665 : memref<64xi32, #tpu.memory_space<vmem>>) semaphore(%arg29 : memref<!tpu.dma_semaphore, #tpu.memory_space<semaphore_mem>>) {add = true}
      %dma_start3A_668 = arith.constant 5 : i32
      %dma_start3A_669 = arith.constant 0 : i32
      %dma_start3A_670 = tpu.memref_slice %arg9[%dma_start3A_668, %dma_start3A_669] : memref<8x64xi32, #tpu.memory_space<vmem>> -> memref<1x64xi32, #tpu.memory_space<vmem>>
      %dma_start3A_671 = tpu.memref_squeeze %dma_start3A_670 : memref<1x64xi32, #tpu.memory_space<vmem>> -> memref<64xi32, #tpu.memory_space<vmem>>
      %dma_start3A_672 = arith.constant 0 : i32
      %dma_start3A_673 = arith.constant 0 : i32
      %dma_start3A_674 = tpu.memref_slice %arg2[%dma_start3A_672, %dma_start3A_673] : memref<10000x128xf32, #tpu.memory_space<hbm>> -> memref<10000x128xf32, #tpu.memory_space<hbm>>
      tpu.enqueue_indirect_dma source(%dma_start3A_674 : memref<10000x128xf32, #tpu.memory_space<hbm>>) target(%arg12 : memref<64x128xf32, #tpu.memory_space<vmem>>) offsets(%dma_start3A_671 : memref<64xi32, #tpu.memory_space<vmem>>) semaphore(%arg19 : memref<!tpu.dma_semaphore, #tpu.memory_space<semaphore_mem>>)
      %dma_wait3A_675 = arith.constant 4 : i32
      %dma_wait3A_676 = arith.constant 0 : i32
      %dma_wait3A_677 = tpu.memref_slice %arg9[%dma_wait3A_675, %dma_wait3A_676] : memref<8x64xi32, #tpu.memory_space<vmem>> -> memref<1x64xi32, #tpu.memory_space<vmem>>
      %dma_wait3A_678 = tpu.memref_squeeze %dma_wait3A_677 : memref<1x64xi32, #tpu.memory_space<vmem>> -> memref<64xi32, #tpu.memory_space<vmem>>
      %dma_wait3A_679 = arith.constant 0 : i32
      %dma_wait3A_680 = arith.constant 0 : i32
      %dma_wait3A_681 = tpu.memref_slice %arg2[%dma_wait3A_679, %dma_wait3A_680] : memref<10000x128xf32, #tpu.memory_space<hbm>> -> memref<10000x128xf32, #tpu.memory_space<hbm>>
      tpu.wait_indirect_dma semaphore(%arg18 : memref<!tpu.dma_semaphore, #tpu.memory_space<semaphore_mem>>) src(%dma_wait3A_681 : memref<10000x128xf32, #tpu.memory_space<hbm>>) dst(%arg11 : memref<64x128xf32, #tpu.memory_space<vmem>>)
      %dma_start3A_682 = arith.constant 4 : i32
      %dma_start3A_683 = arith.constant 0 : i32
      %dma_start3A_684 = tpu.memref_slice %arg10[%dma_start3A_682, %dma_start3A_683] : memref<8x64xi32, #tpu.memory_space<vmem>> -> memref<1x64xi32, #tpu.memory_space<vmem>>
      %dma_start3A_685 = tpu.memref_squeeze %dma_start3A_684 : memref<1x64xi32, #tpu.memory_space<vmem>> -> memref<64xi32, #tpu.memory_space<vmem>>
      %dma_start3A_686 = arith.constant 0 : i32
      %dma_start3A_687 = arith.constant 0 : i32
      %dma_start3A_688 = tpu.memref_slice %arg16[%dma_start3A_686, %dma_start3A_687] : memref<10240x128xf32, #tpu.memory_space<vmem_shared>> -> memref<10240x128xf32, #tpu.memory_space<vmem_shared>>
      tpu.enqueue_indirect_dma source(%arg11 : memref<64x128xf32, #tpu.memory_space<vmem>>) target(%dma_start3A_688 : memref<10240x128xf32, #tpu.memory_space<vmem_shared>>) offsets(%dma_start3A_685 : memref<64xi32, #tpu.memory_space<vmem>>) semaphore(%arg22 : memref<!tpu.dma_semaphore, #tpu.memory_space<semaphore_mem>>) {add = true}
      %dma_wait3A_689 = arith.constant 2 : i32
      %dma_wait3A_690 = arith.constant 0 : i32
      %dma_wait3A_691 = tpu.memref_slice %arg10[%dma_wait3A_689, %dma_wait3A_690] : memref<8x64xi32, #tpu.memory_space<vmem>> -> memref<1x64xi32, #tpu.memory_space<vmem>>
      %dma_wait3A_692 = tpu.memref_squeeze %dma_wait3A_691 : memref<1x64xi32, #tpu.memory_space<vmem>> -> memref<64xi32, #tpu.memory_space<vmem>>
      %dma_wait3A_693 = arith.constant 0 : i32
      %dma_wait3A_694 = arith.constant 0 : i32
      %dma_wait3A_695 = tpu.memref_slice %arg16[%dma_wait3A_693, %dma_wait3A_694] : memref<10240x128xf32, #tpu.memory_space<vmem_shared>> -> memref<10240x128xf32, #tpu.memory_space<vmem_shared>>
      tpu.wait_indirect_dma semaphore(%arg24 : memref<!tpu.dma_semaphore, #tpu.memory_space<semaphore_mem>>) src(%arg13 : memref<64x128xf32, #tpu.memory_space<vmem>>) dst(%dma_wait3A_695 : memref<10240x128xf32, #tpu.memory_space<vmem_shared>>)
      %dma_start3A_696 = arith.constant 4 : i32
      %dma_start3A_697 = arith.constant 0 : i32
      %dma_start3A_698 = tpu.memref_slice %arg10[%dma_start3A_696, %dma_start3A_697] : memref<8x64xi32, #tpu.memory_space<vmem>> -> memref<1x64xi32, #tpu.memory_space<vmem>>
      %dma_start3A_699 = tpu.memref_squeeze %dma_start3A_698 : memref<1x64xi32, #tpu.memory_space<vmem>> -> memref<64xi32, #tpu.memory_space<vmem>>
      %dma_start3A_700 = arith.constant 0 : i32
      %dma_start3A_701 = tpu.memref_slice %arg17[%dma_start3A_700] : memref<10240xf32, #tpu.memory_space<vmem_shared>> -> memref<10240xf32, #tpu.memory_space<vmem_shared>>
      tpu.enqueue_indirect_dma source(%arg15 : memref<64xf32, #tpu.memory_space<vmem>>) target(%dma_start3A_701 : memref<10240xf32, #tpu.memory_space<vmem_shared>>) offsets(%dma_start3A_699 : memref<64xi32, #tpu.memory_space<vmem>>) semaphore(%arg29 : memref<!tpu.dma_semaphore, #tpu.memory_space<semaphore_mem>>) {add = true}
      %dma_start3A_702 = arith.constant 6 : i32
      %dma_start3A_703 = arith.constant 0 : i32
      %dma_start3A_704 = tpu.memref_slice %arg9[%dma_start3A_702, %dma_start3A_703] : memref<8x64xi32, #tpu.memory_space<vmem>> -> memref<1x64xi32, #tpu.memory_space<vmem>>
      %dma_start3A_705 = tpu.memref_squeeze %dma_start3A_704 : memref<1x64xi32, #tpu.memory_space<vmem>> -> memref<64xi32, #tpu.memory_space<vmem>>
      %dma_start3A_706 = arith.constant 0 : i32
      %dma_start3A_707 = arith.constant 0 : i32
      %dma_start3A_708 = tpu.memref_slice %arg2[%dma_start3A_706, %dma_start3A_707] : memref<10000x128xf32, #tpu.memory_space<hbm>> -> memref<10000x128xf32, #tpu.memory_space<hbm>>
      tpu.enqueue_indirect_dma source(%dma_start3A_708 : memref<10000x128xf32, #tpu.memory_space<hbm>>) target(%arg13 : memref<64x128xf32, #tpu.memory_space<vmem>>) offsets(%dma_start3A_705 : memref<64xi32, #tpu.memory_space<vmem>>) semaphore(%arg20 : memref<!tpu.dma_semaphore, #tpu.memory_space<semaphore_mem>>)
      %dma_wait3A_709 = arith.constant 5 : i32
      %dma_wait3A_710 = arith.constant 0 : i32
      %dma_wait3A_711 = tpu.memref_slice %arg9[%dma_wait3A_709, %dma_wait3A_710] : memref<8x64xi32, #tpu.memory_space<vmem>> -> memref<1x64xi32, #tpu.memory_space<vmem>>
      %dma_wait3A_712 = tpu.memref_squeeze %dma_wait3A_711 : memref<1x64xi32, #tpu.memory_space<vmem>> -> memref<64xi32, #tpu.memory_space<vmem>>
      %dma_wait3A_713 = arith.constant 0 : i32
      %dma_wait3A_714 = arith.constant 0 : i32
      %dma_wait3A_715 = tpu.memref_slice %arg2[%dma_wait3A_713, %dma_wait3A_714] : memref<10000x128xf32, #tpu.memory_space<hbm>> -> memref<10000x128xf32, #tpu.memory_space<hbm>>
      tpu.wait_indirect_dma semaphore(%arg19 : memref<!tpu.dma_semaphore, #tpu.memory_space<semaphore_mem>>) src(%dma_wait3A_715 : memref<10000x128xf32, #tpu.memory_space<hbm>>) dst(%arg12 : memref<64x128xf32, #tpu.memory_space<vmem>>)
      %dma_start3A_716 = arith.constant 5 : i32
      %dma_start3A_717 = arith.constant 0 : i32
      %dma_start3A_718 = tpu.memref_slice %arg10[%dma_start3A_716, %dma_start3A_717] : memref<8x64xi32, #tpu.memory_space<vmem>> -> memref<1x64xi32, #tpu.memory_space<vmem>>
      %dma_start3A_719 = tpu.memref_squeeze %dma_start3A_718 : memref<1x64xi32, #tpu.memory_space<vmem>> -> memref<64xi32, #tpu.memory_space<vmem>>
      %dma_start3A_720 = arith.constant 0 : i32
      %dma_start3A_721 = arith.constant 0 : i32
      %dma_start3A_722 = tpu.memref_slice %arg16[%dma_start3A_720, %dma_start3A_721] : memref<10240x128xf32, #tpu.memory_space<vmem_shared>> -> memref<10240x128xf32, #tpu.memory_space<vmem_shared>>
      tpu.enqueue_indirect_dma source(%arg12 : memref<64x128xf32, #tpu.memory_space<vmem>>) target(%dma_start3A_722 : memref<10240x128xf32, #tpu.memory_space<vmem_shared>>) offsets(%dma_start3A_719 : memref<64xi32, #tpu.memory_space<vmem>>) semaphore(%arg23 : memref<!tpu.dma_semaphore, #tpu.memory_space<semaphore_mem>>) {add = true}
      %dma_wait3A_723 = arith.constant 3 : i32
      %dma_wait3A_724 = arith.constant 0 : i32
      %dma_wait3A_725 = tpu.memref_slice %arg10[%dma_wait3A_723, %dma_wait3A_724] : memref<8x64xi32, #tpu.memory_space<vmem>> -> memref<1x64xi32, #tpu.memory_space<vmem>>
      %dma_wait3A_726 = tpu.memref_squeeze %dma_wait3A_725 : memref<1x64xi32, #tpu.memory_space<vmem>> -> memref<64xi32, #tpu.memory_space<vmem>>
      %dma_wait3A_727 = arith.constant 0 : i32
      %dma_wait3A_728 = arith.constant 0 : i32
      %dma_wait3A_729 = tpu.memref_slice %arg16[%dma_wait3A_727, %dma_wait3A_728] : memref<10240x128xf32, #tpu.memory_space<vmem_shared>> -> memref<10240x128xf32, #tpu.memory_space<vmem_shared>>
      tpu.wait_indirect_dma semaphore(%arg25 : memref<!tpu.dma_semaphore, #tpu.memory_space<semaphore_mem>>) src(%arg14 : memref<64x128xf32, #tpu.memory_space<vmem>>) dst(%dma_wait3A_729 : memref<10240x128xf32, #tpu.memory_space<vmem_shared>>)
      %dma_start3A_730 = arith.constant 5 : i32
      %dma_start3A_731 = arith.constant 0 : i32
      %dma_start3A_732 = tpu.memref_slice %arg10[%dma_start3A_730, %dma_start3A_731] : memref<8x64xi32, #tpu.memory_space<vmem>> -> memref<1x64xi32, #tpu.memory_space<vmem>>
      %dma_start3A_733 = tpu.memref_squeeze %dma_start3A_732 : memref<1x64xi32, #tpu.memory_space<vmem>> -> memref<64xi32, #tpu.memory_space<vmem>>
      %dma_start3A_734 = arith.constant 0 : i32
      %dma_start3A_735 = tpu.memref_slice %arg17[%dma_start3A_734] : memref<10240xf32, #tpu.memory_space<vmem_shared>> -> memref<10240xf32, #tpu.memory_space<vmem_shared>>
      tpu.enqueue_indirect_dma source(%arg15 : memref<64xf32, #tpu.memory_space<vmem>>) target(%dma_start3A_735 : memref<10240xf32, #tpu.memory_space<vmem_shared>>) offsets(%dma_start3A_733 : memref<64xi32, #tpu.memory_space<vmem>>) semaphore(%arg29 : memref<!tpu.dma_semaphore, #tpu.memory_space<semaphore_mem>>) {add = true}
      %dma_start3A_736 = arith.constant 7 : i32
      %dma_start3A_737 = arith.constant 0 : i32
      %dma_start3A_738 = tpu.memref_slice %arg9[%dma_start3A_736, %dma_start3A_737] : memref<8x64xi32, #tpu.memory_space<vmem>> -> memref<1x64xi32, #tpu.memory_space<vmem>>
      %dma_start3A_739 = tpu.memref_squeeze %dma_start3A_738 : memref<1x64xi32, #tpu.memory_space<vmem>> -> memref<64xi32, #tpu.memory_space<vmem>>
      %dma_start3A_740 = arith.constant 0 : i32
      %dma_start3A_741 = arith.constant 0 : i32
      %dma_start3A_742 = tpu.memref_slice %arg2[%dma_start3A_740, %dma_start3A_741] : memref<10000x128xf32, #tpu.memory_space<hbm>> -> memref<10000x128xf32, #tpu.memory_space<hbm>>
      tpu.enqueue_indirect_dma source(%dma_start3A_742 : memref<10000x128xf32, #tpu.memory_space<hbm>>) target(%arg14 : memref<64x128xf32, #tpu.memory_space<vmem>>) offsets(%dma_start3A_739 : memref<64xi32, #tpu.memory_space<vmem>>) semaphore(%arg21 : memref<!tpu.dma_semaphore, #tpu.memory_space<semaphore_mem>>)
      %dma_wait3A_743 = arith.constant 6 : i32
      %dma_wait3A_744 = arith.constant 0 : i32
      %dma_wait3A_745 = tpu.memref_slice %arg9[%dma_wait3A_743, %dma_wait3A_744] : memref<8x64xi32, #tpu.memory_space<vmem>> -> memref<1x64xi32, #tpu.memory_space<vmem>>
      %dma_wait3A_746 = tpu.memref_squeeze %dma_wait3A_745 : memref<1x64xi32, #tpu.memory_space<vmem>> -> memref<64xi32, #tpu.memory_space<vmem>>
      %dma_wait3A_747 = arith.constant 0 : i32
      %dma_wait3A_748 = arith.constant 0 : i32
      %dma_wait3A_749 = tpu.memref_slice %arg2[%dma_wait3A_747, %dma_wait3A_748] : memref<10000x128xf32, #tpu.memory_space<hbm>> -> memref<10000x128xf32, #tpu.memory_space<hbm>>
      tpu.wait_indirect_dma semaphore(%arg20 : memref<!tpu.dma_semaphore, #tpu.memory_space<semaphore_mem>>) src(%dma_wait3A_749 : memref<10000x128xf32, #tpu.memory_space<hbm>>) dst(%arg13 : memref<64x128xf32, #tpu.memory_space<vmem>>)
      %dma_start3A_750 = arith.constant 6 : i32
      %dma_start3A_751 = arith.constant 0 : i32
      %dma_start3A_752 = tpu.memref_slice %arg10[%dma_start3A_750, %dma_start3A_751] : memref<8x64xi32, #tpu.memory_space<vmem>> -> memref<1x64xi32, #tpu.memory_space<vmem>>
      %dma_start3A_753 = tpu.memref_squeeze %dma_start3A_752 : memref<1x64xi32, #tpu.memory_space<vmem>> -> memref<64xi32, #tpu.memory_space<vmem>>
      %dma_start3A_754 = arith.constant 0 : i32
      %dma_start3A_755 = arith.constant 0 : i32
      %dma_start3A_756 = tpu.memref_slice %arg16[%dma_start3A_754, %dma_start3A_755] : memref<10240x128xf32, #tpu.memory_space<vmem_shared>> -> memref<10240x128xf32, #tpu.memory_space<vmem_shared>>
      tpu.enqueue_indirect_dma source(%arg13 : memref<64x128xf32, #tpu.memory_space<vmem>>) target(%dma_start3A_756 : memref<10240x128xf32, #tpu.memory_space<vmem_shared>>) offsets(%dma_start3A_753 : memref<64xi32, #tpu.memory_space<vmem>>) semaphore(%arg24 : memref<!tpu.dma_semaphore, #tpu.memory_space<semaphore_mem>>) {add = true}
      %dma_wait3A_757 = arith.constant 4 : i32
      %dma_wait3A_758 = arith.constant 0 : i32
      %dma_wait3A_759 = tpu.memref_slice %arg10[%dma_wait3A_757, %dma_wait3A_758] : memref<8x64xi32, #tpu.memory_space<vmem>> -> memref<1x64xi32, #tpu.memory_space<vmem>>
      %dma_wait3A_760 = tpu.memref_squeeze %dma_wait3A_759 : memref<1x64xi32, #tpu.memory_space<vmem>> -> memref<64xi32, #tpu.memory_space<vmem>>
      %dma_wait3A_761 = arith.constant 0 : i32
      %dma_wait3A_762 = arith.constant 0 : i32
      %dma_wait3A_763 = tpu.memref_slice %arg16[%dma_wait3A_761, %dma_wait3A_762] : memref<10240x128xf32, #tpu.memory_space<vmem_shared>> -> memref<10240x128xf32, #tpu.memory_space<vmem_shared>>
      tpu.wait_indirect_dma semaphore(%arg22 : memref<!tpu.dma_semaphore, #tpu.memory_space<semaphore_mem>>) src(%arg11 : memref<64x128xf32, #tpu.memory_space<vmem>>) dst(%dma_wait3A_763 : memref<10240x128xf32, #tpu.memory_space<vmem_shared>>)
      %dma_start3A_764 = arith.constant 6 : i32
      %dma_start3A_765 = arith.constant 0 : i32
      %dma_start3A_766 = tpu.memref_slice %arg10[%dma_start3A_764, %dma_start3A_765] : memref<8x64xi32, #tpu.memory_space<vmem>> -> memref<1x64xi32, #tpu.memory_space<vmem>>
      %dma_start3A_767 = tpu.memref_squeeze %dma_start3A_766 : memref<1x64xi32, #tpu.memory_space<vmem>> -> memref<64xi32, #tpu.memory_space<vmem>>
      %dma_start3A_768 = arith.constant 0 : i32
      %dma_start3A_769 = tpu.memref_slice %arg17[%dma_start3A_768] : memref<10240xf32, #tpu.memory_space<vmem_shared>> -> memref<10240xf32, #tpu.memory_space<vmem_shared>>
      tpu.enqueue_indirect_dma source(%arg15 : memref<64xf32, #tpu.memory_space<vmem>>) target(%dma_start3A_769 : memref<10240xf32, #tpu.memory_space<vmem_shared>>) offsets(%dma_start3A_767 : memref<64xi32, #tpu.memory_space<vmem>>) semaphore(%arg29 : memref<!tpu.dma_semaphore, #tpu.memory_space<semaphore_mem>>) {add = true}
      %lt3A_770 = arith.constant 9 : i32
      %lt3A_771 = arith.cmpi slt, %scan3A_176, %lt3A_770 : i32
      %convert_element_type3A_772 = arith.extui %lt3A_771 : i1 to i32
      %cond3A_773 = arith.constant 0 : i32
      %cond3A_774 = arith.cmpi ne, %convert_element_type3A_772, %cond3A_773 : i32
      scf.if %cond3A_774 {
        %mul3A_807 = arith.constant 2 : i32
        %mul3A_808 = arith.muli %mul3A_807, %scan3A_176 : i32
        %add3A_809 = arith.constant 2 : i32
        %add3A_810 = arith.addi %mul3A_808, %add3A_809 : i32
        %mul3A_811 = arith.constant 8 : i32
        %mul3A_812 = arith.muli %add3A_810, %mul3A_811 : i32
        %dma_wait3A_813 = arith.constant 0 : i32
        %dma_wait3A_814 = tpu.memref_slice %arg3[%add3A, %mul3A_812, %dma_wait3A_813] : memref<32x160x64xi32, #tpu.memory_space<hbm>> -> memref<1x8x64xi32, #tpu.memory_space<hbm>>
        %dma_wait3A_815 = tpu.memref_squeeze %dma_wait3A_814 : memref<1x8x64xi32, #tpu.memory_space<hbm>> -> memref<8x64xi32, #tpu.memory_space<hbm>>
        %dma_wait3A_816 = arith.constant 0 : i32
        %dma_wait3A_817 = tpu.memref_slice %arg3[%add3A, %mul3A_812, %dma_wait3A_816] : memref<32x160x64xi32, #tpu.memory_space<hbm>> -> memref<1x8x64xi32, #tpu.memory_space<hbm>>
        %dma_wait3A_818 = tpu.memref_squeeze %dma_wait3A_817 : memref<1x8x64xi32, #tpu.memory_space<hbm>> -> memref<8x64xi32, #tpu.memory_space<hbm>>
        tpu.wait_dma2 semaphore(%arg26 : memref<!tpu.dma_semaphore, #tpu.memory_space<semaphore_mem>>) src(%dma_wait3A_818 : memref<8x64xi32, #tpu.memory_space<hbm>>) dst(%arg7 : memref<8x64xi32, #tpu.memory_space<vmem>>)
        %mul3A_819 = arith.constant 8 : i32
        %mul3A_820 = arith.muli %add3A_810, %mul3A_819 : i32
        %dma_wait3A_821 = arith.constant 0 : i32
        %dma_wait3A_822 = tpu.memref_slice %arg4[%add3A, %mul3A_820, %dma_wait3A_821] : memref<32x160x64xi32, #tpu.memory_space<hbm>> -> memref<1x8x64xi32, #tpu.memory_space<hbm>>
        %dma_wait3A_823 = tpu.memref_squeeze %dma_wait3A_822 : memref<1x8x64xi32, #tpu.memory_space<hbm>> -> memref<8x64xi32, #tpu.memory_space<hbm>>
        %dma_wait3A_824 = arith.constant 0 : i32
        %dma_wait3A_825 = tpu.memref_slice %arg4[%add3A, %mul3A_820, %dma_wait3A_824] : memref<32x160x64xi32, #tpu.memory_space<hbm>> -> memref<1x8x64xi32, #tpu.memory_space<hbm>>
        %dma_wait3A_826 = tpu.memref_squeeze %dma_wait3A_825 : memref<1x8x64xi32, #tpu.memory_space<hbm>> -> memref<8x64xi32, #tpu.memory_space<hbm>>
        tpu.wait_dma2 semaphore(%arg26 : memref<!tpu.dma_semaphore, #tpu.memory_space<semaphore_mem>>) src(%dma_wait3A_826 : memref<8x64xi32, #tpu.memory_space<hbm>>) dst(%arg8 : memref<8x64xi32, #tpu.memory_space<vmem>>)
        %dma_start3A_827 = arith.constant 0 : i32
        %dma_start3A_828 = arith.constant 0 : i32
        %dma_start3A_829 = tpu.memref_slice %arg7[%dma_start3A_827, %dma_start3A_828] : memref<8x64xi32, #tpu.memory_space<vmem>> -> memref<1x64xi32, #tpu.memory_space<vmem>>
        %dma_start3A_830 = tpu.memref_squeeze %dma_start3A_829 : memref<1x64xi32, #tpu.memory_space<vmem>> -> memref<64xi32, #tpu.memory_space<vmem>>
        %dma_start3A_831 = arith.constant 0 : i32
        %dma_start3A_832 = arith.constant 0 : i32
        %dma_start3A_833 = tpu.memref_slice %arg2[%dma_start3A_831, %dma_start3A_832] : memref<10000x128xf32, #tpu.memory_space<hbm>> -> memref<10000x128xf32, #tpu.memory_space<hbm>>
        tpu.enqueue_indirect_dma source(%dma_start3A_833 : memref<10000x128xf32, #tpu.memory_space<hbm>>) target(%arg11 : memref<64x128xf32, #tpu.memory_space<vmem>>) offsets(%dma_start3A_830 : memref<64xi32, #tpu.memory_space<vmem>>) semaphore(%arg18 : memref<!tpu.dma_semaphore, #tpu.memory_space<semaphore_mem>>)
      } else {
      }
      %dma_wait3A_775 = arith.constant 7 : i32
      %dma_wait3A_776 = arith.constant 0 : i32
      %dma_wait3A_777 = tpu.memref_slice %arg9[%dma_wait3A_775, %dma_wait3A_776] : memref<8x64xi32, #tpu.memory_space<vmem>> -> memref<1x64xi32, #tpu.memory_space<vmem>>
      %dma_wait3A_778 = tpu.memref_squeeze %dma_wait3A_777 : memref<1x64xi32, #tpu.memory_space<vmem>> -> memref<64xi32, #tpu.memory_space<vmem>>
      %dma_wait3A_779 = arith.constant 0 : i32
      %dma_wait3A_780 = arith.constant 0 : i32
      %dma_wait3A_781 = tpu.memref_slice %arg2[%dma_wait3A_779, %dma_wait3A_780] : memref<10000x128xf32, #tpu.memory_space<hbm>> -> memref<10000x128xf32, #tpu.memory_space<hbm>>
      tpu.wait_indirect_dma semaphore(%arg21 : memref<!tpu.dma_semaphore, #tpu.memory_space<semaphore_mem>>) src(%dma_wait3A_781 : memref<10000x128xf32, #tpu.memory_space<hbm>>) dst(%arg14 : memref<64x128xf32, #tpu.memory_space<vmem>>)
      %dma_start3A_782 = arith.constant 7 : i32
      %dma_start3A_783 = arith.constant 0 : i32
      %dma_start3A_784 = tpu.memref_slice %arg10[%dma_start3A_782, %dma_start3A_783] : memref<8x64xi32, #tpu.memory_space<vmem>> -> memref<1x64xi32, #tpu.memory_space<vmem>>
      %dma_start3A_785 = tpu.memref_squeeze %dma_start3A_784 : memref<1x64xi32, #tpu.memory_space<vmem>> -> memref<64xi32, #tpu.memory_space<vmem>>
      %dma_start3A_786 = arith.constant 0 : i32
      %dma_start3A_787 = arith.constant 0 : i32
      %dma_start3A_788 = tpu.memref_slice %arg16[%dma_start3A_786, %dma_start3A_787] : memref<10240x128xf32, #tpu.memory_space<vmem_shared>> -> memref<10240x128xf32, #tpu.memory_space<vmem_shared>>
      tpu.enqueue_indirect_dma source(%arg14 : memref<64x128xf32, #tpu.memory_space<vmem>>) target(%dma_start3A_788 : memref<10240x128xf32, #tpu.memory_space<vmem_shared>>) offsets(%dma_start3A_785 : memref<64xi32, #tpu.memory_space<vmem>>) semaphore(%arg25 : memref<!tpu.dma_semaphore, #tpu.memory_space<semaphore_mem>>) {add = true}
      %dma_wait3A_789 = arith.constant 5 : i32
      %dma_wait3A_790 = arith.constant 0 : i32
      %dma_wait3A_791 = tpu.memref_slice %arg10[%dma_wait3A_789, %dma_wait3A_790] : memref<8x64xi32, #tpu.memory_space<vmem>> -> memref<1x64xi32, #tpu.memory_space<vmem>>
      %dma_wait3A_792 = tpu.memref_squeeze %dma_wait3A_791 : memref<1x64xi32, #tpu.memory_space<vmem>> -> memref<64xi32, #tpu.memory_space<vmem>>
      %dma_wait3A_793 = arith.constant 0 : i32
      %dma_wait3A_794 = arith.constant 0 : i32
      %dma_wait3A_795 = tpu.memref_slice %arg16[%dma_wait3A_793, %dma_wait3A_794] : memref<10240x128xf32, #tpu.memory_space<vmem_shared>> -> memref<10240x128xf32, #tpu.memory_space<vmem_shared>>
      tpu.wait_indirect_dma semaphore(%arg23 : memref<!tpu.dma_semaphore, #tpu.memory_space<semaphore_mem>>) src(%arg12 : memref<64x128xf32, #tpu.memory_space<vmem>>) dst(%dma_wait3A_795 : memref<10240x128xf32, #tpu.memory_space<vmem_shared>>)
      %dma_start3A_796 = arith.constant 7 : i32
      %dma_start3A_797 = arith.constant 0 : i32
      %dma_start3A_798 = tpu.memref_slice %arg10[%dma_start3A_796, %dma_start3A_797] : memref<8x64xi32, #tpu.memory_space<vmem>> -> memref<1x64xi32, #tpu.memory_space<vmem>>
      %dma_start3A_799 = tpu.memref_squeeze %dma_start3A_798 : memref<1x64xi32, #tpu.memory_space<vmem>> -> memref<64xi32, #tpu.memory_space<vmem>>
      %dma_start3A_800 = arith.constant 0 : i32
      %dma_start3A_801 = tpu.memref_slice %arg17[%dma_start3A_800] : memref<10240xf32, #tpu.memory_space<vmem_shared>> -> memref<10240xf32, #tpu.memory_space<vmem_shared>>
      tpu.enqueue_indirect_dma source(%arg15 : memref<64xf32, #tpu.memory_space<vmem>>) target(%dma_start3A_801 : memref<10240xf32, #tpu.memory_space<vmem_shared>>) offsets(%dma_start3A_799 : memref<64xi32, #tpu.memory_space<vmem>>) semaphore(%arg29 : memref<!tpu.dma_semaphore, #tpu.memory_space<semaphore_mem>>) {add = true}
      %lt3A_802 = arith.constant 9 : i32
      %lt3A_803 = arith.cmpi slt, %scan3A_176, %lt3A_802 : i32
      %convert_element_type3A_804 = arith.extui %lt3A_803 : i1 to i32
      %cond3A_805 = arith.constant 0 : i32
      %cond3A_806 = arith.cmpi ne, %convert_element_type3A_804, %cond3A_805 : i32
      scf.if %cond3A_806 {
        %dma_start3A_807 = arith.constant 1 : i32
        %dma_start3A_808 = arith.constant 0 : i32
        %dma_start3A_809 = tpu.memref_slice %arg7[%dma_start3A_807, %dma_start3A_808] : memref<8x64xi32, #tpu.memory_space<vmem>> -> memref<1x64xi32, #tpu.memory_space<vmem>>
        %dma_start3A_810 = tpu.memref_squeeze %dma_start3A_809 : memref<1x64xi32, #tpu.memory_space<vmem>> -> memref<64xi32, #tpu.memory_space<vmem>>
        %dma_start3A_811 = arith.constant 0 : i32
        %dma_start3A_812 = arith.constant 0 : i32
        %dma_start3A_813 = tpu.memref_slice %arg2[%dma_start3A_811, %dma_start3A_812] : memref<10000x128xf32, #tpu.memory_space<hbm>> -> memref<10000x128xf32, #tpu.memory_space<hbm>>
        tpu.enqueue_indirect_dma source(%dma_start3A_813 : memref<10000x128xf32, #tpu.memory_space<hbm>>) target(%arg12 : memref<64x128xf32, #tpu.memory_space<vmem>>) offsets(%dma_start3A_810 : memref<64xi32, #tpu.memory_space<vmem>>) semaphore(%arg19 : memref<!tpu.dma_semaphore, #tpu.memory_space<semaphore_mem>>)
      } else {
      }
    }
    %scan3A_109 = arith.constant 10 : i32
    %dma_wait3A_110 = arith.constant 6 : i32
    %dma_wait3A_111 = arith.constant 0 : i32
    %dma_wait3A_112 = tpu.memref_slice %arg10[%dma_wait3A_110, %dma_wait3A_111] : memref<8x64xi32, #tpu.memory_space<vmem>> -> memref<1x64xi32, #tpu.memory_space<vmem>>
    %dma_wait3A_113 = tpu.memref_squeeze %dma_wait3A_112 : memref<1x64xi32, #tpu.memory_space<vmem>> -> memref<64xi32, #tpu.memory_space<vmem>>
    %dma_wait3A_114 = arith.constant 0 : i32
    %dma_wait3A_115 = arith.constant 0 : i32
    %dma_wait3A_116 = tpu.memref_slice %arg16[%dma_wait3A_114, %dma_wait3A_115] : memref<10240x128xf32, #tpu.memory_space<vmem_shared>> -> memref<10240x128xf32, #tpu.memory_space<vmem_shared>>
    tpu.wait_indirect_dma semaphore(%arg24 : memref<!tpu.dma_semaphore, #tpu.memory_space<semaphore_mem>>) src(%arg13 : memref<64x128xf32, #tpu.memory_space<vmem>>) dst(%dma_wait3A_116 : memref<10240x128xf32, #tpu.memory_space<vmem_shared>>)
    %dma_wait3A_117 = arith.constant 7 : i32
    %dma_wait3A_118 = arith.constant 0 : i32
    %dma_wait3A_119 = tpu.memref_slice %arg10[%dma_wait3A_117, %dma_wait3A_118] : memref<8x64xi32, #tpu.memory_space<vmem>> -> memref<1x64xi32, #tpu.memory_space<vmem>>
    %dma_wait3A_120 = tpu.memref_squeeze %dma_wait3A_119 : memref<1x64xi32, #tpu.memory_space<vmem>> -> memref<64xi32, #tpu.memory_space<vmem>>
    %dma_wait3A_121 = arith.constant 0 : i32
    %dma_wait3A_122 = arith.constant 0 : i32
    %dma_wait3A_123 = tpu.memref_slice %arg16[%dma_wait3A_121, %dma_wait3A_122] : memref<10240x128xf32, #tpu.memory_space<vmem_shared>> -> memref<10240x128xf32, #tpu.memory_space<vmem_shared>>
    tpu.wait_indirect_dma semaphore(%arg25 : memref<!tpu.dma_semaphore, #tpu.memory_space<semaphore_mem>>) src(%arg14 : memref<64x128xf32, #tpu.memory_space<vmem>>) dst(%dma_wait3A_123 : memref<10240x128xf32, #tpu.memory_space<vmem_shared>>)
    %dma_wait3A_124 = arith.constant 0 : i32
    %dma_wait3A_125 = arith.constant 0 : i32
    %dma_wait3A_126 = tpu.memref_slice %arg10[%dma_wait3A_124, %dma_wait3A_125] : memref<8x64xi32, #tpu.memory_space<vmem>> -> memref<1x64xi32, #tpu.memory_space<vmem>>
    %dma_wait3A_127 = tpu.memref_squeeze %dma_wait3A_126 : memref<1x64xi32, #tpu.memory_space<vmem>> -> memref<64xi32, #tpu.memory_space<vmem>>
    %dma_wait3A_128 = arith.constant 0 : i32
    %dma_wait3A_129 = tpu.memref_slice %arg17[%dma_wait3A_128] : memref<10240xf32, #tpu.memory_space<vmem_shared>> -> memref<10240xf32, #tpu.memory_space<vmem_shared>>
    tpu.wait_indirect_dma semaphore(%arg29 : memref<!tpu.dma_semaphore, #tpu.memory_space<semaphore_mem>>) src(%arg15 : memref<64xf32, #tpu.memory_space<vmem>>) dst(%dma_wait3A_129 : memref<10240xf32, #tpu.memory_space<vmem_shared>>)
    %dma_wait3A_130 = arith.constant 1 : i32
    %dma_wait3A_131 = arith.constant 0 : i32
    %dma_wait3A_132 = tpu.memref_slice %arg10[%dma_wait3A_130, %dma_wait3A_131] : memref<8x64xi32, #tpu.memory_space<vmem>> -> memref<1x64xi32, #tpu.memory_space<vmem>>
    %dma_wait3A_133 = tpu.memref_squeeze %dma_wait3A_132 : memref<1x64xi32, #tpu.memory_space<vmem>> -> memref<64xi32, #tpu.memory_space<vmem>>
    %dma_wait3A_134 = arith.constant 0 : i32
    %dma_wait3A_135 = tpu.memref_slice %arg17[%dma_wait3A_134] : memref<10240xf32, #tpu.memory_space<vmem_shared>> -> memref<10240xf32, #tpu.memory_space<vmem_shared>>
    tpu.wait_indirect_dma semaphore(%arg29 : memref<!tpu.dma_semaphore, #tpu.memory_space<semaphore_mem>>) src(%arg15 : memref<64xf32, #tpu.memory_space<vmem>>) dst(%dma_wait3A_135 : memref<10240xf32, #tpu.memory_space<vmem_shared>>)
    %dma_wait3A_136 = arith.constant 2 : i32
    %dma_wait3A_137 = arith.constant 0 : i32
    %dma_wait3A_138 = tpu.memref_slice %arg10[%dma_wait3A_136, %dma_wait3A_137] : memref<8x64xi32, #tpu.memory_space<vmem>> -> memref<1x64xi32, #tpu.memory_space<vmem>>
    %dma_wait3A_139 = tpu.memref_squeeze %dma_wait3A_138 : memref<1x64xi32, #tpu.memory_space<vmem>> -> memref<64xi32, #tpu.memory_space<vmem>>
    %dma_wait3A_140 = arith.constant 0 : i32
    %dma_wait3A_141 = tpu.memref_slice %arg17[%dma_wait3A_140] : memref<10240xf32, #tpu.memory_space<vmem_shared>> -> memref<10240xf32, #tpu.memory_space<vmem_shared>>
    tpu.wait_indirect_dma semaphore(%arg29 : memref<!tpu.dma_semaphore, #tpu.memory_space<semaphore_mem>>) src(%arg15 : memref<64xf32, #tpu.memory_space<vmem>>) dst(%dma_wait3A_141 : memref<10240xf32, #tpu.memory_space<vmem_shared>>)
    %dma_wait3A_142 = arith.constant 3 : i32
    %dma_wait3A_143 = arith.constant 0 : i32
    %dma_wait3A_144 = tpu.memref_slice %arg10[%dma_wait3A_142, %dma_wait3A_143] : memref<8x64xi32, #tpu.memory_space<vmem>> -> memref<1x64xi32, #tpu.memory_space<vmem>>
    %dma_wait3A_145 = tpu.memref_squeeze %dma_wait3A_144 : memref<1x64xi32, #tpu.memory_space<vmem>> -> memref<64xi32, #tpu.memory_space<vmem>>
    %dma_wait3A_146 = arith.constant 0 : i32
    %dma_wait3A_147 = tpu.memref_slice %arg17[%dma_wait3A_146] : memref<10240xf32, #tpu.memory_space<vmem_shared>> -> memref<10240xf32, #tpu.memory_space<vmem_shared>>
    tpu.wait_indirect_dma semaphore(%arg29 : memref<!tpu.dma_semaphore, #tpu.memory_space<semaphore_mem>>) src(%arg15 : memref<64xf32, #tpu.memory_space<vmem>>) dst(%dma_wait3A_147 : memref<10240xf32, #tpu.memory_space<vmem_shared>>)
    %dma_wait3A_148 = arith.constant 4 : i32
    %dma_wait3A_149 = arith.constant 0 : i32
    %dma_wait3A_150 = tpu.memref_slice %arg10[%dma_wait3A_148, %dma_wait3A_149] : memref<8x64xi32, #tpu.memory_space<vmem>> -> memref<1x64xi32, #tpu.memory_space<vmem>>
    %dma_wait3A_151 = tpu.memref_squeeze %dma_wait3A_150 : memref<1x64xi32, #tpu.memory_space<vmem>> -> memref<64xi32, #tpu.memory_space<vmem>>
    %dma_wait3A_152 = arith.constant 0 : i32
    %dma_wait3A_153 = tpu.memref_slice %arg17[%dma_wait3A_152] : memref<10240xf32, #tpu.memory_space<vmem_shared>> -> memref<10240xf32, #tpu.memory_space<vmem_shared>>
    tpu.wait_indirect_dma semaphore(%arg29 : memref<!tpu.dma_semaphore, #tpu.memory_space<semaphore_mem>>) src(%arg15 : memref<64xf32, #tpu.memory_space<vmem>>) dst(%dma_wait3A_153 : memref<10240xf32, #tpu.memory_space<vmem_shared>>)
    %dma_wait3A_154 = arith.constant 5 : i32
    %dma_wait3A_155 = arith.constant 0 : i32
    %dma_wait3A_156 = tpu.memref_slice %arg10[%dma_wait3A_154, %dma_wait3A_155] : memref<8x64xi32, #tpu.memory_space<vmem>> -> memref<1x64xi32, #tpu.memory_space<vmem>>
    %dma_wait3A_157 = tpu.memref_squeeze %dma_wait3A_156 : memref<1x64xi32, #tpu.memory_space<vmem>> -> memref<64xi32, #tpu.memory_space<vmem>>
    %dma_wait3A_158 = arith.constant 0 : i32
    %dma_wait3A_159 = tpu.memref_slice %arg17[%dma_wait3A_158] : memref<10240xf32, #tpu.memory_space<vmem_shared>> -> memref<10240xf32, #tpu.memory_space<vmem_shared>>
    tpu.wait_indirect_dma semaphore(%arg29 : memref<!tpu.dma_semaphore, #tpu.memory_space<semaphore_mem>>) src(%arg15 : memref<64xf32, #tpu.memory_space<vmem>>) dst(%dma_wait3A_159 : memref<10240xf32, #tpu.memory_space<vmem_shared>>)
    %dma_wait3A_160 = arith.constant 6 : i32
    %dma_wait3A_161 = arith.constant 0 : i32
    %dma_wait3A_162 = tpu.memref_slice %arg10[%dma_wait3A_160, %dma_wait3A_161] : memref<8x64xi32, #tpu.memory_space<vmem>> -> memref<1x64xi32, #tpu.memory_space<vmem>>
    %dma_wait3A_163 = tpu.memref_squeeze %dma_wait3A_162 : memref<1x64xi32, #tpu.memory_space<vmem>> -> memref<64xi32, #tpu.memory_space<vmem>>
    %dma_wait3A_164 = arith.constant 0 : i32
    %dma_wait3A_165 = tpu.memref_slice %arg17[%dma_wait3A_164] : memref<10240xf32, #tpu.memory_space<vmem_shared>> -> memref<10240xf32, #tpu.memory_space<vmem_shared>>
    tpu.wait_indirect_dma semaphore(%arg29 : memref<!tpu.dma_semaphore, #tpu.memory_space<semaphore_mem>>) src(%arg15 : memref<64xf32, #tpu.memory_space<vmem>>) dst(%dma_wait3A_165 : memref<10240xf32, #tpu.memory_space<vmem_shared>>)
    %dma_wait3A_166 = arith.constant 7 : i32
    %dma_wait3A_167 = arith.constant 0 : i32
    %dma_wait3A_168 = tpu.memref_slice %arg10[%dma_wait3A_166, %dma_wait3A_167] : memref<8x64xi32, #tpu.memory_space<vmem>> -> memref<1x64xi32, #tpu.memory_space<vmem>>
    %dma_wait3A_169 = tpu.memref_squeeze %dma_wait3A_168 : memref<1x64xi32, #tpu.memory_space<vmem>> -> memref<64xi32, #tpu.memory_space<vmem>>
    %dma_wait3A_170 = arith.constant 0 : i32
    %dma_wait3A_171 = tpu.memref_slice %arg17[%dma_wait3A_170] : memref<10240xf32, #tpu.memory_space<vmem_shared>> -> memref<10240xf32, #tpu.memory_space<vmem_shared>>
    tpu.wait_indirect_dma semaphore(%arg29 : memref<!tpu.dma_semaphore, #tpu.memory_space<semaphore_mem>>) src(%arg15 : memref<64xf32, #tpu.memory_space<vmem>>) dst(%dma_wait3A_171 : memref<10240xf32, #tpu.memory_space<vmem_shared>>)
    %barrier3A_172 = arith.constant 0 : index
    tpu.barrier barrier_id(%barrier3A_172)
    "tpu.region"() ({
      %run_scoped3A_176 = tpu.sem_alloc : memref<!tpu.dma_semaphore, #tpu.memory_space<semaphore_mem>>
      %dma_start3A_177 = arith.constant 0 : i32
      %dma_start3A_178 = tpu.memref_slice %arg5[%arg0, %mul3A_25, %dma_start3A_177] : memref<2x10240x128xf32, #tpu.memory_space<hbm>> -> memref<1x640x128xf32, #tpu.memory_space<hbm>>
      %dma_start3A_179 = tpu.memref_squeeze %dma_start3A_178 : memref<1x640x128xf32, #tpu.memory_space<hbm>> -> memref<640x128xf32, #tpu.memory_space<hbm>>
      %dma_start3A_180 = arith.constant 0 : i32
      %dma_start3A_181 = tpu.memref_slice %arg16[%mul3A_25, %dma_start3A_180] : memref<10240x128xf32, #tpu.memory_space<vmem_shared>> -> memref<640x128xf32, #tpu.memory_space<vmem_shared>>
      tpu.enqueue_dma source(%dma_start3A_181 : memref<640x128xf32, #tpu.memory_space<vmem_shared>>) target(%dma_start3A_179 : memref<640x128xf32, #tpu.memory_space<hbm>>) target_semaphore(%run_scoped3A_176 : memref<!tpu.dma_semaphore, #tpu.memory_space<semaphore_mem>>)
      %dma_wait3A_182 = arith.constant 0 : i32
      %dma_wait3A_183 = tpu.memref_slice %arg5[%arg0, %mul3A_25, %dma_wait3A_182] : memref<2x10240x128xf32, #tpu.memory_space<hbm>> -> memref<1x640x128xf32, #tpu.memory_space<hbm>>
      %dma_wait3A_184 = tpu.memref_squeeze %dma_wait3A_183 : memref<1x640x128xf32, #tpu.memory_space<hbm>> -> memref<640x128xf32, #tpu.memory_space<hbm>>
      %dma_wait3A_185 = arith.constant 0 : i32
      %dma_wait3A_186 = tpu.memref_slice %arg16[%mul3A_25, %dma_wait3A_185] : memref<10240x128xf32, #tpu.memory_space<vmem_shared>> -> memref<640x128xf32, #tpu.memory_space<vmem_shared>>
      tpu.wait_dma2 semaphore(%run_scoped3A_176 : memref<!tpu.dma_semaphore, #tpu.memory_space<semaphore_mem>>) src(%dma_wait3A_186 : memref<640x128xf32, #tpu.memory_space<vmem_shared>>) dst(%dma_wait3A_184 : memref<640x128xf32, #tpu.memory_space<hbm>>)
      tpu.yield
    }) : () -> ()
    %mul3A_173 = arith.constant 10240 : i32
    %mul3A_174 = arith.muli %arg0, %mul3A_173 : i32
    %add3A_175 = arith.addi %mul3A_174, %mul3A_25 : i32
    "tpu.region"() ({
      %run_scoped3A_176 = tpu.sem_alloc : memref<!tpu.dma_semaphore, #tpu.memory_space<semaphore_mem>>
      %dma_start3A_177 = tpu.memref_slice %arg6[%add3A_175] : memref<20480xf32, #tpu.memory_space<hbm>> -> memref<640xf32, #tpu.memory_space<hbm>>
      %dma_start3A_178 = tpu.memref_slice %arg17[%mul3A_25] : memref<10240xf32, #tpu.memory_space<vmem_shared>> -> memref<640xf32, #tpu.memory_space<vmem_shared>>
      tpu.enqueue_dma source(%dma_start3A_178 : memref<640xf32, #tpu.memory_space<vmem_shared>>) target(%dma_start3A_177 : memref<640xf32, #tpu.memory_space<hbm>>) target_semaphore(%run_scoped3A_176 : memref<!tpu.dma_semaphore, #tpu.memory_space<semaphore_mem>>)
      %dma_wait3A_179 = tpu.memref_slice %arg6[%add3A_175] : memref<20480xf32, #tpu.memory_space<hbm>> -> memref<640xf32, #tpu.memory_space<hbm>>
      %dma_wait3A_180 = tpu.memref_slice %arg17[%mul3A_25] : memref<10240xf32, #tpu.memory_space<vmem_shared>> -> memref<640xf32, #tpu.memory_space<vmem_shared>>
      tpu.wait_dma2 semaphore(%run_scoped3A_176 : memref<!tpu.dma_semaphore, #tpu.memory_space<semaphore_mem>>) src(%dma_wait3A_180 : memref<640xf32, #tpu.memory_space<vmem_shared>>) dst(%dma_wait3A_179 : memref<640xf32, #tpu.memory_space<hbm>>)
      tpu.yield
    }) : () -> ()
    return
  }
}

module attributes {stable_mosaic.version = 14 : i64} {
  func.func @body(%arg0: memref<10000x128xf32, #tpu.memory_space<vmem>>, %arg1: memref<128x128xf32, #tpu.memory_space<vmem>>, %arg2: memref<10000x128xf32, #tpu.memory_space<vmem>>) attributes {dimension_semantics = [], scalar_prefetch = 0 : i64, scratch_operands = 0 : i64, tpu.core_type = #tpu.core_type<tc>} {
    %get3A = arith.constant 0 : index
    %get3A_0 = arith.constant 0 : index
    %get3A_1 = vector.load %arg0[%get3A, %get3A_0] : memref<10000x128xf32, #tpu.memory_space<vmem>>, vector<10000x128xf32>
    %get3A_2 = arith.constant 0 : index
    %get3A_3 = arith.constant 0 : index
    %get3A_4 = vector.load %arg1[%get3A_2, %get3A_3] : memref<128x128xf32, #tpu.memory_space<vmem>>, vector<128x128xf32>
    %dot_general3A = arith.constant dense<0.000000e+00> : vector<10000x128xf32>
    %dot_general3A_5 = tpu.matmul %get3A_1, %get3A_4, %dot_general3A {dimension_numbers = #tpu.dot_dimension_numbers<[1], [0], [0], [1], [0, 0, 1, 1], [], []>, precision = #tpu.contract_precision<fp32>, transpose_lhs_hint = false} : vector<10000x128xf32>, vector<128x128xf32>, vector<10000x128xf32> -> vector<10000x128xf32>
    %swap3A = arith.constant 0 : index
    %swap3A_6 = arith.constant 0 : index
    %swap3A_7 = vector.load %arg2[%swap3A, %swap3A_6] : memref<10000x128xf32, #tpu.memory_space<vmem>>, vector<10000x128xf32>
    tpu.vector_store %arg2[%swap3A, %swap3A_6], %dot_general3A_5 {strides = array<i32>} : memref<10000x128xf32, #tpu.memory_space<vmem>>, vector<10000x128xf32>,
    return
  }
}

module attributes {stable_mosaic.version = 14 : i64} {
  func.func @body(%arg0: memref<2x10240x128xf32, #tpu.memory_space<vmem>>, %arg1: memref<20480xf32, #tpu.memory_space<vmem>>, %arg2: memref<10000x128xf32, #tpu.memory_space<vmem>>, %arg3: memref<128x128xf32, #tpu.memory_space<vmem>>, %arg4: memref<1x128xf32, #tpu.memory_space<vmem>>, %arg5: memref<10000x128xf32, #tpu.memory_space<vmem>>) attributes {dimension_semantics = [], scalar_prefetch = 0 : i64, scratch_operands = 0 : i64, tpu.core_type = #tpu.core_type<tc>} {
    %get3A = arith.constant 0 : index
    %get3A_0 = arith.constant 0 : index
    %get3A_1 = arith.constant 0 : index
    %get3A_2 = vector.load %arg0[%get3A, %get3A_0, %get3A_1] : memref<2x10240x128xf32, #tpu.memory_space<vmem>>, vector<1x10000x128xf32>
    %get3A_3 = vector.shape_cast %get3A_2 : vector<1x10000x128xf32> to vector<10000x128xf32>
    %get3A_4 = arith.constant 1 : index
    %get3A_5 = arith.constant 0 : index
    %get3A_6 = arith.constant 0 : index
    %get3A_7 = vector.load %arg0[%get3A_4, %get3A_5, %get3A_6] : memref<2x10240x128xf32, #tpu.memory_space<vmem>>, vector<1x10000x128xf32>
    %get3A_8 = vector.shape_cast %get3A_7 : vector<1x10000x128xf32> to vector<10000x128xf32>
    %add3A = arith.addf %get3A_3, %get3A_8 : vector<10000x128xf32>
    %get3A_9 = arith.constant 0 : index
    %get3A_10 = vector.load %arg1[%get3A_9] : memref<20480xf32, #tpu.memory_space<vmem>>, vector<10240xf32>
    %get3A_11 = arith.constant 10240 : index
    %get3A_12 = vector.load %arg1[%get3A_11] : memref<20480xf32, #tpu.memory_space<vmem>>, vector<10240xf32>
    %add3A_13 = arith.addf %get3A_10, %get3A_12 : vector<10240xf32>
    %slice3A = vector.extract_strided_slice %add3A_13 {offsets = [0], sizes = [10000], strides = [1]} : vector<10240xf32> to vector<10000xf32>
    %max3A = arith.constant 1.000000e+00 : f32
    %max3A_14 = vector.broadcast %max3A : f32 to vector<10000xf32>
    %max3A_15 = arith.maximumf %slice3A, %max3A_14 : vector<10000xf32>
    %reshape3A = vector.shape_cast %max3A_15 : vector<10000xf32> to vector<10000x1xf32>
    %div3A = vector.broadcast %reshape3A : vector<10000x1xf32> to vector<10000x128xf32>
    %div3A_16 = arith.divf %add3A, %div3A : vector<10000x128xf32>
    %get3A_17 = arith.constant 0 : index
    %get3A_18 = arith.constant 0 : index
    %get3A_19 = vector.load %arg3[%get3A_17, %get3A_18] : memref<128x128xf32, #tpu.memory_space<vmem>>, vector<128x128xf32>
    %dot_general3A = arith.constant dense<0.000000e+00> : vector<10000x128xf32>
    %dot_general3A_20 = tpu.matmul %div3A_16, %get3A_19, %dot_general3A {dimension_numbers = #tpu.dot_dimension_numbers<[1], [0], [0], [1], [0, 0, 1, 1], [], []>, precision = #tpu.contract_precision<fp32>, transpose_lhs_hint = false} : vector<10000x128xf32>, vector<128x128xf32>, vector<10000x128xf32> -> vector<10000x128xf32>
    %get3A_21 = arith.constant 0 : index
    %get3A_22 = arith.constant 0 : index
    %get3A_23 = vector.load %arg2[%get3A_21, %get3A_22] : memref<10000x128xf32, #tpu.memory_space<vmem>>, vector<10000x128xf32>
    %add3A_24 = arith.addf %dot_general3A_20, %get3A_23 : vector<10000x128xf32>
    %get3A_25 = arith.constant 0 : index
    %get3A_26 = arith.constant 0 : index
    %get3A_27 = vector.load %arg4[%get3A_25, %get3A_26] : memref<1x128xf32, #tpu.memory_space<vmem>>, vector<1x128xf32>
    %add3A_28 = vector.broadcast %get3A_27 : vector<1x128xf32> to vector<10000x128xf32>
    %add3A_29 = arith.addf %add3A_24, %add3A_28 : vector<10000x128xf32>
    %max3A_30 = arith.constant 0.000000e+00 : f32
    %max3A_31 = vector.broadcast %max3A_30 : f32 to vector<10000x128xf32>
    %max3A_32 = arith.maximumf %add3A_29, %max3A_31 : vector<10000x128xf32>
    %swap3A = arith.constant 0 : index
    %swap3A_33 = arith.constant 0 : index
    %swap3A_34 = vector.load %arg5[%swap3A, %swap3A_33] : memref<10000x128xf32, #tpu.memory_space<vmem>>, vector<10000x128xf32>
    tpu.vector_store %arg5[%swap3A, %swap3A_33], %max3A_32 {strides = array<i32>} : memref<10000x128xf32, #tpu.memory_space<vmem>>, vector<10000x128xf32>,
    return
  }
}

</mosaic_0001>

<sc_bundles>
// kernel: kernel.5.cloned.1.call-start
scs
__scs_entry_jumppad:
0x0: {  	(pc) =	sbr.rel $0x88, $3  }
0x1: {  	(tag) =	ssettag $0x0;
	lr =	simm.s32 $0x1  }
0x2: {  	[smem:$0x3F9C] =	sst lr;
	_ =	strace $0xD0000000  }
0x3: {  	_ = 	snop  }
0x4: {  	_ = 	snop  }
0x5: {  	_ = 	snop  }
0x6: {  	_ = 	snop  }
0x7: {  	_ = 	snop  }
__scs_overlays_trampoline_lowered:
0x8: {  	[smem:$0x3FAB] =	sst s0  }
0x9: {  	[smem:$0x3FAC] =	sst s1  }
0xa: {  	[smem:$0x3FAD] =	sst s2  }
0xb: {  	[smem:$0x3FAE] =	sst s3  }
0xc: {  	[smem:$0x3FAF] =	sst s4  }
0xd: {  	[smem:$0x3FB0] =	sst s5  }
0xe: {  	[smem:$0x3FB1] =	sst s6  }
0xf: {  	[smem:$0x3FB2] =	sst s7  }
0x10: {  	[smem:$0x3FB3] =	sst s8  }
0x11: {  	[smem:$0x3FB4] =	sst s9;
	s0 =	simm.s32 @!p0 $0x0  }
0x12: {  	s1 =	sld [smem:$0x3F9A];
	s0 =	simm.s32 @p0 $0x1  }
0x13: {  	[smem:$0x3FB5] =	sst s0;
	s0 =	simm.s32 @!p1 $0x0  }
0x14: {  	s2 =	sld [smem:$0x3F99];
	s0 =	simm.s32 @p1 $0x1  }
0x15: {  	[smem:$0x3FB6] =	sst s0;
	s0 =	simm.s32 @!p2 $0x0  }
0x16: {  	s3 =	sld [smem:$0x3FDB];
	s0 =	simm.s32 @p2 $0x1  }
0x17: {  	s4 =	simm.s32 $0x1BF5;
	[smem:$0x3FB8] =	sst s0  }
0x18: {  	s0 =	sld [smem:$0x3F9B];
	_ =	swait.ge [sflag:s4], $0x0  }
0x19: {  	s7 =	sld [smem:$0x3F9C]  }
0x1a: {  	s8 =	sadd.s32 $0xFFFFE003, lr  }
0x1b: {  	s9 =	sadd.s32 $0xFFFFFEF7, lr;
	s5 =	simm.s32 $0xFFFFFFFF;
	p2 =	slt.u32 s8, $0xFFFFF086  }
0x1c: {  	p1 =	slt.u32 s9, $0xF7A;
	s5 =	simm.s32 @!p2 $0x0  }
0x1d: {  	s5 =	simm.s32 @p1 $0x1;
	p0 =	seq.s32 s7, s2  }
0x1e: {  	s7 =	smul.u32 @!p0 $0xF7A, s2;
	p2 =	seq.s32 @!p0 s5, $0x0  }
0x1f: {  	s9 =	smul.u32 $0xF7A, s1;
	s8 =	simm.s32 @!p0 $0x1BF5;
	p2 =	por !p2, p0  }
0x20: {  	[sflag:s8] =	ssyncset.s32 @!p0 $0xFFFFF086;
	s6 =	sadd.s32 @!p0 s3, s7;
	s7 =	simm.s32 @!p0 $0x108  }
0x21: {  	s3 =	sadd.s32 s3, s9;
	s6 =	sadd.s32 @!p0 $0x88, s6;
	s7 =	simm.s32 @p2 $0x1082  }
0x22: {  	[simem:s7], [sflag:s8] =	dma.local @!p0 [hbm:s6], $0xF7A  }
0x23: {  	s9 =	sor.u32 $0xD0000000, s2;
	s6 =	simm.s32 $0x108;
	_ =	swait.ge @!p0 [sflag:s8], $0x0  }
0x24: {  	s3 =	sadd.s32 $0x88, s3;
	s6 =	simm.s32 @!p1 $0x1082;
	[sflag:s4] =	ssyncset.s32 $0xFFFFF086  }
0x25: {  	[simem:s6], [sflag:s4] =	dma.local [hbm:s3], $0xF7A  }
0x26: {  	[smem:$0x3F9C] =	sst s1;
	(tag) =	ssettag s2;
	_ =	strace s9  }
0x27: {  	s1 =	sld [smem:$0x3FAC]  }
0x28: {  	s2 =	sld [smem:$0x3FAD]  }
0x29: {  	s4 =	sld [smem:$0x3FAF]  }
0x2a: {  	p0 =	seq.s32 s5, $0x0;
	s5 =	sld [smem:$0x3FB0]  }
0x2b: {  	s6 =	sld [smem:$0x3FB1]  }
0x2c: {  	s7 =	sld [smem:$0x3FB2]  }
0x2d: {  	s3 =	simm.s32 $0x108;
	s8 =	sld [smem:$0x3FB3]  }
0x2e: {  	s3 =	simm.s32 @!p0 $0x1082;
	s9 =	sld [smem:$0x3FB4]  }
0x2f: {  	lr =	sadd.s32 s0, s3;
	s0 =	sld [smem:$0x3FAB]  }
0x30: {  	s3 =	sld [smem:$0x3FAE]  }
0x31: {  	[smem:$0x3FB7] =	sst s10  }
0x32: {  	s10 =	sld [smem:$0x3FB5];
	_ =	sdelay $0x3  }
0x33: {  	p0 =	seq.s32 s10, $0x1;
	s10 =	sld [smem:$0x3FB7];
	_ =	sdelay $0x3  }
0x34: {  	[smem:$0x3FB7] =	sst s10  }
0x35: {  	s10 =	sld [smem:$0x3FB6];
	_ =	sdelay $0x3  }
0x36: {  	p1 =	seq.s32 s10, $0x1;
	s10 =	sld [smem:$0x3FB7];
	_ =	sdelay $0x3  }
0x37: {  	[smem:$0x3FB7] =	sst s10  }
0x38: {  	s10 =	sld [smem:$0x3FB8]  }
0x39: {  	_ = 	snop;
	(pc) =	sbr.ind lr, $3  }
0x3a: {  	_ = 	snop  }
0x3b: {  	_ = 	snop  }
0x3c: {  	p2 =	seq.s32 s10, $0x1;
	s10 =	sld [smem:$0x3FB7]  }
0x3d: {  	_ =	shalt  }
0x3e: {  	_ =	shalt  }
0x3f: {  	_ =	shalt  }
0x40: {  	_ =	shalt  }
0x41: {  	_ =	shalt  }
0x42: {  	_ =	shalt  }
0x43: {  	_ =	shalt  }
0x44: {  	_ =	shalt  }
0x45: {  	_ =	shalt  }
0x46: {  	_ =	shalt  }
0x47: {  	_ =	shalt  }
0x48: {  	_ =	shalt  }
0x49: {  	_ =	shalt  }
0x4a: {  	_ =	shalt  }
0x4b: {  	_ =	shalt  }
0x4c: {  	_ =	shalt  }
0x4d: {  	_ =	shalt  }
0x4e: {  	_ =	shalt  }
0x4f: {  	_ =	shalt  }
0x50: {  	_ =	shalt  }
0x51: {  	_ =	shalt  }
0x52: {  	_ =	shalt  }
0x53: {  	_ =	shalt  }
0x54: {  	_ =	shalt  }
0x55: {  	_ =	shalt  }
0x56: {  	_ =	shalt  }
0x57: {  	_ =	shalt  }
0x58: {  	_ =	shalt  }
0x59: {  	_ =	shalt  }
0x5a: {  	_ =	shalt  }
0x5b: {  	_ =	shalt  }
0x5c: {  	_ =	shalt  }
0x5d: {  	_ =	shalt  }
0x5e: {  	_ =	shalt  }
0x5f: {  	_ =	shalt  }
0x60: {  	_ =	shalt  }
0x61: {  	_ =	shalt  }
0x62: {  	_ =	shalt  }
0x63: {  	_ =	shalt  }
0x64: {  	_ =	shalt  }
0x65: {  	_ =	shalt  }
0x66: {  	_ =	shalt  }
0x67: {  	_ =	shalt  }
0x68: {  	_ =	shalt  }
0x69: {  	_ =	shalt  }
0x6a: {  	_ =	shalt  }
0x6b: {  	_ =	shalt  }
0x6c: {  	_ =	shalt  }
0x6d: {  	_ =	shalt  }
0x6e: {  	_ =	shalt  }
0x6f: {  	_ =	shalt  }
0x70: {  	_ =	shalt  }
0x71: {  	_ =	shalt  }
0x72: {  	_ =	shalt  }
0x73: {  	_ =	shalt  }
0x74: {  	_ =	shalt  }
0x75: {  	_ =	shalt  }
0x76: {  	_ =	shalt  }
0x77: {  	_ =	shalt  }
0x78: {  	_ =	shalt  }
0x79: {  	_ =	shalt  }
0x7a: {  	_ =	shalt  }
0x7b: {  	_ =	shalt  }
0x7c: {  	_ =	shalt  }
0x7d: {  	_ =	shalt  }
0x7e: {  	_ =	shalt  }
0x7f: {  	_ =	shalt  }
0x80: {  	_ =	shalt  }
0x81: {  	_ =	shalt  }
0x82: {  	_ =	shalt  }
0x83: {  	_ =	shalt  }
0x84: {  	_ =	shalt  }
0x85: {  	_ =	shalt  }
0x86: {  	_ =	shalt  }
0x87: {  	_ =	shalt  }
.Lfunc_end0:
.L_simem_size_0:
called_computation_lowered:
.L_overlay_start_0:
0x88: {  	s2 =	sld [smem:$0x3FD9]  }
0x89: {  	s3 =	sld [smem:$0x3FFE];
	_ =	sdelay $0x1  }
0x8a: {  	s1 =	srdreg.scid  }
0x8b: {  	s0 =	sand.u32 $0x1, s1  }
0x8c: {  	s17 =	sshll.u32 s0, $0xA;
	s2 =	sadd.s32 s3, s2  }
0x8d: {  	s2 =	sadd.s32 s2, s17  }
0x8e: {  	[smem:$0x3FC3] =	sst s2  }
0x8f: {  	_ = 	snop  }
0x90: {  	s2 =	sld [smem:$0x3FC9]  }
0x91: {  	s18 =	sld [smem:$0x3FD0];
	(tm) =	ssettm $0x1  }
0x92: {  	s4 =	sld [smem:$0x3FFB];
	_ =	sdelay $0x3  }
0x93: {  	_ =	strace s4  }
0x94: {  	s4 =	sld [smem:$0x3FFC];
	_ =	sdelay $0x3  }
0x95: {  	_ =	strace s4  }
0x96: {  	s4 =	sld [smem:$0x3FFD];
	_ =	sdelay $0x3  }
0x97: {  	_ =	strace s4  }
0x98: {  	_ =	strace $0x8FFFFFFF  }
0x99: {  	s19 =	sld [smem:$0x3FDB];
	_ =	sdelay $0x1  }
0x9a: {  	s5 =	simm.s32 $_scs_section_size  }
0x9b: {  	s6 =	simm.s32 $_size__tile_overlayer_lowered;
	s7 =	simm.s32 $_tile_overlayer_lowered  }
0x9c: {  	s22 =	simm.s32 $0x1BFF;
	s21 =	sshll.u32 s7, $0x1;
	s4 =	sadd.s32 s5, s19  }
0x9d: {  	s8 =	simm.s32 $0x0;
	s20 =	sshll.u32 s6, $0x1;
	s6 =	sadd.s32 s21, s4  }
0x9e: {  	[timem:s8], [sflag:s22] =	dma.local [hbm:s6], s20  }
0x9f: {  	_ =	swait.ge [sflag:s22], s20  }
0xa0: {  	s5 =	ssub.s32 $0x0, s20;
	[sflag:s22] =	ssyncset.done $0x0  }
0xa1: {  	[sflag:s22] =	ssyncadd.s32 s5;
	_ =	sdelay $0x1  }
0xa2: {  	s23 =	simm.s32 $0x1B8B  }
0xa3: {  	_ =	swait.ge [sflag:s23], $0x1  }
0xa4: {  	[sflag:s23] =	ssyncset.done $0x0  }
0xa5: {  	s25 =	simm.s32 $0x1B8E;
	s24 =	sld [smem:$0x3FFE];
	[sflag:s23] =	ssyncadd.s32 $0xFFFFFFFF  }
0xa6: {  	s26 =	simm.s32 $execute0_lowered;
	[smem:$0x3FD2] =	sst s25  }
0xa7: {  	s6 =	sshll.u32 s26, $0x1;
	_ =	strace $0x80000046;
	[dreg:$0x1] =	wrdreg $0xFFFFFFFF  }
0xa8: {  	s28 =	simm.s32 $_size_execute0_lowered;
	s4 =	sadd.s32 s4, s6;
	[dreg:$0x0] =	wrdreg $0x0  }
0xa9: {  	s6 =	sshll.u32 s28, $0x1;
	[dreg:$0x2] =	wrdreg s4  }
0xaa: {  	[dreg:$0x3] =	wrdreg s6  }
0xab: {  	[dreg:$0x4] =	wrdreg $0xC0  }
0xac: {  	_ =	task [dreg:s8], $0x5FFFF  }
0xad: {  	[dreg:$0x1] =	wrdreg $0xFFFFFFFF  }
0xae: {  	[dreg:$0x0] =	wrdreg $0x60  }
0xaf: {  	[dreg:$0x2] =	wrdreg s2  }
0xb0: {  	[dreg:$0x3] =	wrdreg s18  }
0xb1: {  	[dreg:$0x4] =	wrdreg s24  }
0xb2: {  	[dreg:$0x5] =	wrdreg $0x90800  }
0xb3: {  	[dreg:$0x6] =	wrdreg $0x1D0800  }
0xb4: {  	[dreg:$0x7] =	wrdreg $0x9  }
0xb5: {  	_ =	task.clear_ibuf [dreg:s8], $0x8FFFF;
	_ =	strace $0x90000046  }
0xb6: {  	s29 =	simm.s32 $0x9;
	_ =	strace $0x80000048  }
0xb7: {  	_ =	swait.ge [sflag:s29], $0x1  }
0xb8: {  	[sflag:s29] =	ssyncadd.s32 $0xFFFFFFFF  }
0xb9: {  	_ =	strace $0x90000048  }
0xba: {  	_ =	sfence  }
0xbb: {  	s30 =	sld [smem:$0x0];
	_ =	sdelay $0x2  }
0xbc: {  	s31 =	sshll.u32 s1, $0xD;
	s1 =	sshrl.u32 s1, $0x2  }
0xbd: {  	s3 =	sand.u32 $0x4000, s31;
	s1 =	sadd.s32 s1, s30  }
0xbe: {  	s0 =	sor.u32 s3, s0;
	s1 =	sshll.u32 s1, $0x11  }
0xbf: {  	s0 =	sor.u32 s1, s0  }
0xc0: {  	s0 =	sadd.s32 $0x8F2B, s0  }
0xc1: {  	[sflag:s0] =	ssyncadd.remote.s32 $0x1  }
0xc2: {  	_ =	sfence.sel $0xFFFF  }
0xc3: {  	[dreg:$0x0] =	wrdreg $0xFFFFFFFF;
	(pc) =	sbr.abs _section_cstart, $3  }
0xc4: {  	[dreg:$0x1] =	wrdreg $0xFFFFFFFF  }
0xc5: {  	_ =	task.clear_ibuf [dreg:s8], $0x2FFFF;
	_ =	strace $0x9FFFFFFF  }
0xc6: {  	(tm) =	ssettm $0x7FFFFFFF  }
0xc7: {  	_ =	shalt  }
tec
execute0_lowered:
.L_overlay_start_1:
0x0: {  	(tag) =	ssettag $0x1  }
0x1: {  	s0 =	rddreg [dreg:$0x0]  }
0x2: {  	s1 =	rddreg [dreg:$0x1]  }
0x3: {  	s2 =	rddreg [dreg:$0x2];
	s4 =	srdreg.scid  }
0x4: {  	s3 =	rddreg [dreg:$0x3];
	s15 =	stileid.u32;
	s5 =	simm.s32 $0x0  }
0x5: {  	s31 =	simm.s32 $0x1000;
	s29 =	simm.s32 $0x4;
	s8 =	smul.u32 $0x14000, s15  }
0x6: {  	s30 =	simm.s32 $0xE80;
	s28 =	simm.s32 $0xF80;
	s9 =	smul.u32 $0x280, s15  }
0x7: {  	s6 =	sand.u32 $0x1, s4;
	s4 =	rddreg [dreg:$0x4];
	s14 =	smul.u32 $0x50000, s15  }
0x8: {  	[smem:$0x7FF] =	sst s5;
	s11 =	sadd.s32 $0x1400, s2;
	s7 =	smul.u32 $0x140000, s6  }
0x9: {  	s10 =	smul.u32 $0x2800, s6;
	_ =	strace $0x80000047;
	s16 =	ssub.s32 $0x2, s6  }
0xa: {  	s12 =	sshrl.u32 s16, $0x1;
	s19 =	sadd.s32 $0x80, s9;
	s23 =	sadd.s32 $0x200, s9  }
0xb: {  	s7 =	sadd.s32 s8, s7;
	s13 =	sadd.s32 s9, s10;
	s10 =	sshrl.u32 s14, $0x2  }
0xc: {  	s20 =	sshll.u32 s19, $0x7;
	s14 =	sadd.s32 $0x100, s9;
	s7 =	sshrl.u32 s7, $0x3  }
0xd: {  	s8 =	sshrl.u32 s13, $0x3;
	s13 =	sshll.u32 s15, $0x1;
	s18 =	sadd.s32 s10, s3  }
0xe: {  	s15 =	smul.u32 $0xA000, s15;
	s7 =	sadd.s32 s7, s2;
	s2 =	sadd.s32 s8, s2  }
0xf: {  	s8 =	ssub.s32 s16, s12;
	s17 =	sor.u32 s6, s13;
	s10 =	sadd.s32 $0x2000, s18  }
0x10: {  	s16 =	sshll.u32 s14, $0x7;
	s6 =	smul.u32 $0x5000, s6;
	[dreg:$0x6] =	wrdreg s18  }
0x11: {  	s13 =	sadd.s32 s20, s3;
	[dreg:$0x7] =	wrdreg s10;
	s12 =	smul.u32 $0x5000, s17  }
0x12: {  	s17 =	sadd.s32 $0x180, s9;
	[dreg:$0x8] =	wrdreg s13;
	s21 =	sadd.s32 s16, s3  }
0x13: {  	s20 =	sadd.s32 $0x65400, s2;
	s10 =	simm.s32 $0x3000;
	s2 =	simm.s32 $0xA  }
0x14: {  	[dreg:$0x9] =	wrdreg s21;
	s22 =	sshll.u32 s17, $0x7;
	s6 =	sadd.s32 s6, s15  }
0x15: {  	s16 =	sadd.s32 s17, s4;
	s17 =	sadd.s32 s23, s4;
	[dreg:$0x18] =	wrdreg s20  }
0x16: {  	s21 =	smax.u32 s8, $0x1;
	s8 =	simm.s32 $0x40;
	s20 =	simm.s32 $0x7000  }
0x17: {  	s13 =	sadd.s32 s22, s3;
	s12 =	sshrl.u32 s12, $0x3;
	[dreg:$0x15] =	wrdreg s16  }
0x18: {  	s25 =	sor.u32 $0x800, s6;
	s6 =	sor.u32 $0x400, s6;
	[dreg:$0x16] =	wrdreg s17  }
0x19: {  	s22 =	sadd.s32 s9, s4;
	[dreg:$0x19] =	wrdreg s21;
	s17 =	simm.s32 $0x9000  }
0x1a: {  	s21 =	simm.s32 $0x3;
	s16 =	simm.s32 $0xB;
	[dreg:$0xa] =	wrdreg s13  }
0x1b: {  	s9 =	simm.s32 $0xF00;
	s24 =	sadd.s32 s1, s12;
	[dreg:$0x12] =	wrdreg s22  }
0x1c: {  	s12 =	sadd.s32 s11, s12;
	s26 =	sshrl.u32 s25, $0x3;
	[dreg:$0xb] =	wrdreg s24  }
0x1d: {  	s6 =	sshrl.u32 s6, $0x3;
	s25 =	sadd.s32 $0xE000, s18;
	[dreg:$0xc] =	wrdreg s12  }
0x1e: {  	s15 =	sadd.s32 s26, s11;
	s12 =	sadd.s32 s26, s1;
	[dreg:$0x1c] =	wrdreg s25  }
0x1f: {  	s11 =	sadd.s32 s6, s11;
	s1 =	sadd.s32 s6, s1;
	[dreg:$0xd] =	wrdreg s15  }
0x20: {  	s24 =	sadd.s32 $0xA000, s18;
	s26 =	sadd.s32 $0x12000, s18;
	[dreg:$0xe] =	wrdreg s12  }
0x21: {  	s6 =	simm.s32 $0x8;
	s25 =	simm.s32 $0xE00;
	[dreg:$0xf] =	wrdreg s11  }
0x22: {  	[dreg:$0x10] =	wrdreg s1;
	s11 =	sshll.u32 s23, $0x7;
	s12 =	sadd.s32 s19, s4  }
0x23: {  	s15 =	sadd.s32 s14, s4;
	s19 =	sadd.s32 $0x15400, s7;
	[dreg:$0x1b] =	wrdreg s24  }
0x24: {  	s23 =	sadd.s32 $0x6000, s18;
	[dreg:$0x1d] =	wrdreg s26;
	s7 =	simm.s32 $0x9  }
.Ltmp0:
0x25: {  	s24 =	simm.s32 $0x5;
	[dreg:$0x13] =	wrdreg s12;
	(pc) =	sbr.rel .LBB2_1-.Ltmp0, $4  }
0x26: {  	s26 =	simm.s32 $0xC00;
	s18 =	simm.s32 $0x6;
	[dreg:$0x14] =	wrdreg s15  }
0x27: {  	s14 =	simm.s32 $0x0;
	s1 =	sadd.s32 s11, s3;
	[dreg:$0x17] =	wrdreg s19  }
0x28: {  	[dreg:$0x1a] =	wrdreg s23;
	s11 =	simm.s32 $0x1;
	s23 =	simm.s32 $0x5000  }
0x29: {  	v0 =	vimm.f32 $1.000000000e+00;
	v1 =	vimm.f32 $0.0e+00;
	s12 =	simm.s32 $0x7;
	[dreg:$0x11] =	wrdreg s1;
	s1 =	simm.s32 $0x2  }
.LBB2_6:
0x2a: {  	_ =	swait.ge [sflag:s29], $0x2000  }
0x2b: {  	[sflag:s29] =	ssyncset.done $0x0  }
0x2c: {  	[sflag:s29] =	ssyncadd.s32 $0xFFFFE000  }
0x2d: {  	[spmem:s3] =	stream.indirect.scatter.add.f32 [tilespmem:s20], [sflag:$0x8], $0x80, s28, s8, $0xb8;
	[tilespmem:$0x1D300] =	vst v63  }
0x2e: {  	_ =	swait.ge [sflag:s18], $0x2000  }
0x2f: {  	[sflag:s18] =	ssyncset.done $0x0  }
0x30: {  	[sflag:s18] =	ssyncadd.s32 $0xFFFFE000  }
0x31: {  	[spmem:s4] =	stream.indirect.scatter.add.f32 [tilespmem:s17], [sflag:$0xC], $0x1, s28, s8, $0xb8;
	[tilespmem:$0x1D300] =	vst v63  }
0x32: {  	_ =	swait.ge [sflag:s12], $0x2000  }
0x33: {  	[sflag:s12] =	ssyncset.done $0x0  }
0x34: {  	[sflag:s12] =	ssyncadd.s32 $0xFFFFE000  }
0x35: {  	_ =	swait.ge [sflag:s6], $0x2000  }
0x36: {  	[sflag:s6] =	ssyncset.done $0x0  }
0x37: {  	s13 =	simm.s32 $0xC;
	[sflag:s6] =	ssyncadd.s32 $0xFFFFE000  }
0x38: {  	_ =	swait.ge [sflag:s13], $0x40  }
0x39: {  	[sflag:s13] =	ssyncset.done $0x0  }
0x3a: {  	[sflag:s13] =	ssyncadd.s32 $0xFFFFFFC0  }
0x3b: {  	_ =	swait.ge [sflag:s13], $0x40  }
0x3c: {  	[sflag:s13] =	ssyncset.done $0x0  }
0x3d: {  	[sflag:s13] =	ssyncadd.s32 $0xFFFFFFC0  }
0x3e: {  	_ =	swait.ge [sflag:s13], $0x40  }
0x3f: {  	[sflag:s13] =	ssyncset.done $0x0  }
0x40: {  	[sflag:s13] =	ssyncadd.s32 $0xFFFFFFC0  }
0x41: {  	_ =	swait.ge [sflag:s13], $0x40  }
0x42: {  	[sflag:s13] =	ssyncset.done $0x0  }
0x43: {  	[sflag:s13] =	ssyncadd.s32 $0xFFFFFFC0  }
0x44: {  	_ =	swait.ge [sflag:s13], $0x40  }
0x45: {  	[sflag:s13] =	ssyncset.done $0x0  }
0x46: {  	[sflag:s13] =	ssyncadd.s32 $0xFFFFFFC0  }
0x47: {  	_ =	swait.ge [sflag:s13], $0x40  }
0x48: {  	[sflag:s13] =	ssyncset.done $0x0  }
0x49: {  	[sflag:s13] =	ssyncadd.s32 $0xFFFFFFC0  }
0x4a: {  	_ =	swait.ge [sflag:s13], $0x40  }
0x4b: {  	[sflag:s13] =	ssyncset.done $0x0  }
0x4c: {  	[sflag:s13] =	ssyncadd.s32 $0xFFFFFFC0  }
0x4d: {  	_ =	swait.ge [sflag:s13], $0x40  }
0x4e: {  	[sflag:s13] =	ssyncset.done $0x0  }
0x4f: {  	[sflag:s13] =	ssyncadd.s32 $0xFFFFFFC0  }
0x50: {  	s22 =	stileid.u32;
	[bflag:$0x0] =	sbarrier.arrive $0xFFFF  }
0x51: {  	s13 =	sshll.u32 s22, $0x6;
	s14 =	rddreg [dreg:$0x6]  }
0x52: {  	s13 =	sor.u32 $0x1C0D, s13;
	s15 =	rddreg [dreg:$0x17];
	s14 =	sshrl.u32 s14, $0x3  }
0x53: {  	[hbm:s15], [sflag:s13] =	dma.local [spmem:s14], $0x2800  }
0x54: {  	s15 =	simm.s32 $0xD  }
0x55: {  	_ =	swait.ge [sflag:s15], $0x2800  }
0x56: {  	[sflag:s15] =	ssyncset.done $0x0;
	s22 =	rddreg [dreg:$0x12]  }
0x57: {  	s19 =	rddreg [dreg:$0x18];
	[sflag:s15] =	ssyncadd.s32 $0xFFFFD800;
	s14 =	sshrl.u32 s22, $0x3  }
0x58: {  	[hbm:s19], [sflag:s13] =	dma.local [spmem:s14], $0x50  }
0x59: {  	_ =	swait.ge [sflag:s15], $0x50  }
0x5a: {  	s13 =	rddreg [dreg:$0x1e]  }
0x5b: {  	s19 =	rddreg [dreg:$0x19];
	s14 =	sadd.s32 $0x1, s13  }
0x5c: {  	p0 =	sne.s32 s14, s19  }
.Ltmp1:
0x5d: {  	_ = 	snop;
	(pc) =	sbr.rel @!p0 .LBB2_7-.Ltmp1, $3  }
0x5e: {  	_ =	sdelay $0x1  }
0x5f: {  	[sflag:s15] =	ssyncset.done $0x0  }
0x60: {  	[sflag:s15] =	ssyncadd.s32 $0xFFFFFFB0  }
.LBB2_1:
0x61: {  	[tilespmem:$0x9000] =	vst v0  }
0x62: {  	[tilespmem:$0x9010] =	vst v0  }
0x63: {  	[tilespmem:$0x9020] =	vst v0  }
0x64: {  	[dreg:$0x1e] =	wrdreg s14;
	[tilespmem:$0x9030] =	vst v0;
	s19 =	simm.s32 $0x0;
	s13 =	simm.s32 $0x200  }
.LBB2_2:
0x65: {  	p0 =	sne.s32 s13, $0x7E00;
	[tilespmem:s19+$0x1070] =	vst v1  }
0x66: {  	[tilespmem:s19+$0x1000] =	vst v1  }
0x67: {  	[tilespmem:s19+$0x1010] =	vst v1  }
.Ltmp2:
0x68: {  	[tilespmem:s19+$0x1020] =	vst v1;
	(pc) =	sbr.rel @p0 .LBB2_2-.Ltmp2, $4  }
0x69: {  	[tilespmem:s19+$0x1030] =	vst v1  }
0x6a: {  	[tilespmem:s19+$0x1040] =	vst v1  }
0x6b: {  	[tilespmem:s19+$0x1050] =	vst v1  }
0x6c: {  	[tilespmem:s19+$0x1060] =	vst v1;
	s19 =	sshra.s32 s13, $0x2;
	s13 =	sadd.s32 $0x200, s13  }
0x6d: {  	[tilespmem:s19+$0x1070] =	vst v1  }
0x6e: {  	[tilespmem:s19+$0x1000] =	vst v1  }
0x6f: {  	[tilespmem:s19+$0x1010] =	vst v1  }
0x70: {  	[tilespmem:s19+$0x1020] =	vst v1  }
0x71: {  	[tilespmem:s19+$0x1030] =	vst v1  }
0x72: {  	[tilespmem:s19+$0x1040] =	vst v1  }
0x73: {  	[tilespmem:s19+$0x1050] =	vst v1  }
0x74: {  	[tilespmem:s19+$0x1060] =	vst v1;
	s13 =	rddreg [dreg:$0x6];
	s14 =	simm.s32 $0xD  }
0x75: {  	[spmem:s13] =	stream.linear.scatter [tilespmem:s31], [sflag:$0xD], $0x2000, $0x38;
	[tilespmem:$0x1D300] =	vst v63  }
0x76: {  	_ =	swait.ge [sflag:s14], $0x2000  }
0x77: {  	[sflag:s14] =	ssyncset.done $0x0  }
0x78: {  	s15 =	rddreg [dreg:$0x7];
	[sflag:s14] =	ssyncadd.s32 $0xFFFFE000  }
0x79: {  	[spmem:s15] =	stream.linear.scatter [tilespmem:s31], [sflag:$0xD], $0x2000, $0x38;
	[tilespmem:$0x1D300] =	vst v63  }
0x7a: {  	_ =	swait.ge [sflag:s14], $0x2000  }
0x7b: {  	[sflag:s14] =	ssyncset.done $0x0  }
0x7c: {  	s19 =	rddreg [dreg:$0x8];
	[sflag:s14] =	ssyncadd.s32 $0xFFFFE000  }
0x7d: {  	[spmem:s19] =	stream.linear.scatter [tilespmem:s31], [sflag:$0xD], $0x2000, $0x38;
	[tilespmem:$0x1D300] =	vst v63  }
0x7e: {  	_ =	swait.ge [sflag:s14], $0x2000  }
0x7f: {  	[sflag:s14] =	ssyncset.done $0x0  }
0x80: {  	s15 =	rddreg [dreg:$0x1a];
	[sflag:s14] =	ssyncadd.s32 $0xFFFFE000  }
0x81: {  	[spmem:s15] =	stream.linear.scatter [tilespmem:s31], [sflag:$0xD], $0x2000, $0x38;
	[tilespmem:$0x1D300] =	vst v63  }
0x82: {  	_ =	swait.ge [sflag:s14], $0x2000  }
0x83: {  	[sflag:s14] =	ssyncset.done $0x0  }
0x84: {  	s19 =	rddreg [dreg:$0x9];
	[sflag:s14] =	ssyncadd.s32 $0xFFFFE000  }
0x85: {  	[spmem:s19] =	stream.linear.scatter [tilespmem:s31], [sflag:$0xD], $0x2000, $0x38;
	[tilespmem:$0x1D300] =	vst v63  }
0x86: {  	_ =	swait.ge [sflag:s14], $0x2000  }
0x87: {  	[sflag:s14] =	ssyncset.done $0x0  }
0x88: {  	s15 =	rddreg [dreg:$0x1b];
	[sflag:s14] =	ssyncadd.s32 $0xFFFFE000  }
0x89: {  	[spmem:s15] =	stream.linear.scatter [tilespmem:s31], [sflag:$0xD], $0x2000, $0x38;
	[tilespmem:$0x1D300] =	vst v63  }
0x8a: {  	_ =	swait.ge [sflag:s14], $0x2000  }
0x8b: {  	[sflag:s14] =	ssyncset.done $0x0  }
0x8c: {  	s19 =	rddreg [dreg:$0xa];
	[sflag:s14] =	ssyncadd.s32 $0xFFFFE000  }
0x8d: {  	[spmem:s19] =	stream.linear.scatter [tilespmem:s31], [sflag:$0xD], $0x2000, $0x38;
	[tilespmem:$0x1D300] =	vst v63  }
0x8e: {  	_ =	swait.ge [sflag:s14], $0x2000  }
0x8f: {  	[sflag:s14] =	ssyncset.done $0x0  }
0x90: {  	s15 =	rddreg [dreg:$0x1c];
	[sflag:s14] =	ssyncadd.s32 $0xFFFFE000  }
0x91: {  	[spmem:s15] =	stream.linear.scatter [tilespmem:s31], [sflag:$0xD], $0x2000, $0x38;
	[tilespmem:$0x1D300] =	vst v63  }
0x92: {  	_ =	swait.ge [sflag:s14], $0x2000  }
0x93: {  	[sflag:s14] =	ssyncset.done $0x0  }
0x94: {  	s19 =	rddreg [dreg:$0x11];
	[sflag:s14] =	ssyncadd.s32 $0xFFFFE000  }
0x95: {  	[spmem:s19] =	stream.linear.scatter [tilespmem:s31], [sflag:$0xD], $0x2000, $0x38;
	[tilespmem:$0x1D300] =	vst v63  }
0x96: {  	_ =	swait.ge [sflag:s14], $0x2000  }
0x97: {  	[sflag:s14] =	ssyncset.done $0x0  }
0x98: {  	s15 =	rddreg [dreg:$0x1d];
	[sflag:s14] =	ssyncadd.s32 $0xFFFFE000  }
0x99: {  	[spmem:s15] =	stream.linear.scatter [tilespmem:s31], [sflag:$0xD], $0x2000, $0x38;
	[tilespmem:$0x1D300] =	vst v63  }
0x9a: {  	_ =	swait.ge [sflag:s14], $0x2000  }
0x9b: {  	[sflag:s14] =	ssyncset.done $0x0  }
0x9c: {  	[sflag:s14] =	ssyncadd.s32 $0xFFFFE000  }
0x9d: {  	[spmem:s22] =	stream.linear.scatter [tilespmem:s31], [sflag:$0xD], $0x80, $0x38;
	[tilespmem:$0x1D300] =	vst v63  }
0x9e: {  	_ =	swait.ge [sflag:s14], $0x80  }
0x9f: {  	[sflag:s14] =	ssyncset.done $0x0  }
0xa0: {  	s19 =	rddreg [dreg:$0x13];
	[sflag:s14] =	ssyncadd.s32 $0xFFFFFF80  }
0xa1: {  	[spmem:s19] =	stream.linear.scatter [tilespmem:s31], [sflag:$0xD], $0x80, $0x38;
	[tilespmem:$0x1D300] =	vst v63  }
0xa2: {  	_ =	swait.ge [sflag:s14], $0x80  }
0xa3: {  	[sflag:s14] =	ssyncset.done $0x0  }
0xa4: {  	s22 =	rddreg [dreg:$0x14];
	[sflag:s14] =	ssyncadd.s32 $0xFFFFFF80  }
0xa5: {  	[spmem:s22] =	stream.linear.scatter [tilespmem:s31], [sflag:$0xD], $0x80, $0x38;
	[tilespmem:$0x1D300] =	vst v63  }
0xa6: {  	_ =	swait.ge [sflag:s14], $0x80  }
0xa7: {  	[sflag:s14] =	ssyncset.done $0x0  }
0xa8: {  	s15 =	rddreg [dreg:$0x15];
	[sflag:s14] =	ssyncadd.s32 $0xFFFFFF80  }
0xa9: {  	[spmem:s15] =	stream.linear.scatter [tilespmem:s31], [sflag:$0xD], $0x80, $0x38;
	[tilespmem:$0x1D300] =	vst v63  }
0xaa: {  	_ =	swait.ge [sflag:s14], $0x80  }
0xab: {  	[sflag:s14] =	ssyncset.done $0x0  }
0xac: {  	s19 =	rddreg [dreg:$0x16];
	[sflag:s14] =	ssyncadd.s32 $0xFFFFFF80  }
0xad: {  	[spmem:s19] =	stream.linear.scatter [tilespmem:s31], [sflag:$0xD], $0x80, $0x38;
	[tilespmem:$0x1D300] =	vst v63  }
0xae: {  	_ =	swait.ge [sflag:s14], $0x80  }
0xaf: {  	[sflag:s14] =	ssyncset.done $0x0  }
0xb0: {  	[sflag:s14] =	ssyncadd.s32 $0xFFFFFF80  }
0xb1: {  	[bflag:$0x0] =	sbarrier.arrive $0xFFFF  }
0xb2: {  	s19 =	simm.s32 $0x0;
	s22 =	rddreg [dreg:$0xb]  }
0xb3: {  	[tilespmem:s19], [sflag:$0x9] =	stream.linear.gather [hbm4b:s22+s19], $0x400, $0x38;
	[tilespmem:$0x1D300] =	vst v63  }
0xb4: {  	s15 =	simm.s32 $0x400;
	s14 =	rddreg [dreg:$0xc]  }
0xb5: {  	[tilespmem:s15], [sflag:$0x9] =	stream.linear.gather [hbm4b:s14+s19], $0x400, $0x38;
	[tilespmem:$0x1D300] =	vst v63  }
0xb6: {  	_ =	swait.ge [sflag:s7], $0x400  }
0xb7: {  	[sflag:s7] =	ssyncset.done $0x0  }
0xb8: {  	[sflag:s7] =	ssyncadd.s32 $0xFFFFFC00  }
0xb9: {  	_ =	swait.ge [sflag:s7], $0x400  }
0xba: {  	[sflag:s7] =	ssyncset.done $0x0  }
0xbb: {  	[sflag:s7] =	ssyncadd.s32 $0xFFFFFC00  }
0xbc: {  	[tilespmem:s31], [sflag:$0x1] =	stream.indirect.gather [hbm4b:s0+s8], $0x80, s19, s8, $0xb8;
	[tilespmem:$0x1D300] =	vst v63  }
0xbd: {  	s22 =	simm.s32 $0x80  }
0xbe: {  	[tilespmem:s10], [sflag:$0x2] =	stream.indirect.gather [hbm4b:s0+s8], $0x80, s22, s8, $0xb8;
	[tilespmem:$0x1D300] =	vst v63  }
.LBB2_4:
0xbf: {  	_ =	swait.ge [sflag:s11], $0x2000  }
0xc0: {  	[sflag:s11] =	ssyncset.done $0x0  }
0xc1: {  	s13 =	simm.s32 $0x400;
	p0 =	seq.s32 s19, $0x0;
	[sflag:s11] =	ssyncadd.s32 $0xFFFFE000  }
0xc2: {  	[spmem:s3] =	stream.indirect.scatter.add.f32 [tilespmem:s31], [sflag:$0x5], $0x80, s13, s8, $0xb8;
	[tilespmem:$0x1D300] =	vst v63  }
0xc3: {  	s14 =	simm.s32 @p0 $0x400;
	s15 =	simm.s32 @p0 $0x9000;
	s13 =	simm.s32 @p0 $0x40  }
0xc4: {  	[spmem:s4] =	stream.indirect.scatter.add.f32 @p0 [tilespmem:s15], [sflag:$0xB], $0x1, s14, s13, $0xb8;
	[tilespmem:$0x1D300] =	vst v63  }
0xc5: {  	s14 =	simm.s32 @p0 $0x100;
	s15 =	simm.s32 @p0 $0x5000  }
0xc6: {  	[tilespmem:s15], [sflag:$0x3] =	stream.indirect.gather @p0 [hbm4b:s0+s13], $0x80, s14, s13, $0xb8;
	[tilespmem:$0x1D300] =	vst v63  }
0xc7: {  	s14 =	simm.s32 @p0 $0x2  }
0xc8: {  	_ =	swait.ge @p0 [sflag:s14], $0x2000  }
0xc9: {  	[sflag:s14] =	ssyncset.done @p0 $0x0  }
0xca: {  	s15 =	simm.s32 @p0 $0x3000;
	[sflag:s14] =	ssyncadd.s32 @p0 $0xFFFFE000;
	s14 =	simm.s32 @p0 $0x480  }
0xcb: {  	[spmem:s3] =	stream.indirect.scatter.add.f32 @p0 [tilespmem:s15], [sflag:$0x6], $0x80, s14, s13, $0xb8;
	[tilespmem:$0x1D300] =	vst v63  }
0xcc: {  	s13 =	simm.s32 @!p0 $0x7  }
0xcd: {  	_ =	swait.ge @!p0 [sflag:s13], $0x2000  }
0xce: {  	s14 =	simm.s32 @!p0 $0x400;
	[sflag:s13] =	ssyncset.done @!p0 $0x0  }
0xcf: {  	s15 =	simm.s32 @!p0 $0x9000;
	[sflag:s13] =	ssyncadd.s32 @!p0 $0xFFFFE000;
	s13 =	simm.s32 @!p0 $0x40  }
0xd0: {  	[spmem:s4] =	stream.indirect.scatter.add.f32 @!p0 [tilespmem:s15], [sflag:$0xB], $0x1, s14, s13, $0xb8;
	[tilespmem:$0x1D300] =	vst v63  }
0xd1: {  	s14 =	simm.s32 @!p0 $0x100;
	s15 =	simm.s32 @!p0 $0x5000  }
0xd2: {  	[tilespmem:s15], [sflag:$0x3] =	stream.indirect.gather @!p0 [hbm4b:s0+s13], $0x80, s14, s13, $0xb8;
	[tilespmem:$0x1D300] =	vst v63  }
0xd3: {  	s14 =	simm.s32 @!p0 $0x2  }
0xd4: {  	_ =	swait.ge @!p0 [sflag:s14], $0x2000  }
0xd5: {  	[sflag:s14] =	ssyncset.done @!p0 $0x0  }
0xd6: {  	s15 =	simm.s32 @!p0 $0x3000;
	[sflag:s14] =	ssyncadd.s32 @!p0 $0xFFFFE000;
	s14 =	simm.s32 @!p0 $0x480  }
0xd7: {  	[spmem:s3] =	stream.indirect.scatter.add.f32 @!p0 [tilespmem:s15], [sflag:$0x6], $0x80, s14, s13, $0xb8;
	[tilespmem:$0x1D300] =	vst v63  }
0xd8: {  	s13 =	simm.s32 @!p0 $0x8  }
0xd9: {  	_ =	swait.ge @!p0 [sflag:s13], $0x2000  }
0xda: {  	[sflag:s13] =	ssyncset.done @!p0 $0x0  }
0xdb: {  	s22 =	simm.s32 $0x480;
	[sflag:s13] =	ssyncadd.s32 @!p0 $0xFFFFE000  }
0xdc: {  	[spmem:s4] =	stream.indirect.scatter.add.f32 [tilespmem:s17], [sflag:$0xB], $0x1, s22, s8, $0xb8;
	[tilespmem:$0x1D300] =	vst v63  }
0xdd: {  	s14 =	simm.s32 $0x180  }
0xde: {  	[tilespmem:s20], [sflag:$0x4] =	stream.indirect.gather [hbm4b:s0+s8], $0x80, s14, s8, $0xb8;
	[tilespmem:$0x1D300] =	vst v63  }
0xdf: {  	_ =	swait.ge [sflag:s21], $0x2000  }
0xe0: {  	[sflag:s21] =	ssyncset.done $0x0  }
0xe1: {  	s14 =	simm.s32 $0x500;
	[sflag:s21] =	ssyncadd.s32 $0xFFFFE000  }
0xe2: {  	[spmem:s3] =	stream.indirect.scatter.add.f32 [tilespmem:s23], [sflag:$0x7], $0x80, s14, s8, $0xb8;
	[tilespmem:$0x1D300] =	vst v63  }
0xe3: {  	_ =	swait.ge [sflag:s24], $0x2000  }
0xe4: {  	[sflag:s24] =	ssyncset.done $0x0  }
0xe5: {  	s13 =	simm.s32 @!p0 $0xC;
	[sflag:s24] =	ssyncadd.s32 $0xFFFFE000  }
0xe6: {  	_ =	swait.ge @!p0 [sflag:s13], $0x40  }
0xe7: {  	[sflag:s13] =	ssyncset.done @!p0 $0x0  }
0xe8: {  	[sflag:s13] =	ssyncadd.s32 @!p0 $0xFFFFFFC0  }
0xe9: {  	_ =	swait.ge @!p0 [sflag:s13], $0x40  }
0xea: {  	[sflag:s13] =	ssyncset.done @!p0 $0x0  }
0xeb: {  	[sflag:s13] =	ssyncadd.s32 @!p0 $0xFFFFFFC0  }
0xec: {  	_ =	swait.ge @!p0 [sflag:s13], $0x40  }
0xed: {  	[sflag:s13] =	ssyncset.done @!p0 $0x0  }
0xee: {  	[sflag:s13] =	ssyncadd.s32 @!p0 $0xFFFFFFC0  }
0xef: {  	_ =	swait.ge @!p0 [sflag:s13], $0x40  }
0xf0: {  	[sflag:s13] =	ssyncset.done @!p0 $0x0  }
0xf1: {  	[sflag:s13] =	ssyncadd.s32 @!p0 $0xFFFFFFC0  }
0xf2: {  	_ =	swait.ge @!p0 [sflag:s13], $0x40  }
0xf3: {  	[sflag:s13] =	ssyncset.done @!p0 $0x0  }
0xf4: {  	[sflag:s13] =	ssyncadd.s32 @!p0 $0xFFFFFFC0  }
0xf5: {  	_ =	swait.ge @!p0 [sflag:s13], $0x40  }
0xf6: {  	[sflag:s13] =	ssyncset.done @!p0 $0x0  }
0xf7: {  	[sflag:s13] =	ssyncadd.s32 @!p0 $0xFFFFFFC0  }
0xf8: {  	_ =	swait.ge @!p0 [sflag:s13], $0x40  }
0xf9: {  	[sflag:s13] =	ssyncset.done @!p0 $0x0  }
0xfa: {  	[sflag:s13] =	ssyncadd.s32 @!p0 $0xFFFFFFC0  }
0xfb: {  	_ =	swait.ge @!p0 [sflag:s13], $0x40  }
0xfc: {  	s15 =	rddreg [dreg:$0x10]  }
0xfd: {  	[sflag:s13] =	ssyncset.done @!p0 $0x0;
	s22 =	rddreg [dreg:$0xf]  }
0xfe: {  	[sflag:s13] =	ssyncadd.s32 @!p0 $0xFFFFFFC0;
	s13 =	sadd.s32 s19, s15;
	s15 =	simm.s32 $0x800  }
0xff: {  	[tilespmem:s15], [sflag:$0xA] =	stream.linear.gather [hbm4b:s13+s5], $0x400, $0x38;
	[tilespmem:$0x1D300] =	vst v63  }
0x100: {  	s13 =	sadd.s32 s19, s22  }
0x101: {  	[tilespmem:s26], [sflag:$0xA] =	stream.linear.gather [hbm4b:s13+s5], $0x400, $0x38;
	[tilespmem:$0x1D300] =	vst v63  }
0x102: {  	_ = 	snop  }
0x103: {  	[spmem:s4] =	stream.indirect.scatter.add.f32 [tilespmem:s17], [sflag:$0xB], $0x1, s14, s8, $0xb8;
	[tilespmem:$0x1D300] =	vst v63  }
0x104: {  	s22 =	simm.s32 $0x200  }
0x105: {  	[tilespmem:s31], [sflag:$0x1] =	stream.indirect.gather [hbm4b:s0+s8], $0x80, s22, s8, $0xb8;
	[tilespmem:$0x1D300] =	vst v63  }
0x106: {  	_ =	swait.ge [sflag:s29], $0x2000  }
0x107: {  	[sflag:s29] =	ssyncset.done $0x0  }
0x108: {  	s14 =	simm.s32 $0x580;
	[sflag:s29] =	ssyncadd.s32 $0xFFFFE000  }
0x109: {  	[spmem:s3] =	stream.indirect.scatter.add.f32 [tilespmem:s20], [sflag:$0x8], $0x80, s14, s8, $0xb8;
	[tilespmem:$0x1D300] =	vst v63  }
0x10a: {  	_ =	swait.ge [sflag:s18], $0x2000  }
0x10b: {  	[sflag:s18] =	ssyncset.done $0x0  }
0x10c: {  	[sflag:s18] =	ssyncadd.s32 $0xFFFFE000  }
0x10d: {  	[spmem:s4] =	stream.indirect.scatter.add.f32 [tilespmem:s17], [sflag:$0xB], $0x1, s14, s8, $0xb8;
	[tilespmem:$0x1D300] =	vst v63  }
0x10e: {  	s22 =	simm.s32 $0x280  }
0x10f: {  	[tilespmem:s10], [sflag:$0x2] =	stream.indirect.gather [hbm4b:s0+s8], $0x80, s22, s8, $0xb8;
	[tilespmem:$0x1D300] =	vst v63  }
0x110: {  	_ =	swait.ge [sflag:s11], $0x2000  }
0x111: {  	[sflag:s11] =	ssyncset.done $0x0  }
0x112: {  	s14 =	simm.s32 $0x600;
	[sflag:s11] =	ssyncadd.s32 $0xFFFFE000  }
0x113: {  	[spmem:s3] =	stream.indirect.scatter.add.f32 [tilespmem:s31], [sflag:$0x5], $0x80, s14, s8, $0xb8;
	[tilespmem:$0x1D300] =	vst v63  }
0x114: {  	_ =	swait.ge [sflag:s12], $0x2000  }
0x115: {  	[sflag:s12] =	ssyncset.done $0x0  }
0x116: {  	[sflag:s12] =	ssyncadd.s32 $0xFFFFE000  }
0x117: {  	[spmem:s4] =	stream.indirect.scatter.add.f32 [tilespmem:s17], [sflag:$0xB], $0x1, s14, s8, $0xb8;
	[tilespmem:$0x1D300] =	vst v63  }
0x118: {  	s22 =	simm.s32 $0x300  }
0x119: {  	[tilespmem:s23], [sflag:$0x3] =	stream.indirect.gather [hbm4b:s0+s8], $0x80, s22, s8, $0xb8;
	[tilespmem:$0x1D300] =	vst v63  }
0x11a: {  	_ =	swait.ge [sflag:s1], $0x2000  }
0x11b: {  	[sflag:s1] =	ssyncset.done $0x0  }
0x11c: {  	s14 =	simm.s32 $0x680;
	[sflag:s1] =	ssyncadd.s32 $0xFFFFE000  }
0x11d: {  	[spmem:s3] =	stream.indirect.scatter.add.f32 [tilespmem:s10], [sflag:$0x6], $0x80, s14, s8, $0xb8;
	[tilespmem:$0x1D300] =	vst v63  }
0x11e: {  	_ =	swait.ge [sflag:s6], $0x2000  }
0x11f: {  	[sflag:s6] =	ssyncset.done $0x0  }
0x120: {  	[sflag:s6] =	ssyncadd.s32 $0xFFFFE000  }
0x121: {  	[spmem:s4] =	stream.indirect.scatter.add.f32 [tilespmem:s17], [sflag:$0xB], $0x1, s14, s8, $0xb8;
	[tilespmem:$0x1D300] =	vst v63  }
0x122: {  	s22 =	simm.s32 $0x380  }
0x123: {  	[tilespmem:s20], [sflag:$0x4] =	stream.indirect.gather [hbm4b:s0+s8], $0x80, s22, s8, $0xb8;
	[tilespmem:$0x1D300] =	vst v63  }
0x124: {  	_ =	swait.ge [sflag:s21], $0x2000  }
0x125: {  	[sflag:s21] =	ssyncset.done $0x0  }
0x126: {  	s14 =	simm.s32 $0x700;
	[sflag:s21] =	ssyncadd.s32 $0xFFFFE000  }
0x127: {  	[spmem:s3] =	stream.indirect.scatter.add.f32 [tilespmem:s23], [sflag:$0x7], $0x80, s14, s8, $0xb8;
	[tilespmem:$0x1D300] =	vst v63  }
0x128: {  	_ =	swait.ge [sflag:s24], $0x2000  }
0x129: {  	[sflag:s24] =	ssyncset.done $0x0  }
0x12a: {  	[sflag:s24] =	ssyncadd.s32 $0xFFFFE000  }
0x12b: {  	[spmem:s4] =	stream.indirect.scatter.add.f32 [tilespmem:s17], [sflag:$0xB], $0x1, s14, s8, $0xb8;
	[tilespmem:$0x1D300] =	vst v63  }
0x12c: {  	_ =	swait.ge [sflag:s2], $0x400  }
0x12d: {  	[sflag:s2] =	ssyncset.done $0x0  }
0x12e: {  	[sflag:s2] =	ssyncadd.s32 $0xFFFFFC00  }
0x12f: {  	_ =	swait.ge [sflag:s2], $0x400  }
0x130: {  	[sflag:s2] =	ssyncset.done $0x0  }
0x131: {  	[sflag:s2] =	ssyncadd.s32 $0xFFFFFC00  }
0x132: {  	[tilespmem:s31], [sflag:$0x1] =	stream.indirect.gather [hbm4b:s0+s8], $0x80, s15, s8, $0xb8;
	[tilespmem:$0x1D300] =	vst v63  }
0x133: {  	_ =	swait.ge [sflag:s29], $0x2000  }
0x134: {  	[sflag:s29] =	ssyncset.done $0x0  }
0x135: {  	s22 =	simm.s32 $0x780;
	[sflag:s29] =	ssyncadd.s32 $0xFFFFE000  }
0x136: {  	[spmem:s3] =	stream.indirect.scatter.add.f32 [tilespmem:s20], [sflag:$0x8], $0x80, s22, s8, $0xb8;
	[tilespmem:$0x1D300] =	vst v63  }
0x137: {  	_ =	swait.ge [sflag:s18], $0x2000  }
0x138: {  	[sflag:s18] =	ssyncset.done $0x0  }
0x139: {  	[sflag:s18] =	ssyncadd.s32 $0xFFFFE000  }
0x13a: {  	[spmem:s4] =	stream.indirect.scatter.add.f32 [tilespmem:s17], [sflag:$0xB], $0x1, s22, s8, $0xb8;
	[tilespmem:$0x1D300] =	vst v63  }
0x13b: {  	s14 =	simm.s32 $0x880  }
0x13c: {  	[tilespmem:s10], [sflag:$0x2] =	stream.indirect.gather [hbm4b:s0+s8], $0x80, s14, s8, $0xb8;
	[tilespmem:$0x1D300] =	vst v63  }
0x13d: {  	_ =	swait.ge [sflag:s11], $0x2000  }
0x13e: {  	[sflag:s11] =	ssyncset.done $0x0  }
0x13f: {  	[sflag:s11] =	ssyncadd.s32 $0xFFFFE000  }
0x140: {  	[spmem:s3] =	stream.indirect.scatter.add.f32 [tilespmem:s31], [sflag:$0x5], $0x80, s26, s8, $0xb8;
	[tilespmem:$0x1D300] =	vst v63  }
0x141: {  	_ =	swait.ge [sflag:s12], $0x2000  }
0x142: {  	[sflag:s12] =	ssyncset.done $0x0  }
0x143: {  	[sflag:s12] =	ssyncadd.s32 $0xFFFFE000  }
0x144: {  	[spmem:s4] =	stream.indirect.scatter.add.f32 [tilespmem:s17], [sflag:$0xC], $0x1, s26, s8, $0xb8;
	[tilespmem:$0x1D300] =	vst v63  }
0x145: {  	s15 =	simm.s32 $0x900  }
0x146: {  	[tilespmem:s23], [sflag:$0x3] =	stream.indirect.gather [hbm4b:s0+s8], $0x80, s15, s8, $0xb8;
	[tilespmem:$0x1D300] =	vst v63  }
0x147: {  	_ =	swait.ge [sflag:s1], $0x2000  }
0x148: {  	[sflag:s1] =	ssyncset.done $0x0  }
0x149: {  	s22 =	simm.s32 $0xC80;
	[sflag:s1] =	ssyncadd.s32 $0xFFFFE000  }
0x14a: {  	[spmem:s3] =	stream.indirect.scatter.add.f32 [tilespmem:s10], [sflag:$0x6], $0x80, s22, s8, $0xb8;
	[tilespmem:$0x1D300] =	vst v63  }
0x14b: {  	_ =	swait.ge [sflag:s6], $0x2000  }
0x14c: {  	[sflag:s6] =	ssyncset.done $0x0  }
0x14d: {  	[sflag:s6] =	ssyncadd.s32 $0xFFFFE000  }
0x14e: {  	[spmem:s4] =	stream.indirect.scatter.add.f32 [tilespmem:s17], [sflag:$0xC], $0x1, s22, s8, $0xb8;
	[tilespmem:$0x1D300] =	vst v63  }
0x14f: {  	s14 =	simm.s32 $0x980  }
0x150: {  	[tilespmem:s20], [sflag:$0x4] =	stream.indirect.gather [hbm4b:s0+s8], $0x80, s14, s8, $0xb8;
	[tilespmem:$0x1D300] =	vst v63  }
0x151: {  	_ =	swait.ge [sflag:s21], $0x2000  }
0x152: {  	[sflag:s21] =	ssyncset.done $0x0  }
0x153: {  	s22 =	simm.s32 $0xD00;
	[sflag:s21] =	ssyncadd.s32 $0xFFFFE000  }
0x154: {  	[spmem:s3] =	stream.indirect.scatter.add.f32 [tilespmem:s23], [sflag:$0x7], $0x80, s22, s8, $0xb8;
	[tilespmem:$0x1D300] =	vst v63  }
0x155: {  	_ =	swait.ge [sflag:s24], $0x2000  }
0x156: {  	[sflag:s24] =	ssyncset.done $0x0  }
0x157: {  	[sflag:s24] =	ssyncadd.s32 $0xFFFFE000  }
0x158: {  	_ =	swait.ge [sflag:s16], $0x40  }
0x159: {  	[sflag:s16] =	ssyncset.done $0x0  }
0x15a: {  	[sflag:s16] =	ssyncadd.s32 $0xFFFFFFC0  }
0x15b: {  	_ =	swait.ge [sflag:s16], $0x40  }
0x15c: {  	[sflag:s16] =	ssyncset.done $0x0  }
0x15d: {  	[sflag:s16] =	ssyncadd.s32 $0xFFFFFFC0  }
0x15e: {  	_ =	swait.ge [sflag:s16], $0x40  }
0x15f: {  	[sflag:s16] =	ssyncset.done $0x0  }
0x160: {  	[sflag:s16] =	ssyncadd.s32 $0xFFFFFFC0  }
0x161: {  	_ =	swait.ge [sflag:s16], $0x40  }
0x162: {  	[sflag:s16] =	ssyncset.done $0x0  }
0x163: {  	[sflag:s16] =	ssyncadd.s32 $0xFFFFFFC0  }
0x164: {  	_ =	swait.ge [sflag:s16], $0x40  }
0x165: {  	[sflag:s16] =	ssyncset.done $0x0  }
0x166: {  	[sflag:s16] =	ssyncadd.s32 $0xFFFFFFC0  }
0x167: {  	_ =	swait.ge [sflag:s16], $0x40  }
0x168: {  	[sflag:s16] =	ssyncset.done $0x0  }
0x169: {  	[sflag:s16] =	ssyncadd.s32 $0xFFFFFFC0  }
0x16a: {  	_ =	swait.ge [sflag:s16], $0x40  }
0x16b: {  	[sflag:s16] =	ssyncset.done $0x0  }
0x16c: {  	[sflag:s16] =	ssyncadd.s32 $0xFFFFFFC0  }
0x16d: {  	_ =	swait.ge [sflag:s16], $0x40  }
0x16e: {  	p0 =	seq.s32 s19, $0x900;
	[sflag:s16] =	ssyncset.done $0x0;
	s13 =	rddreg [dreg:$0xe]  }
0x16f: {  	s14 =	simm.s32 @!p0 $0x0;
	[sflag:s16] =	ssyncadd.s32 $0xFFFFFFC0;
	s13 =	sadd.s32 @!p0 s19, s13  }
0x170: {  	[tilespmem:s14], [sflag:$0x9] =	stream.linear.gather @!p0 [hbm4b:s13+s14], $0x400, $0x38;
	[tilespmem:$0x1D300] =	vst v63  }
0x171: {  	s13 =	rddreg [dreg:$0xd]  }
0x172: {  	s15 =	simm.s32 @!p0 $0x400;
	s13 =	sadd.s32 @!p0 s19, s13  }
0x173: {  	[tilespmem:s15], [sflag:$0x9] =	stream.linear.gather @!p0 [hbm4b:s13+s14], $0x400, $0x38;
	[tilespmem:$0x1D300] =	vst v63  }
0x174: {  	_ = 	snop  }
0x175: {  	[spmem:s4] =	stream.indirect.scatter.add.f32 [tilespmem:s17], [sflag:$0xC], $0x1, s22, s8, $0xb8;
	[tilespmem:$0x1D300] =	vst v63  }
0x176: {  	s15 =	simm.s32 $0xA00  }
0x177: {  	[tilespmem:s31], [sflag:$0x1] =	stream.indirect.gather [hbm4b:s0+s8], $0x80, s15, s8, $0xb8;
	[tilespmem:$0x1D300] =	vst v63  }
0x178: {  	_ =	swait.ge [sflag:s29], $0x2000  }
0x179: {  	[sflag:s29] =	ssyncset.done $0x0  }
0x17a: {  	s22 =	simm.s32 $0xD80;
	[sflag:s29] =	ssyncadd.s32 $0xFFFFE000  }
0x17b: {  	[spmem:s3] =	stream.indirect.scatter.add.f32 [tilespmem:s20], [sflag:$0x8], $0x80, s22, s8, $0xb8;
	[tilespmem:$0x1D300] =	vst v63  }
0x17c: {  	_ =	swait.ge [sflag:s18], $0x2000  }
0x17d: {  	[sflag:s18] =	ssyncset.done $0x0  }
0x17e: {  	[sflag:s18] =	ssyncadd.s32 $0xFFFFE000  }
0x17f: {  	[spmem:s4] =	stream.indirect.scatter.add.f32 [tilespmem:s17], [sflag:$0xC], $0x1, s22, s8, $0xb8;
	[tilespmem:$0x1D300] =	vst v63  }
0x180: {  	s14 =	simm.s32 $0xA80  }
0x181: {  	[tilespmem:s10], [sflag:$0x2] =	stream.indirect.gather [hbm4b:s0+s8], $0x80, s14, s8, $0xb8;
	[tilespmem:$0x1D300] =	vst v63  }
0x182: {  	_ =	swait.ge [sflag:s11], $0x2000  }
0x183: {  	[sflag:s11] =	ssyncset.done $0x0  }
0x184: {  	[sflag:s11] =	ssyncadd.s32 $0xFFFFE000  }
0x185: {  	[spmem:s3] =	stream.indirect.scatter.add.f32 [tilespmem:s31], [sflag:$0x5], $0x80, s25, s8, $0xb8;
	[tilespmem:$0x1D300] =	vst v63  }
0x186: {  	_ =	swait.ge [sflag:s12], $0x2000  }
0x187: {  	[sflag:s12] =	ssyncset.done $0x0  }
0x188: {  	[sflag:s12] =	ssyncadd.s32 $0xFFFFE000  }
0x189: {  	[spmem:s4] =	stream.indirect.scatter.add.f32 [tilespmem:s17], [sflag:$0xC], $0x1, s25, s8, $0xb8;
	[tilespmem:$0x1D300] =	vst v63  }
0x18a: {  	s15 =	simm.s32 $0xB00  }
0x18b: {  	[tilespmem:s23], [sflag:$0x3] =	stream.indirect.gather [hbm4b:s0+s8], $0x80, s15, s8, $0xb8;
	[tilespmem:$0x1D300] =	vst v63  }
0x18c: {  	_ =	swait.ge [sflag:s1], $0x2000  }
0x18d: {  	[sflag:s1] =	ssyncset.done $0x0  }
0x18e: {  	[sflag:s1] =	ssyncadd.s32 $0xFFFFE000  }
0x18f: {  	[spmem:s3] =	stream.indirect.scatter.add.f32 [tilespmem:s10], [sflag:$0x6], $0x80, s30, s8, $0xb8;
	[tilespmem:$0x1D300] =	vst v63  }
0x190: {  	_ =	swait.ge [sflag:s6], $0x2000  }
0x191: {  	[sflag:s6] =	ssyncset.done $0x0  }
0x192: {  	[sflag:s6] =	ssyncadd.s32 $0xFFFFE000  }
0x193: {  	[spmem:s4] =	stream.indirect.scatter.add.f32 [tilespmem:s17], [sflag:$0xC], $0x1, s30, s8, $0xb8;
	[tilespmem:$0x1D300] =	vst v63  }
0x194: {  	s22 =	simm.s32 $0xB80  }
0x195: {  	[tilespmem:s20], [sflag:$0x4] =	stream.indirect.gather [hbm4b:s0+s8], $0x80, s22, s8, $0xb8;
	[tilespmem:$0x1D300] =	vst v63  }
0x196: {  	_ =	swait.ge [sflag:s21], $0x2000  }
0x197: {  	[sflag:s21] =	ssyncset.done $0x0  }
0x198: {  	[sflag:s21] =	ssyncadd.s32 $0xFFFFE000  }
0x199: {  	[spmem:s3] =	stream.indirect.scatter.add.f32 [tilespmem:s23], [sflag:$0x7], $0x80, s9, s8, $0xb8;
	[tilespmem:$0x1D300] =	vst v63  }
.Ltmp3:
0x19a: {  	_ = 	snop;
	(pc) =	sbr.rel @p0 .LBB2_6-.Ltmp3, $4  }
0x19b: {  	_ =	swait.ge [sflag:s24], $0x2000  }
0x19c: {  	[sflag:s24] =	ssyncset.done $0x0  }
0x19d: {  	[sflag:s24] =	ssyncadd.s32 $0xFFFFE000  }
0x19e: {  	[spmem:s4] =	stream.indirect.scatter.add.f32 [tilespmem:s17], [sflag:$0xC], $0x1, s9, s8, $0xb8;
	[tilespmem:$0x1D300] =	vst v63  }
0x19f: {  	_ =	swait.ge [sflag:s7], $0x400  }
0x1a0: {  	[sflag:s7] =	ssyncset.done $0x0  }
0x1a1: {  	[sflag:s7] =	ssyncadd.s32 $0xFFFFFC00  }
0x1a2: {  	_ =	swait.ge [sflag:s7], $0x400  }
0x1a3: {  	[sflag:s7] =	ssyncset.done $0x0  }
0x1a4: {  	[sflag:s7] =	ssyncadd.s32 $0xFFFFFC00  }
0x1a5: {  	[tilespmem:s31], [sflag:$0x1] =	stream.indirect.gather [hbm4b:s0+s8], $0x80, s5, s8, $0xb8;
	[tilespmem:$0x1D300] =	vst v63  }
0x1a6: {  	_ =	swait.ge [sflag:s29], $0x2000  }
0x1a7: {  	[sflag:s29] =	ssyncset.done $0x0  }
0x1a8: {  	[sflag:s29] =	ssyncadd.s32 $0xFFFFE000  }
0x1a9: {  	[spmem:s3] =	stream.indirect.scatter.add.f32 [tilespmem:s20], [sflag:$0x8], $0x80, s28, s8, $0xb8;
	[tilespmem:$0x1D300] =	vst v63  }
0x1aa: {  	_ =	swait.ge [sflag:s18], $0x2000  }
.Ltmp4:
0x1ab: {  	[sflag:s18] =	ssyncset.done $0x0;
	(pc) =	sbr.rel .LBB2_4-.Ltmp4, $4  }
0x1ac: {  	[sflag:s18] =	ssyncadd.s32 $0xFFFFE000  }
0x1ad: {  	[spmem:s4] =	stream.indirect.scatter.add.f32 [tilespmem:s17], [sflag:$0xC], $0x1, s28, s8, $0xb8;
	[tilespmem:$0x1D300] =	vst v63  }
0x1ae: {  	s13 =	simm.s32 $0x80;
	s19 =	sadd.s32 $0x100, s19  }
0x1af: {  	[tilespmem:s10], [sflag:$0x2] =	stream.indirect.gather [hbm4b:s0+s8], $0x80, s13, s8, $0xb8;
	[tilespmem:$0x1D300] =	vst v63  }
.LBB2_7:
0x1b0: {  	_ =	sfence.sel $0x180000  }
0x1b1: {  	[bflag:$0x0] =	sbarrier.arrive $0xFFFF  }
0x1b2: {  	_ =	strace $0x90000047  }
0x1b3: {  	s0 =	stileid.u32;
	[bflag:$0x2] =	sbarrier.arrive $0xFFFF  }
0x1b4: {  	p0 =	sne.s32 s0, $0x0;
	s0 =	rddreg [dreg:$0x5]  }
0x1b5: {  	s0 =	sadd.s32 @!p0 $0x100000, s0  }
0x1b6: {  	[sflag:s0] =	ssyncadd.tile.s32 @!p0 $0x1;
	_ =	shalt  }
.Lfunc_end2:
_tile_overlayer_lowered:
.L_overlay_start_2:
0x1b7: {  	(tag) =	ssettag $0x2  }
0x1b8: {  	s0 =	rddreg [dreg:$0x0];
	s2 =	stileid.u32  }
0x1b9: {  	s1 =	rddreg [dreg:$0x1];
	p0 =	sne.s32 s2, $0x0  }
0x1ba: {  	s3 =	rddreg [dreg:$0x2];
	[bflag:$0x3] =	sbarrier.arrive $0xFFFF;
	s2 =	simm.s32 @!p0 $0x1C0D  }
0x1bb: {  	[timem:s3], [sflag:s2] =	dma.local @!p0 [hbm:s0], s1  }
0x1bc: {  	s0 =	simm.s32 @!p0 $0xD  }
0x1bd: {  	_ =	swait.ge @!p0 [sflag:s0], s1  }
0x1be: {  	s1 =	ssub.s32 @!p0 $0x0, s1;
	[sflag:s0] =	ssyncset.done @!p0 $0x0  }
0x1bf: {  	[sflag:s0] =	ssyncadd.s32 @!p0 s1  }
0x1c0: {  	[bflag:$0x3] =	sbarrier.arrive $0xFFFF  }
0x1c1: {  	_ =	shalt  }

</sc_bundles>
